<compile_context>
chip_gen: v7x
topology: tpu7x:2x2x1
jax: 0.10.2.dev20260603
libtpu: 0.0.44.dev20260713+nightly
codegen_flags: <defaults>
</compile_context>

<pallas_src>
import functools

import jax
import jax.numpy as jnp
from jax import lax
from jax.experimental import pallas as pl
from jax.experimental.pallas import tpu as pltpu
from jax.experimental.pallas import tpu_sc as plsc

_H = 32
_W = 32
_NH = 16
_HW = _H * _W
_D = 2 * _W - 1
_NC = 2
_NS = 16
_NW = _NC * _NS
_PW = 1920


def _phase_body(th_ref, ph_ref, bank_scr):
    r = lax.broadcasted_iota(jnp.int32, (_D, _D), 0)
    c = lax.broadcasted_iota(jnp.int32, (_D, _D), 1)
    perm = (r + c == _D - 1).astype(jnp.float32)
    for i in range(4):
        xf = jax.lax.dot(
            perm,
            jax.lax.dot(th_ref[i], perm, precision=jax.lax.Precision.HIGHEST),
            precision=jax.lax.Precision.HIGHEST,
        )
        for w in range(_W):
            bank_scr[i, w] = xf[:, 31 - w : 63 - w]
    x = bank_scr[...].reshape(128, _D * _W)
    for p in range(4):
        ph_ref[p] = x[:, 32 * p : 32 * p + _PW]


def _build_phases(th):
    return pl.pallas_call(
        _phase_body,
        grid=(4,),
        in_specs=[pl.BlockSpec((4, _D, _D), lambda r: (r, 0, 0))],
        out_specs=pl.BlockSpec((4, 128, _PW), lambda r: (0, r, 0)),
        out_shape=jax.ShapeDtypeStruct((4, _NH * _W, _PW), jnp.float32),
        scratch_shapes=[pltpu.VMEM((4, _W, _D, _W), jnp.float32)],
    )(th)


_sc_mesh = plsc.VectorSubcoreMesh(core_axis_name="c", subcore_axis_name="s")


@functools.partial(
    pl.kernel,
    mesh=_sc_mesh,
    out_type=jax.ShapeDtypeStruct((1, _NH, _HW, _HW), jnp.float32),
    scratch_types=[
        pltpu.VMEM((_H, _PW), jnp.float32),
        pltpu.VMEM((_H, _PW), jnp.float32),
        pltpu.SemaphoreType.DMA,
        pltpu.SemaphoreType.DMA,
        pltpu.SemaphoreType.DMA,
        pltpu.SemaphoreType.DMA,
    ],
    compiler_params=pltpu.CompilerParams(use_tc_tiling_on_sc=True),
)
def _stage_b(ph_hbm, out_hbm, buf0, buf1, isem0, isem1, osem0, osem1):
    wid = lax.axis_index("s") * _NC + lax.axis_index("c")
    h = wid // 2
    hi_base = (wid % 2) * 16
    bufs = (buf0, buf1)
    isems = (isem0, isem1)
    osems = (osem0, osem1)

    groups = [(p, [t for t in range(16) if (3 - t) % 4 == p]) for p in range(4)]

    def read_phase(gi, b):
        p = groups[gi][0]
        return pltpu.async_copy(
            ph_hbm.at[p, pl.ds(h * _W, _W), :], bufs[b], isems[b]
        )

    ins = {0: read_phase(0, 0)}
    pending = {0: [], 1: []}
    for gi in range(4):
        b = gi & 1
        nb = b ^ 1
        if gi + 1 < 4:
            for hnd in pending[nb]:
                hnd.wait()
            pending[nb] = []
            ins[gi + 1] = read_phase(gi + 1, nb)
        ins[gi].wait()
        writes = []
        for t in groups[gi][1]:
            hi = hi_base + t
            q = (31 - hi) // 4
            writes.append(
                pltpu.async_copy(
                    bufs[b].at[:, pl.ds(q * 128, _HW)],
                    out_hbm.at[0, h, pl.ds(hi * _W, _W), :],
                    osems[b],
                )
            )
        pending[b] = writes
    for hnd in pending[0] + pending[1]:
        hnd.wait()


def kernel(relative_bias_table, relative_index):
    del relative_index
    th = relative_bias_table.T.reshape(_NH, _D, _D)
    phases = _build_phases(th)
    return _stage_b(phases)

# --- scband reference (transcript-rebuilt; emitter-appended) ---
"""Pipeline reference for scband-relative-position-bias2-d-63891933495614 (READ-ONLY COPY).

The authoritative reference and input builder live on the scoring server;
editing this copy changes nothing except your own understanding.
"""

import jax, jax.numpy as jnp
import numpy as np

HEIGHT = 32
WIDTH = 32
NUM_HEADS = 16


def _build_relative_index(height, width):
    coords_h = np.arange(height)
    coords_w = np.arange(width)
    gh, gw = np.meshgrid(coords_h, coords_w, indexing='ij')
    coords = np.stack([gh, gw], axis=-1).reshape(-1, 2)  # (HW, 2)
    relative_coords = coords[:, None, :] - coords[None, :, :]  # (HW, HW, 2)
    relative_coords[..., 0] += height - 1
    relative_coords[..., 1] += width - 1
    relative_index = relative_coords[..., 0] * (2 * width - 1) + relative_coords[..., 1]
    return relative_index.astype(np.int64)


def setup_inputs(seed: int = 0) -> dict:
    key = jax.random.key(seed)
    table_size = (2 * HEIGHT - 1) * (2 * WIDTH - 1)
    relative_bias_table = jax.random.normal(key, (table_size, NUM_HEADS), dtype=jnp.float32) * 0.02
    relative_index = jnp.asarray(_build_relative_index(HEIGHT, WIDTH))
    return {"relative_bias_table": relative_bias_table, "relative_index": relative_index}


def reference(relative_bias_table, relative_index):
    hw = HEIGHT * WIDTH
    flat_idx = relative_index.reshape(-1)  # (HW*HW,)
    bias = jnp.take(relative_bias_table, flat_idx, axis=0)  # (HW*HW, num_heads)
    bias = bias.reshape(hw, hw, NUM_HEADS)
    bias = jnp.transpose(bias, (2, 0, 1))[None, ...]  # (1, num_heads, HW, HW)
    return bias

if __name__ == "__main__":
    import jax
    _d = setup_inputs()
    print(jax.jit(kernel)(*tuple(_d.values())))

</pallas_src>

<mosaic_0001>
#map = affine_map<(d0, d1) -> (0, 0, 0)>
#map1 = affine_map<(d0, d1) -> (0, 0, 0, 0)>
module attributes {stable_mosaic.version = 14 : i64} {
  func.func @_stage_b(%arg0: i32, %arg1: i32, %arg2: memref<4x512x1920xf32, #tpu.memory_space<hbm>>, %arg3: memref<1x16x1024x1024xf32, #tpu.memory_space<hbm>>, %arg4: memref<32x1920xf32, #tpu.memory_space<vmem>>, %arg5: memref<32x1920xf32, #tpu.memory_space<vmem>>, %arg6: memref<!tpu.dma_semaphore, #tpu.memory_space<semaphore_mem>>, %arg7: memref<!tpu.dma_semaphore, #tpu.memory_space<semaphore_mem>>, %arg8: memref<!tpu.dma_semaphore, #tpu.memory_space<semaphore_mem>>, %arg9: memref<!tpu.dma_semaphore, #tpu.memory_space<semaphore_mem>>) attributes {dimension_semantics = [#tpu.dimension_semantics<core_parallel>, #tpu.dimension_semantics<subcore_parallel>], iteration_bounds = array<i64: 2, 16>, scalar_prefetch = 0 : i64, scratch_operands = 6 : i64, tpu.core_type = #tpu.core_type<sc_vector_subcore>, window_params = [{transform_indices = #map}, {transform_indices = #map1}]} {
    %mul3A = arith.constant 2 : i32
    %mul3A_0 = arith.muli %arg1, %mul3A : i32
    %add3A = arith.addi %mul3A_0, %arg0 : i32
    %jit3A = arith.constant 2 : i32
    %div3A = arith.divsi %add3A, %jit3A : i32
    %sign3A = arith.constant 0 : i32
    %sign3A_1 = arith.cmpi sgt, %add3A, %sign3A : i32
    %sign3A_2 = arith.extui %sign3A_1 : i1 to i32
    %sign3A_3 = arith.constant 0 : i32
    %sign3A_4 = arith.cmpi slt, %add3A, %sign3A_3 : i32
    %sign3A_5 = arith.extui %sign3A_4 : i1 to i32
    %sign3A_6 = arith.subi %sign3A_2, %sign3A_5 : i32
    %sign3A_7 = arith.constant 0 : i32
    %sign3A_8 = arith.cmpi sgt, %jit3A, %sign3A_7 : i32
    %sign3A_9 = arith.extui %sign3A_8 : i1 to i32
    %sign3A_10 = arith.constant 0 : i32
    %sign3A_11 = arith.cmpi slt, %jit3A, %sign3A_10 : i32
    %sign3A_12 = arith.extui %sign3A_11 : i1 to i32
    %sign3A_13 = arith.subi %sign3A_9, %sign3A_12 : i32
    %ne3A = arith.cmpi ne, %sign3A_6, %sign3A_13 : i32
    %rem3A = arith.remsi %add3A, %jit3A : i32
    %ne3A_14 = arith.constant 0 : i32
    %ne3A_15 = arith.cmpi ne, %rem3A, %ne3A_14 : i32
    %and3A = arith.andi %ne3A, %ne3A_15 : i1
    %sub3A = arith.constant 1 : i32
    %sub3A_16 = arith.subi %div3A, %sub3A : i32
    %select_n3A = arith.select %and3A, %sub3A_16, %div3A : i32
    %jit3A_17 = arith.constant 2 : i32
    %eq3A = arith.constant 0 : i32
    %eq3A_18 = arith.cmpi eq, %jit3A_17, %eq3A : i32
    %jit3A_19 = arith.constant 1 : i32
    %select_n3A_20 = arith.select %eq3A_18, %jit3A_19, %jit3A_17 : i32
    %rem3A_21 = arith.remsi %add3A, %select_n3A_20 : i32
    %ne3A_22 = arith.constant 0 : i32
    %ne3A_23 = arith.cmpi ne, %rem3A_21, %ne3A_22 : i32
    %lt3A = arith.constant 0 : i32
    %lt3A_24 = arith.cmpi slt, %rem3A_21, %lt3A : i32
    %lt3A_25 = arith.constant 0 : i32
    %lt3A_26 = arith.cmpi slt, %select_n3A_20, %lt3A_25 : i32
    %ne3A_27 = arith.xori %lt3A_24, %lt3A_26 : i1
    %and3A_28 = arith.andi %ne3A_27, %ne3A_23 : i1
    %add3A_29 = arith.addi %rem3A_21, %select_n3A_20 : i32
    %select_n3A_30 = arith.select %and3A_28, %add3A_29, %rem3A_21 : i32
    %mul3A_31 = arith.constant 16 : i32
    %mul3A_32 = arith.muli %select_n3A_30, %mul3A_31 : i32
    %mul3A_33 = arith.constant 32 : i32
    %mul3A_34 = arith.muli %select_n3A, %mul3A_33 : i32
    %dma_start3A = arith.constant 0 : i32
    %dma_start3A_35 = arith.constant 0 : i32
    %dma_start3A_36 = tpu.memref_slice %arg2[%dma_start3A, %mul3A_34, %dma_start3A_35] : memref<4x512x1920xf32, #tpu.memory_space<hbm>> -> memref<1x32x1920xf32, #tpu.memory_space<hbm>>
    %dma_start3A_37 = tpu.memref_squeeze %dma_start3A_36 : memref<1x32x1920xf32, #tpu.memory_space<hbm>> -> memref<32x1920xf32, #tpu.memory_space<hbm>>
    %dma_start3A_38 = arith.constant 0 : i32
    %dma_start3A_39 = tpu.memref_slice %arg2[%dma_start3A, %mul3A_34, %dma_start3A_38] : memref<4x512x1920xf32, #tpu.memory_space<hbm>> -> memref<1x32x1920xf32, #tpu.memory_space<hbm>>
    %dma_start3A_40 = tpu.memref_squeeze %dma_start3A_39 : memref<1x32x1920xf32, #tpu.memory_space<hbm>> -> memref<32x1920xf32, #tpu.memory_space<hbm>>
    tpu.enqueue_dma source(%dma_start3A_40 : memref<32x1920xf32, #tpu.memory_space<hbm>>) target(%arg4 : memref<32x1920xf32, #tpu.memory_space<vmem>>) target_semaphore(%arg6 : memref<!tpu.dma_semaphore, #tpu.memory_space<semaphore_mem>>)
    %mul3A_41 = arith.constant 32 : i32
    %mul3A_42 = arith.muli %select_n3A, %mul3A_41 : i32
    %dma_start3A_43 = arith.constant 1 : i32
    %dma_start3A_44 = arith.constant 0 : i32
    %dma_start3A_45 = tpu.memref_slice %arg2[%dma_start3A_43, %mul3A_42, %dma_start3A_44] : memref<4x512x1920xf32, #tpu.memory_space<hbm>> -> memref<1x32x1920xf32, #tpu.memory_space<hbm>>
    %dma_start3A_46 = tpu.memref_squeeze %dma_start3A_45 : memref<1x32x1920xf32, #tpu.memory_space<hbm>> -> memref<32x1920xf32, #tpu.memory_space<hbm>>
    %dma_start3A_47 = arith.constant 0 : i32
    %dma_start3A_48 = tpu.memref_slice %arg2[%dma_start3A_43, %mul3A_42, %dma_start3A_47] : memref<4x512x1920xf32, #tpu.memory_space<hbm>> -> memref<1x32x1920xf32, #tpu.memory_space<hbm>>
    %dma_start3A_49 = tpu.memref_squeeze %dma_start3A_48 : memref<1x32x1920xf32, #tpu.memory_space<hbm>> -> memref<32x1920xf32, #tpu.memory_space<hbm>>
    tpu.enqueue_dma source(%dma_start3A_49 : memref<32x1920xf32, #tpu.memory_space<hbm>>) target(%arg5 : memref<32x1920xf32, #tpu.memory_space<vmem>>) target_semaphore(%arg7 : memref<!tpu.dma_semaphore, #tpu.memory_space<semaphore_mem>>)
    %dma_wait3A = arith.constant 0 : i32
    %dma_wait3A_50 = arith.constant 0 : i32
    %dma_wait3A_51 = tpu.memref_slice %arg2[%dma_wait3A, %mul3A_34, %dma_wait3A_50] : memref<4x512x1920xf32, #tpu.memory_space<hbm>> -> memref<1x32x1920xf32, #tpu.memory_space<hbm>>
    %dma_wait3A_52 = tpu.memref_squeeze %dma_wait3A_51 : memref<1x32x1920xf32, #tpu.memory_space<hbm>> -> memref<32x1920xf32, #tpu.memory_space<hbm>>
    %dma_wait3A_53 = arith.constant 0 : i32
    %dma_wait3A_54 = tpu.memref_slice %arg2[%dma_wait3A, %mul3A_34, %dma_wait3A_53] : memref<4x512x1920xf32, #tpu.memory_space<hbm>> -> memref<1x32x1920xf32, #tpu.memory_space<hbm>>
    %dma_wait3A_55 = tpu.memref_squeeze %dma_wait3A_54 : memref<1x32x1920xf32, #tpu.memory_space<hbm>> -> memref<32x1920xf32, #tpu.memory_space<hbm>>
    tpu.wait_dma2 semaphore(%arg6 : memref<!tpu.dma_semaphore, #tpu.memory_space<semaphore_mem>>) src(%dma_wait3A_55 : memref<32x1920xf32, #tpu.memory_space<hbm>>) dst(%arg4 : memref<32x1920xf32, #tpu.memory_space<vmem>>)
    %add3A_56 = arith.constant 3 : i32
    %add3A_57 = arith.addi %mul3A_32, %add3A_56 : i32
    %sub3A_58 = arith.constant 31 : i32
    %sub3A_59 = arith.subi %sub3A_58, %add3A_57 : i32
    %jit3A_60 = arith.constant 4 : i32
    %div3A_61 = arith.divsi %sub3A_59, %jit3A_60 : i32
    %sign3A_62 = arith.constant 0 : i32
    %sign3A_63 = arith.cmpi sgt, %sub3A_59, %sign3A_62 : i32
    %sign3A_64 = arith.extui %sign3A_63 : i1 to i32
    %sign3A_65 = arith.constant 0 : i32
    %sign3A_66 = arith.cmpi slt, %sub3A_59, %sign3A_65 : i32
    %sign3A_67 = arith.extui %sign3A_66 : i1 to i32
    %sign3A_68 = arith.subi %sign3A_64, %sign3A_67 : i32
    %sign3A_69 = arith.constant 0 : i32
    %sign3A_70 = arith.cmpi sgt, %jit3A_60, %sign3A_69 : i32
    %sign3A_71 = arith.extui %sign3A_70 : i1 to i32
    %sign3A_72 = arith.constant 0 : i32
    %sign3A_73 = arith.cmpi slt, %jit3A_60, %sign3A_72 : i32
    %sign3A_74 = arith.extui %sign3A_73 : i1 to i32
    %sign3A_75 = arith.subi %sign3A_71, %sign3A_74 : i32
    %ne3A_76 = arith.cmpi ne, %sign3A_68, %sign3A_75 : i32
    %rem3A_77 = arith.remsi %sub3A_59, %jit3A_60 : i32
    %ne3A_78 = arith.constant 0 : i32
    %ne3A_79 = arith.cmpi ne, %rem3A_77, %ne3A_78 : i32
    %and3A_80 = arith.andi %ne3A_76, %ne3A_79 : i1
    %sub3A_81 = arith.constant 1 : i32
    %sub3A_82 = arith.subi %div3A_61, %sub3A_81 : i32
    %select_n3A_83 = arith.select %and3A_80, %sub3A_82, %div3A_61 : i32
    %mul3A_84 = arith.constant 128 : i32
    %mul3A_85 = arith.muli %select_n3A_83, %mul3A_84 : i32
    %mul3A_86 = arith.constant 32 : i32
    %mul3A_87 = arith.muli %add3A_57, %mul3A_86 : i32
    %dma_start3A_88 = arith.constant 0 : i32
    %dma_start3A_89 = arith.constant 0 : i32
    %dma_start3A_90 = tpu.memref_slice %arg4[%dma_start3A_89, %mul3A_85] : memref<32x1920xf32, #tpu.memory_space<vmem>> -> memref<32x1024xf32, #tpu.memory_space<vmem>>
    %dma_start3A_91 = arith.constant 0 : i32
    %dma_start3A_92 = tpu.memref_slice %arg3[%dma_start3A_88, %select_n3A, %mul3A_87, %dma_start3A_91] : memref<1x16x1024x1024xf32, #tpu.memory_space<hbm>> -> memref<1x1x32x1024xf32, #tpu.memory_space<hbm>>
    %dma_start3A_93 = tpu.memref_squeeze %dma_start3A_92 : memref<1x1x32x1024xf32, #tpu.memory_space<hbm>> -> memref<32x1024xf32, #tpu.memory_space<hbm>>
    %dma_start3A_94 = arith.constant 0 : i32
    %dma_start3A_95 = tpu.memref_slice %arg3[%dma_start3A_88, %select_n3A, %mul3A_87, %dma_start3A_94] : memref<1x16x1024x1024xf32, #tpu.memory_space<hbm>> -> memref<1x1x32x1024xf32, #tpu.memory_space<hbm>>
    %dma_start3A_96 = tpu.memref_squeeze %dma_start3A_95 : memref<1x1x32x1024xf32, #tpu.memory_space<hbm>> -> memref<32x1024xf32, #tpu.memory_space<hbm>>
    %dma_start3A_97 = arith.constant 0 : i32
    %dma_start3A_98 = tpu.memref_slice %arg4[%dma_start3A_97, %mul3A_85] : memref<32x1920xf32, #tpu.memory_space<vmem>> -> memref<32x1024xf32, #tpu.memory_space<vmem>>
    tpu.enqueue_dma source(%dma_start3A_98 : memref<32x1024xf32, #tpu.memory_space<vmem>>) target(%dma_start3A_96 : memref<32x1024xf32, #tpu.memory_space<hbm>>) target_semaphore(%arg8 : memref<!tpu.dma_semaphore, #tpu.memory_space<semaphore_mem>>)
    %add3A_99 = arith.constant 7 : i32
    %add3A_100 = arith.addi %mul3A_32, %add3A_99 : i32
    %sub3A_101 = arith.constant 31 : i32
    %sub3A_102 = arith.subi %sub3A_101, %add3A_100 : i32
    %jit3A_103 = arith.constant 4 : i32
    %div3A_104 = arith.divsi %sub3A_102, %jit3A_103 : i32
    %sign3A_105 = arith.constant 0 : i32
    %sign3A_106 = arith.cmpi sgt, %sub3A_102, %sign3A_105 : i32
    %sign3A_107 = arith.extui %sign3A_106 : i1 to i32
    %sign3A_108 = arith.constant 0 : i32
    %sign3A_109 = arith.cmpi slt, %sub3A_102, %sign3A_108 : i32
    %sign3A_110 = arith.extui %sign3A_109 : i1 to i32
    %sign3A_111 = arith.subi %sign3A_107, %sign3A_110 : i32
    %sign3A_112 = arith.constant 0 : i32
    %sign3A_113 = arith.cmpi sgt, %jit3A_103, %sign3A_112 : i32
    %sign3A_114 = arith.extui %sign3A_113 : i1 to i32
    %sign3A_115 = arith.constant 0 : i32
    %sign3A_116 = arith.cmpi slt, %jit3A_103, %sign3A_115 : i32
    %sign3A_117 = arith.extui %sign3A_116 : i1 to i32
    %sign3A_118 = arith.subi %sign3A_114, %sign3A_117 : i32
    %ne3A_119 = arith.cmpi ne, %sign3A_111, %sign3A_118 : i32
    %rem3A_120 = arith.remsi %sub3A_102, %jit3A_103 : i32
    %ne3A_121 = arith.constant 0 : i32
    %ne3A_122 = arith.cmpi ne, %rem3A_120, %ne3A_121 : i32
    %and3A_123 = arith.andi %ne3A_119, %ne3A_122 : i1
    %sub3A_124 = arith.constant 1 : i32
    %sub3A_125 = arith.subi %div3A_104, %sub3A_124 : i32
    %select_n3A_126 = arith.select %and3A_123, %sub3A_125, %div3A_104 : i32
    %mul3A_127 = arith.constant 128 : i32
    %mul3A_128 = arith.muli %select_n3A_126, %mul3A_127 : i32
    %mul3A_129 = arith.constant 32 : i32
    %mul3A_130 = arith.muli %add3A_100, %mul3A_129 : i32
    %dma_start3A_131 = arith.constant 0 : i32
    %dma_start3A_132 = arith.constant 0 : i32
    %dma_start3A_133 = tpu.memref_slice %arg4[%dma_start3A_132, %mul3A_128] : memref<32x1920xf32, #tpu.memory_space<vmem>> -> memref<32x1024xf32, #tpu.memory_space<vmem>>
    %dma_start3A_134 = arith.constant 0 : i32
    %dma_start3A_135 = tpu.memref_slice %arg3[%dma_start3A_131, %select_n3A, %mul3A_130, %dma_start3A_134] : memref<1x16x1024x1024xf32, #tpu.memory_space<hbm>> -> memref<1x1x32x1024xf32, #tpu.memory_space<hbm>>
    %dma_start3A_136 = tpu.memref_squeeze %dma_start3A_135 : memref<1x1x32x1024xf32, #tpu.memory_space<hbm>> -> memref<32x1024xf32, #tpu.memory_space<hbm>>
    %dma_start3A_137 = arith.constant 0 : i32
    %dma_start3A_138 = tpu.memref_slice %arg3[%dma_start3A_131, %select_n3A, %mul3A_130, %dma_start3A_137] : memref<1x16x1024x1024xf32, #tpu.memory_space<hbm>> -> memref<1x1x32x1024xf32, #tpu.memory_space<hbm>>
    %dma_start3A_139 = tpu.memref_squeeze %dma_start3A_138 : memref<1x1x32x1024xf32, #tpu.memory_space<hbm>> -> memref<32x1024xf32, #tpu.memory_space<hbm>>
    %dma_start3A_140 = arith.constant 0 : i32
    %dma_start3A_141 = tpu.memref_slice %arg4[%dma_start3A_140, %mul3A_128] : memref<32x1920xf32, #tpu.memory_space<vmem>> -> memref<32x1024xf32, #tpu.memory_space<vmem>>
    tpu.enqueue_dma source(%dma_start3A_141 : memref<32x1024xf32, #tpu.memory_space<vmem>>) target(%dma_start3A_139 : memref<32x1024xf32, #tpu.memory_space<hbm>>) target_semaphore(%arg8 : memref<!tpu.dma_semaphore, #tpu.memory_space<semaphore_mem>>)
    %add3A_142 = arith.constant 11 : i32
    %add3A_143 = arith.addi %mul3A_32, %add3A_142 : i32
    %sub3A_144 = arith.constant 31 : i32
    %sub3A_145 = arith.subi %sub3A_144, %add3A_143 : i32
    %jit3A_146 = arith.constant 4 : i32
    %div3A_147 = arith.divsi %sub3A_145, %jit3A_146 : i32
    %sign3A_148 = arith.constant 0 : i32
    %sign3A_149 = arith.cmpi sgt, %sub3A_145, %sign3A_148 : i32
    %sign3A_150 = arith.extui %sign3A_149 : i1 to i32
    %sign3A_151 = arith.constant 0 : i32
    %sign3A_152 = arith.cmpi slt, %sub3A_145, %sign3A_151 : i32
    %sign3A_153 = arith.extui %sign3A_152 : i1 to i32
    %sign3A_154 = arith.subi %sign3A_150, %sign3A_153 : i32
    %sign3A_155 = arith.constant 0 : i32
    %sign3A_156 = arith.cmpi sgt, %jit3A_146, %sign3A_155 : i32
    %sign3A_157 = arith.extui %sign3A_156 : i1 to i32
    %sign3A_158 = arith.constant 0 : i32
    %sign3A_159 = arith.cmpi slt, %jit3A_146, %sign3A_158 : i32
    %sign3A_160 = arith.extui %sign3A_159 : i1 to i32
    %sign3A_161 = arith.subi %sign3A_157, %sign3A_160 : i32
    %ne3A_162 = arith.cmpi ne, %sign3A_154, %sign3A_161 : i32
    %rem3A_163 = arith.remsi %sub3A_145, %jit3A_146 : i32
    %ne3A_164 = arith.constant 0 : i32
    %ne3A_165 = arith.cmpi ne, %rem3A_163, %ne3A_164 : i32
    %and3A_166 = arith.andi %ne3A_162, %ne3A_165 : i1
    %sub3A_167 = arith.constant 1 : i32
    %sub3A_168 = arith.subi %div3A_147, %sub3A_167 : i32
    %select_n3A_169 = arith.select %and3A_166, %sub3A_168, %div3A_147 : i32
    %mul3A_170 = arith.constant 128 : i32
    %mul3A_171 = arith.muli %select_n3A_169, %mul3A_170 : i32
    %mul3A_172 = arith.constant 32 : i32
    %mul3A_173 = arith.muli %add3A_143, %mul3A_172 : i32
    %dma_start3A_174 = arith.constant 0 : i32
    %dma_start3A_175 = arith.constant 0 : i32
    %dma_start3A_176 = tpu.memref_slice %arg4[%dma_start3A_175, %mul3A_171] : memref<32x1920xf32, #tpu.memory_space<vmem>> -> memref<32x1024xf32, #tpu.memory_space<vmem>>
    %dma_start3A_177 = arith.constant 0 : i32
    %dma_start3A_178 = tpu.memref_slice %arg3[%dma_start3A_174, %select_n3A, %mul3A_173, %dma_start3A_177] : memref<1x16x1024x1024xf32, #tpu.memory_space<hbm>> -> memref<1x1x32x1024xf32, #tpu.memory_space<hbm>>
    %dma_start3A_179 = tpu.memref_squeeze %dma_start3A_178 : memref<1x1x32x1024xf32, #tpu.memory_space<hbm>> -> memref<32x1024xf32, #tpu.memory_space<hbm>>
    %dma_start3A_180 = arith.constant 0 : i32
    %dma_start3A_181 = tpu.memref_slice %arg3[%dma_start3A_174, %select_n3A, %mul3A_173, %dma_start3A_180] : memref<1x16x1024x1024xf32, #tpu.memory_space<hbm>> -> memref<1x1x32x1024xf32, #tpu.memory_space<hbm>>
    %dma_start3A_182 = tpu.memref_squeeze %dma_start3A_181 : memref<1x1x32x1024xf32, #tpu.memory_space<hbm>> -> memref<32x1024xf32, #tpu.memory_space<hbm>>
    %dma_start3A_183 = arith.constant 0 : i32
    %dma_start3A_184 = tpu.memref_slice %arg4[%dma_start3A_183, %mul3A_171] : memref<32x1920xf32, #tpu.memory_space<vmem>> -> memref<32x1024xf32, #tpu.memory_space<vmem>>
    tpu.enqueue_dma source(%dma_start3A_184 : memref<32x1024xf32, #tpu.memory_space<vmem>>) target(%dma_start3A_182 : memref<32x1024xf32, #tpu.memory_space<hbm>>) target_semaphore(%arg8 : memref<!tpu.dma_semaphore, #tpu.memory_space<semaphore_mem>>)
    %add3A_185 = arith.constant 15 : i32
    %add3A_186 = arith.addi %mul3A_32, %add3A_185 : i32
    %sub3A_187 = arith.constant 31 : i32
    %sub3A_188 = arith.subi %sub3A_187, %add3A_186 : i32
    %jit3A_189 = arith.constant 4 : i32
    %div3A_190 = arith.divsi %sub3A_188, %jit3A_189 : i32
    %sign3A_191 = arith.constant 0 : i32
    %sign3A_192 = arith.cmpi sgt, %sub3A_188, %sign3A_191 : i32
    %sign3A_193 = arith.extui %sign3A_192 : i1 to i32
    %sign3A_194 = arith.constant 0 : i32
    %sign3A_195 = arith.cmpi slt, %sub3A_188, %sign3A_194 : i32
    %sign3A_196 = arith.extui %sign3A_195 : i1 to i32
    %sign3A_197 = arith.subi %sign3A_193, %sign3A_196 : i32
    %sign3A_198 = arith.constant 0 : i32
    %sign3A_199 = arith.cmpi sgt, %jit3A_189, %sign3A_198 : i32
    %sign3A_200 = arith.extui %sign3A_199 : i1 to i32
    %sign3A_201 = arith.constant 0 : i32
    %sign3A_202 = arith.cmpi slt, %jit3A_189, %sign3A_201 : i32
    %sign3A_203 = arith.extui %sign3A_202 : i1 to i32
    %sign3A_204 = arith.subi %sign3A_200, %sign3A_203 : i32
    %ne3A_205 = arith.cmpi ne, %sign3A_197, %sign3A_204 : i32
    %rem3A_206 = arith.remsi %sub3A_188, %jit3A_189 : i32
    %ne3A_207 = arith.constant 0 : i32
    %ne3A_208 = arith.cmpi ne, %rem3A_206, %ne3A_207 : i32
    %and3A_209 = arith.andi %ne3A_205, %ne3A_208 : i1
    %sub3A_210 = arith.constant 1 : i32
    %sub3A_211 = arith.subi %div3A_190, %sub3A_210 : i32
    %select_n3A_212 = arith.select %and3A_209, %sub3A_211, %div3A_190 : i32
    %mul3A_213 = arith.constant 128 : i32
    %mul3A_214 = arith.muli %select_n3A_212, %mul3A_213 : i32
    %mul3A_215 = arith.constant 32 : i32
    %mul3A_216 = arith.muli %add3A_186, %mul3A_215 : i32
    %dma_start3A_217 = arith.constant 0 : i32
    %dma_start3A_218 = arith.constant 0 : i32
    %dma_start3A_219 = tpu.memref_slice %arg4[%dma_start3A_218, %mul3A_214] : memref<32x1920xf32, #tpu.memory_space<vmem>> -> memref<32x1024xf32, #tpu.memory_space<vmem>>
    %dma_start3A_220 = arith.constant 0 : i32
    %dma_start3A_221 = tpu.memref_slice %arg3[%dma_start3A_217, %select_n3A, %mul3A_216, %dma_start3A_220] : memref<1x16x1024x1024xf32, #tpu.memory_space<hbm>> -> memref<1x1x32x1024xf32, #tpu.memory_space<hbm>>
    %dma_start3A_222 = tpu.memref_squeeze %dma_start3A_221 : memref<1x1x32x1024xf32, #tpu.memory_space<hbm>> -> memref<32x1024xf32, #tpu.memory_space<hbm>>
    %dma_start3A_223 = arith.constant 0 : i32
    %dma_start3A_224 = tpu.memref_slice %arg3[%dma_start3A_217, %select_n3A, %mul3A_216, %dma_start3A_223] : memref<1x16x1024x1024xf32, #tpu.memory_space<hbm>> -> memref<1x1x32x1024xf32, #tpu.memory_space<hbm>>
    %dma_start3A_225 = tpu.memref_squeeze %dma_start3A_224 : memref<1x1x32x1024xf32, #tpu.memory_space<hbm>> -> memref<32x1024xf32, #tpu.memory_space<hbm>>
    %dma_start3A_226 = arith.constant 0 : i32
    %dma_start3A_227 = tpu.memref_slice %arg4[%dma_start3A_226, %mul3A_214] : memref<32x1920xf32, #tpu.memory_space<vmem>> -> memref<32x1024xf32, #tpu.memory_space<vmem>>
    tpu.enqueue_dma source(%dma_start3A_227 : memref<32x1024xf32, #tpu.memory_space<vmem>>) target(%dma_start3A_225 : memref<32x1024xf32, #tpu.memory_space<hbm>>) target_semaphore(%arg8 : memref<!tpu.dma_semaphore, #tpu.memory_space<semaphore_mem>>)
    %dma_wait3A_228 = arith.constant 0 : i32
    %dma_wait3A_229 = arith.constant 0 : i32
    %dma_wait3A_230 = tpu.memref_slice %arg4[%dma_wait3A_229, %mul3A_85] : memref<32x1920xf32, #tpu.memory_space<vmem>> -> memref<32x1024xf32, #tpu.memory_space<vmem>>
    %dma_wait3A_231 = arith.constant 0 : i32
    %dma_wait3A_232 = tpu.memref_slice %arg3[%dma_wait3A_228, %select_n3A, %mul3A_87, %dma_wait3A_231] : memref<1x16x1024x1024xf32, #tpu.memory_space<hbm>> -> memref<1x1x32x1024xf32, #tpu.memory_space<hbm>>
    %dma_wait3A_233 = tpu.memref_squeeze %dma_wait3A_232 : memref<1x1x32x1024xf32, #tpu.memory_space<hbm>> -> memref<32x1024xf32, #tpu.memory_space<hbm>>
    %dma_wait3A_234 = arith.constant 0 : i32
    %dma_wait3A_235 = tpu.memref_slice %arg3[%dma_wait3A_228, %select_n3A, %mul3A_87, %dma_wait3A_234] : memref<1x16x1024x1024xf32, #tpu.memory_space<hbm>> -> memref<1x1x32x1024xf32, #tpu.memory_space<hbm>>
    %dma_wait3A_236 = tpu.memref_squeeze %dma_wait3A_235 : memref<1x1x32x1024xf32, #tpu.memory_space<hbm>> -> memref<32x1024xf32, #tpu.memory_space<hbm>>
    %dma_wait3A_237 = arith.constant 0 : i32
    %dma_wait3A_238 = tpu.memref_slice %arg4[%dma_wait3A_237, %mul3A_85] : memref<32x1920xf32, #tpu.memory_space<vmem>> -> memref<32x1024xf32, #tpu.memory_space<vmem>>
    tpu.wait_dma2 semaphore(%arg8 : memref<!tpu.dma_semaphore, #tpu.memory_space<semaphore_mem>>) src(%dma_wait3A_238 : memref<32x1024xf32, #tpu.memory_space<vmem>>) dst(%dma_wait3A_236 : memref<32x1024xf32, #tpu.memory_space<hbm>>)
    %dma_wait3A_239 = arith.constant 0 : i32
    %dma_wait3A_240 = arith.constant 0 : i32
    %dma_wait3A_241 = tpu.memref_slice %arg4[%dma_wait3A_240, %mul3A_128] : memref<32x1920xf32, #tpu.memory_space<vmem>> -> memref<32x1024xf32, #tpu.memory_space<vmem>>
    %dma_wait3A_242 = arith.constant 0 : i32
    %dma_wait3A_243 = tpu.memref_slice %arg3[%dma_wait3A_239, %select_n3A, %mul3A_130, %dma_wait3A_242] : memref<1x16x1024x1024xf32, #tpu.memory_space<hbm>> -> memref<1x1x32x1024xf32, #tpu.memory_space<hbm>>
    %dma_wait3A_244 = tpu.memref_squeeze %dma_wait3A_243 : memref<1x1x32x1024xf32, #tpu.memory_space<hbm>> -> memref<32x1024xf32, #tpu.memory_space<hbm>>
    %dma_wait3A_245 = arith.constant 0 : i32
    %dma_wait3A_246 = tpu.memref_slice %arg3[%dma_wait3A_239, %select_n3A, %mul3A_130, %dma_wait3A_245] : memref<1x16x1024x1024xf32, #tpu.memory_space<hbm>> -> memref<1x1x32x1024xf32, #tpu.memory_space<hbm>>
    %dma_wait3A_247 = tpu.memref_squeeze %dma_wait3A_246 : memref<1x1x32x1024xf32, #tpu.memory_space<hbm>> -> memref<32x1024xf32, #tpu.memory_space<hbm>>
    %dma_wait3A_248 = arith.constant 0 : i32
    %dma_wait3A_249 = tpu.memref_slice %arg4[%dma_wait3A_248, %mul3A_128] : memref<32x1920xf32, #tpu.memory_space<vmem>> -> memref<32x1024xf32, #tpu.memory_space<vmem>>
    tpu.wait_dma2 semaphore(%arg8 : memref<!tpu.dma_semaphore, #tpu.memory_space<semaphore_mem>>) src(%dma_wait3A_249 : memref<32x1024xf32, #tpu.memory_space<vmem>>) dst(%dma_wait3A_247 : memref<32x1024xf32, #tpu.memory_space<hbm>>)
    %dma_wait3A_250 = arith.constant 0 : i32
    %dma_wait3A_251 = arith.constant 0 : i32
    %dma_wait3A_252 = tpu.memref_slice %arg4[%dma_wait3A_251, %mul3A_171] : memref<32x1920xf32, #tpu.memory_space<vmem>> -> memref<32x1024xf32, #tpu.memory_space<vmem>>
    %dma_wait3A_253 = arith.constant 0 : i32
    %dma_wait3A_254 = tpu.memref_slice %arg3[%dma_wait3A_250, %select_n3A, %mul3A_173, %dma_wait3A_253] : memref<1x16x1024x1024xf32, #tpu.memory_space<hbm>> -> memref<1x1x32x1024xf32, #tpu.memory_space<hbm>>
    %dma_wait3A_255 = tpu.memref_squeeze %dma_wait3A_254 : memref<1x1x32x1024xf32, #tpu.memory_space<hbm>> -> memref<32x1024xf32, #tpu.memory_space<hbm>>
    %dma_wait3A_256 = arith.constant 0 : i32
    %dma_wait3A_257 = tpu.memref_slice %arg3[%dma_wait3A_250, %select_n3A, %mul3A_173, %dma_wait3A_256] : memref<1x16x1024x1024xf32, #tpu.memory_space<hbm>> -> memref<1x1x32x1024xf32, #tpu.memory_space<hbm>>
    %dma_wait3A_258 = tpu.memref_squeeze %dma_wait3A_257 : memref<1x1x32x1024xf32, #tpu.memory_space<hbm>> -> memref<32x1024xf32, #tpu.memory_space<hbm>>
    %dma_wait3A_259 = arith.constant 0 : i32
    %dma_wait3A_260 = tpu.memref_slice %arg4[%dma_wait3A_259, %mul3A_171] : memref<32x1920xf32, #tpu.memory_space<vmem>> -> memref<32x1024xf32, #tpu.memory_space<vmem>>
    tpu.wait_dma2 semaphore(%arg8 : memref<!tpu.dma_semaphore, #tpu.memory_space<semaphore_mem>>) src(%dma_wait3A_260 : memref<32x1024xf32, #tpu.memory_space<vmem>>) dst(%dma_wait3A_258 : memref<32x1024xf32, #tpu.memory_space<hbm>>)
    %dma_wait3A_261 = arith.constant 0 : i32
    %dma_wait3A_262 = arith.constant 0 : i32
    %dma_wait3A_263 = tpu.memref_slice %arg4[%dma_wait3A_262, %mul3A_214] : memref<32x1920xf32, #tpu.memory_space<vmem>> -> memref<32x1024xf32, #tpu.memory_space<vmem>>
    %dma_wait3A_264 = arith.constant 0 : i32
    %dma_wait3A_265 = tpu.memref_slice %arg3[%dma_wait3A_261, %select_n3A, %mul3A_216, %dma_wait3A_264] : memref<1x16x1024x1024xf32, #tpu.memory_space<hbm>> -> memref<1x1x32x1024xf32, #tpu.memory_space<hbm>>
    %dma_wait3A_266 = tpu.memref_squeeze %dma_wait3A_265 : memref<1x1x32x1024xf32, #tpu.memory_space<hbm>> -> memref<32x1024xf32, #tpu.memory_space<hbm>>
    %dma_wait3A_267 = arith.constant 0 : i32
    %dma_wait3A_268 = tpu.memref_slice %arg3[%dma_wait3A_261, %select_n3A, %mul3A_216, %dma_wait3A_267] : memref<1x16x1024x1024xf32, #tpu.memory_space<hbm>> -> memref<1x1x32x1024xf32, #tpu.memory_space<hbm>>
    %dma_wait3A_269 = tpu.memref_squeeze %dma_wait3A_268 : memref<1x1x32x1024xf32, #tpu.memory_space<hbm>> -> memref<32x1024xf32, #tpu.memory_space<hbm>>
    %dma_wait3A_270 = arith.constant 0 : i32
    %dma_wait3A_271 = tpu.memref_slice %arg4[%dma_wait3A_270, %mul3A_214] : memref<32x1920xf32, #tpu.memory_space<vmem>> -> memref<32x1024xf32, #tpu.memory_space<vmem>>
    tpu.wait_dma2 semaphore(%arg8 : memref<!tpu.dma_semaphore, #tpu.memory_space<semaphore_mem>>) src(%dma_wait3A_271 : memref<32x1024xf32, #tpu.memory_space<vmem>>) dst(%dma_wait3A_269 : memref<32x1024xf32, #tpu.memory_space<hbm>>)
    %mul3A_272 = arith.constant 32 : i32
    %mul3A_273 = arith.muli %select_n3A, %mul3A_272 : i32
    %dma_start3A_274 = arith.constant 2 : i32
    %dma_start3A_275 = arith.constant 0 : i32
    %dma_start3A_276 = tpu.memref_slice %arg2[%dma_start3A_274, %mul3A_273, %dma_start3A_275] : memref<4x512x1920xf32, #tpu.memory_space<hbm>> -> memref<1x32x1920xf32, #tpu.memory_space<hbm>>
    %dma_start3A_277 = tpu.memref_squeeze %dma_start3A_276 : memref<1x32x1920xf32, #tpu.memory_space<hbm>> -> memref<32x1920xf32, #tpu.memory_space<hbm>>
    %dma_start3A_278 = arith.constant 0 : i32
    %dma_start3A_279 = tpu.memref_slice %arg2[%dma_start3A_274, %mul3A_273, %dma_start3A_278] : memref<4x512x1920xf32, #tpu.memory_space<hbm>> -> memref<1x32x1920xf32, #tpu.memory_space<hbm>>
    %dma_start3A_280 = tpu.memref_squeeze %dma_start3A_279 : memref<1x32x1920xf32, #tpu.memory_space<hbm>> -> memref<32x1920xf32, #tpu.memory_space<hbm>>
    tpu.enqueue_dma source(%dma_start3A_280 : memref<32x1920xf32, #tpu.memory_space<hbm>>) target(%arg4 : memref<32x1920xf32, #tpu.memory_space<vmem>>) target_semaphore(%arg6 : memref<!tpu.dma_semaphore, #tpu.memory_space<semaphore_mem>>)
    %dma_wait3A_281 = arith.constant 1 : i32
    %dma_wait3A_282 = arith.constant 0 : i32
    %dma_wait3A_283 = tpu.memref_slice %arg2[%dma_wait3A_281, %mul3A_42, %dma_wait3A_282] : memref<4x512x1920xf32, #tpu.memory_space<hbm>> -> memref<1x32x1920xf32, #tpu.memory_space<hbm>>
    %dma_wait3A_284 = tpu.memref_squeeze %dma_wait3A_283 : memref<1x32x1920xf32, #tpu.memory_space<hbm>> -> memref<32x1920xf32, #tpu.memory_space<hbm>>
    %dma_wait3A_285 = arith.constant 0 : i32
    %dma_wait3A_286 = tpu.memref_slice %arg2[%dma_wait3A_281, %mul3A_42, %dma_wait3A_285] : memref<4x512x1920xf32, #tpu.memory_space<hbm>> -> memref<1x32x1920xf32, #tpu.memory_space<hbm>>
    %dma_wait3A_287 = tpu.memref_squeeze %dma_wait3A_286 : memref<1x32x1920xf32, #tpu.memory_space<hbm>> -> memref<32x1920xf32, #tpu.memory_space<hbm>>
    tpu.wait_dma2 semaphore(%arg7 : memref<!tpu.dma_semaphore, #tpu.memory_space<semaphore_mem>>) src(%dma_wait3A_287 : memref<32x1920xf32, #tpu.memory_space<hbm>>) dst(%arg5 : memref<32x1920xf32, #tpu.memory_space<vmem>>)
    %add3A_288 = arith.constant 2 : i32
    %add3A_289 = arith.addi %mul3A_32, %add3A_288 : i32
    %sub3A_290 = arith.constant 31 : i32
    %sub3A_291 = arith.subi %sub3A_290, %add3A_289 : i32
    %jit3A_292 = arith.constant 4 : i32
    %div3A_293 = arith.divsi %sub3A_291, %jit3A_292 : i32
    %sign3A_294 = arith.constant 0 : i32
    %sign3A_295 = arith.cmpi sgt, %sub3A_291, %sign3A_294 : i32
    %sign3A_296 = arith.extui %sign3A_295 : i1 to i32
    %sign3A_297 = arith.constant 0 : i32
    %sign3A_298 = arith.cmpi slt, %sub3A_291, %sign3A_297 : i32
    %sign3A_299 = arith.extui %sign3A_298 : i1 to i32
    %sign3A_300 = arith.subi %sign3A_296, %sign3A_299 : i32
    %sign3A_301 = arith.constant 0 : i32
    %sign3A_302 = arith.cmpi sgt, %jit3A_292, %sign3A_301 : i32
    %sign3A_303 = arith.extui %sign3A_302 : i1 to i32
    %sign3A_304 = arith.constant 0 : i32
    %sign3A_305 = arith.cmpi slt, %jit3A_292, %sign3A_304 : i32
    %sign3A_306 = arith.extui %sign3A_305 : i1 to i32
    %sign3A_307 = arith.subi %sign3A_303, %sign3A_306 : i32
    %ne3A_308 = arith.cmpi ne, %sign3A_300, %sign3A_307 : i32
    %rem3A_309 = arith.remsi %sub3A_291, %jit3A_292 : i32
    %ne3A_310 = arith.constant 0 : i32
    %ne3A_311 = arith.cmpi ne, %rem3A_309, %ne3A_310 : i32
    %and3A_312 = arith.andi %ne3A_308, %ne3A_311 : i1
    %sub3A_313 = arith.constant 1 : i32
    %sub3A_314 = arith.subi %div3A_293, %sub3A_313 : i32
    %select_n3A_315 = arith.select %and3A_312, %sub3A_314, %div3A_293 : i32
    %mul3A_316 = arith.constant 128 : i32
    %mul3A_317 = arith.muli %select_n3A_315, %mul3A_316 : i32
    %mul3A_318 = arith.constant 32 : i32
    %mul3A_319 = arith.muli %add3A_289, %mul3A_318 : i32
    %dma_start3A_320 = arith.constant 0 : i32
    %dma_start3A_321 = arith.constant 0 : i32
    %dma_start3A_322 = tpu.memref_slice %arg5[%dma_start3A_321, %mul3A_317] : memref<32x1920xf32, #tpu.memory_space<vmem>> -> memref<32x1024xf32, #tpu.memory_space<vmem>>
    %dma_start3A_323 = arith.constant 0 : i32
    %dma_start3A_324 = tpu.memref_slice %arg3[%dma_start3A_320, %select_n3A, %mul3A_319, %dma_start3A_323] : memref<1x16x1024x1024xf32, #tpu.memory_space<hbm>> -> memref<1x1x32x1024xf32, #tpu.memory_space<hbm>>
    %dma_start3A_325 = tpu.memref_squeeze %dma_start3A_324 : memref<1x1x32x1024xf32, #tpu.memory_space<hbm>> -> memref<32x1024xf32, #tpu.memory_space<hbm>>
    %dma_start3A_326 = arith.constant 0 : i32
    %dma_start3A_327 = tpu.memref_slice %arg3[%dma_start3A_320, %select_n3A, %mul3A_319, %dma_start3A_326] : memref<1x16x1024x1024xf32, #tpu.memory_space<hbm>> -> memref<1x1x32x1024xf32, #tpu.memory_space<hbm>>
    %dma_start3A_328 = tpu.memref_squeeze %dma_start3A_327 : memref<1x1x32x1024xf32, #tpu.memory_space<hbm>> -> memref<32x1024xf32, #tpu.memory_space<hbm>>
    %dma_start3A_329 = arith.constant 0 : i32
    %dma_start3A_330 = tpu.memref_slice %arg5[%dma_start3A_329, %mul3A_317] : memref<32x1920xf32, #tpu.memory_space<vmem>> -> memref<32x1024xf32, #tpu.memory_space<vmem>>
    tpu.enqueue_dma source(%dma_start3A_330 : memref<32x1024xf32, #tpu.memory_space<vmem>>) target(%dma_start3A_328 : memref<32x1024xf32, #tpu.memory_space<hbm>>) target_semaphore(%arg9 : memref<!tpu.dma_semaphore, #tpu.memory_space<semaphore_mem>>)
    %add3A_331 = arith.constant 6 : i32
    %add3A_332 = arith.addi %mul3A_32, %add3A_331 : i32
    %sub3A_333 = arith.constant 31 : i32
    %sub3A_334 = arith.subi %sub3A_333, %add3A_332 : i32
    %jit3A_335 = arith.constant 4 : i32
    %div3A_336 = arith.divsi %sub3A_334, %jit3A_335 : i32
    %sign3A_337 = arith.constant 0 : i32
    %sign3A_338 = arith.cmpi sgt, %sub3A_334, %sign3A_337 : i32
    %sign3A_339 = arith.extui %sign3A_338 : i1 to i32
    %sign3A_340 = arith.constant 0 : i32
    %sign3A_341 = arith.cmpi slt, %sub3A_334, %sign3A_340 : i32
    %sign3A_342 = arith.extui %sign3A_341 : i1 to i32
    %sign3A_343 = arith.subi %sign3A_339, %sign3A_342 : i32
    %sign3A_344 = arith.constant 0 : i32
    %sign3A_345 = arith.cmpi sgt, %jit3A_335, %sign3A_344 : i32
    %sign3A_346 = arith.extui %sign3A_345 : i1 to i32
    %sign3A_347 = arith.constant 0 : i32
    %sign3A_348 = arith.cmpi slt, %jit3A_335, %sign3A_347 : i32
    %sign3A_349 = arith.extui %sign3A_348 : i1 to i32
    %sign3A_350 = arith.subi %sign3A_346, %sign3A_349 : i32
    %ne3A_351 = arith.cmpi ne, %sign3A_343, %sign3A_350 : i32
    %rem3A_352 = arith.remsi %sub3A_334, %jit3A_335 : i32
    %ne3A_353 = arith.constant 0 : i32
    %ne3A_354 = arith.cmpi ne, %rem3A_352, %ne3A_353 : i32
    %and3A_355 = arith.andi %ne3A_351, %ne3A_354 : i1
    %sub3A_356 = arith.constant 1 : i32
    %sub3A_357 = arith.subi %div3A_336, %sub3A_356 : i32
    %select_n3A_358 = arith.select %and3A_355, %sub3A_357, %div3A_336 : i32
    %mul3A_359 = arith.constant 128 : i32
    %mul3A_360 = arith.muli %select_n3A_358, %mul3A_359 : i32
    %mul3A_361 = arith.constant 32 : i32
    %mul3A_362 = arith.muli %add3A_332, %mul3A_361 : i32
    %dma_start3A_363 = arith.constant 0 : i32
    %dma_start3A_364 = arith.constant 0 : i32
    %dma_start3A_365 = tpu.memref_slice %arg5[%dma_start3A_364, %mul3A_360] : memref<32x1920xf32, #tpu.memory_space<vmem>> -> memref<32x1024xf32, #tpu.memory_space<vmem>>
    %dma_start3A_366 = arith.constant 0 : i32
    %dma_start3A_367 = tpu.memref_slice %arg3[%dma_start3A_363, %select_n3A, %mul3A_362, %dma_start3A_366] : memref<1x16x1024x1024xf32, #tpu.memory_space<hbm>> -> memref<1x1x32x1024xf32, #tpu.memory_space<hbm>>
    %dma_start3A_368 = tpu.memref_squeeze %dma_start3A_367 : memref<1x1x32x1024xf32, #tpu.memory_space<hbm>> -> memref<32x1024xf32, #tpu.memory_space<hbm>>
    %dma_start3A_369 = arith.constant 0 : i32
    %dma_start3A_370 = tpu.memref_slice %arg3[%dma_start3A_363, %select_n3A, %mul3A_362, %dma_start3A_369] : memref<1x16x1024x1024xf32, #tpu.memory_space<hbm>> -> memref<1x1x32x1024xf32, #tpu.memory_space<hbm>>
    %dma_start3A_371 = tpu.memref_squeeze %dma_start3A_370 : memref<1x1x32x1024xf32, #tpu.memory_space<hbm>> -> memref<32x1024xf32, #tpu.memory_space<hbm>>
    %dma_start3A_372 = arith.constant 0 : i32
    %dma_start3A_373 = tpu.memref_slice %arg5[%dma_start3A_372, %mul3A_360] : memref<32x1920xf32, #tpu.memory_space<vmem>> -> memref<32x1024xf32, #tpu.memory_space<vmem>>
    tpu.enqueue_dma source(%dma_start3A_373 : memref<32x1024xf32, #tpu.memory_space<vmem>>) target(%dma_start3A_371 : memref<32x1024xf32, #tpu.memory_space<hbm>>) target_semaphore(%arg9 : memref<!tpu.dma_semaphore, #tpu.memory_space<semaphore_mem>>)
    %add3A_374 = arith.constant 10 : i32
    %add3A_375 = arith.addi %mul3A_32, %add3A_374 : i32
    %sub3A_376 = arith.constant 31 : i32
    %sub3A_377 = arith.subi %sub3A_376, %add3A_375 : i32
    %jit3A_378 = arith.constant 4 : i32
    %div3A_379 = arith.divsi %sub3A_377, %jit3A_378 : i32
    %sign3A_380 = arith.constant 0 : i32
    %sign3A_381 = arith.cmpi sgt, %sub3A_377, %sign3A_380 : i32
    %sign3A_382 = arith.extui %sign3A_381 : i1 to i32
    %sign3A_383 = arith.constant 0 : i32
    %sign3A_384 = arith.cmpi slt, %sub3A_377, %sign3A_383 : i32
    %sign3A_385 = arith.extui %sign3A_384 : i1 to i32
    %sign3A_386 = arith.subi %sign3A_382, %sign3A_385 : i32
    %sign3A_387 = arith.constant 0 : i32
    %sign3A_388 = arith.cmpi sgt, %jit3A_378, %sign3A_387 : i32
    %sign3A_389 = arith.extui %sign3A_388 : i1 to i32
    %sign3A_390 = arith.constant 0 : i32
    %sign3A_391 = arith.cmpi slt, %jit3A_378, %sign3A_390 : i32
    %sign3A_392 = arith.extui %sign3A_391 : i1 to i32
    %sign3A_393 = arith.subi %sign3A_389, %sign3A_392 : i32
    %ne3A_394 = arith.cmpi ne, %sign3A_386, %sign3A_393 : i32
    %rem3A_395 = arith.remsi %sub3A_377, %jit3A_378 : i32
    %ne3A_396 = arith.constant 0 : i32
    %ne3A_397 = arith.cmpi ne, %rem3A_395, %ne3A_396 : i32
    %and3A_398 = arith.andi %ne3A_394, %ne3A_397 : i1
    %sub3A_399 = arith.constant 1 : i32
    %sub3A_400 = arith.subi %div3A_379, %sub3A_399 : i32
    %select_n3A_401 = arith.select %and3A_398, %sub3A_400, %div3A_379 : i32
    %mul3A_402 = arith.constant 128 : i32
    %mul3A_403 = arith.muli %select_n3A_401, %mul3A_402 : i32
    %mul3A_404 = arith.constant 32 : i32
    %mul3A_405 = arith.muli %add3A_375, %mul3A_404 : i32
    %dma_start3A_406 = arith.constant 0 : i32
    %dma_start3A_407 = arith.constant 0 : i32
    %dma_start3A_408 = tpu.memref_slice %arg5[%dma_start3A_407, %mul3A_403] : memref<32x1920xf32, #tpu.memory_space<vmem>> -> memref<32x1024xf32, #tpu.memory_space<vmem>>
    %dma_start3A_409 = arith.constant 0 : i32
    %dma_start3A_410 = tpu.memref_slice %arg3[%dma_start3A_406, %select_n3A, %mul3A_405, %dma_start3A_409] : memref<1x16x1024x1024xf32, #tpu.memory_space<hbm>> -> memref<1x1x32x1024xf32, #tpu.memory_space<hbm>>
    %dma_start3A_411 = tpu.memref_squeeze %dma_start3A_410 : memref<1x1x32x1024xf32, #tpu.memory_space<hbm>> -> memref<32x1024xf32, #tpu.memory_space<hbm>>
    %dma_start3A_412 = arith.constant 0 : i32
    %dma_start3A_413 = tpu.memref_slice %arg3[%dma_start3A_406, %select_n3A, %mul3A_405, %dma_start3A_412] : memref<1x16x1024x1024xf32, #tpu.memory_space<hbm>> -> memref<1x1x32x1024xf32, #tpu.memory_space<hbm>>
    %dma_start3A_414 = tpu.memref_squeeze %dma_start3A_413 : memref<1x1x32x1024xf32, #tpu.memory_space<hbm>> -> memref<32x1024xf32, #tpu.memory_space<hbm>>
    %dma_start3A_415 = arith.constant 0 : i32
    %dma_start3A_416 = tpu.memref_slice %arg5[%dma_start3A_415, %mul3A_403] : memref<32x1920xf32, #tpu.memory_space<vmem>> -> memref<32x1024xf32, #tpu.memory_space<vmem>>
    tpu.enqueue_dma source(%dma_start3A_416 : memref<32x1024xf32, #tpu.memory_space<vmem>>) target(%dma_start3A_414 : memref<32x1024xf32, #tpu.memory_space<hbm>>) target_semaphore(%arg9 : memref<!tpu.dma_semaphore, #tpu.memory_space<semaphore_mem>>)
    %add3A_417 = arith.constant 14 : i32
    %add3A_418 = arith.addi %mul3A_32, %add3A_417 : i32
    %sub3A_419 = arith.constant 31 : i32
    %sub3A_420 = arith.subi %sub3A_419, %add3A_418 : i32
    %jit3A_421 = arith.constant 4 : i32
    %div3A_422 = arith.divsi %sub3A_420, %jit3A_421 : i32
    %sign3A_423 = arith.constant 0 : i32
    %sign3A_424 = arith.cmpi sgt, %sub3A_420, %sign3A_423 : i32
    %sign3A_425 = arith.extui %sign3A_424 : i1 to i32
    %sign3A_426 = arith.constant 0 : i32
    %sign3A_427 = arith.cmpi slt, %sub3A_420, %sign3A_426 : i32
    %sign3A_428 = arith.extui %sign3A_427 : i1 to i32
    %sign3A_429 = arith.subi %sign3A_425, %sign3A_428 : i32
    %sign3A_430 = arith.constant 0 : i32
    %sign3A_431 = arith.cmpi sgt, %jit3A_421, %sign3A_430 : i32
    %sign3A_432 = arith.extui %sign3A_431 : i1 to i32
    %sign3A_433 = arith.constant 0 : i32
    %sign3A_434 = arith.cmpi slt, %jit3A_421, %sign3A_433 : i32
    %sign3A_435 = arith.extui %sign3A_434 : i1 to i32
    %sign3A_436 = arith.subi %sign3A_432, %sign3A_435 : i32
    %ne3A_437 = arith.cmpi ne, %sign3A_429, %sign3A_436 : i32
    %rem3A_438 = arith.remsi %sub3A_420, %jit3A_421 : i32
    %ne3A_439 = arith.constant 0 : i32
    %ne3A_440 = arith.cmpi ne, %rem3A_438, %ne3A_439 : i32
    %and3A_441 = arith.andi %ne3A_437, %ne3A_440 : i1
    %sub3A_442 = arith.constant 1 : i32
    %sub3A_443 = arith.subi %div3A_422, %sub3A_442 : i32
    %select_n3A_444 = arith.select %and3A_441, %sub3A_443, %div3A_422 : i32
    %mul3A_445 = arith.constant 128 : i32
    %mul3A_446 = arith.muli %select_n3A_444, %mul3A_445 : i32
    %mul3A_447 = arith.constant 32 : i32
    %mul3A_448 = arith.muli %add3A_418, %mul3A_447 : i32
    %dma_start3A_449 = arith.constant 0 : i32
    %dma_start3A_450 = arith.constant 0 : i32
    %dma_start3A_451 = tpu.memref_slice %arg5[%dma_start3A_450, %mul3A_446] : memref<32x1920xf32, #tpu.memory_space<vmem>> -> memref<32x1024xf32, #tpu.memory_space<vmem>>
    %dma_start3A_452 = arith.constant 0 : i32
    %dma_start3A_453 = tpu.memref_slice %arg3[%dma_start3A_449, %select_n3A, %mul3A_448, %dma_start3A_452] : memref<1x16x1024x1024xf32, #tpu.memory_space<hbm>> -> memref<1x1x32x1024xf32, #tpu.memory_space<hbm>>
    %dma_start3A_454 = tpu.memref_squeeze %dma_start3A_453 : memref<1x1x32x1024xf32, #tpu.memory_space<hbm>> -> memref<32x1024xf32, #tpu.memory_space<hbm>>
    %dma_start3A_455 = arith.constant 0 : i32
    %dma_start3A_456 = tpu.memref_slice %arg3[%dma_start3A_449, %select_n3A, %mul3A_448, %dma_start3A_455] : memref<1x16x1024x1024xf32, #tpu.memory_space<hbm>> -> memref<1x1x32x1024xf32, #tpu.memory_space<hbm>>
    %dma_start3A_457 = tpu.memref_squeeze %dma_start3A_456 : memref<1x1x32x1024xf32, #tpu.memory_space<hbm>> -> memref<32x1024xf32, #tpu.memory_space<hbm>>
    %dma_start3A_458 = arith.constant 0 : i32
    %dma_start3A_459 = tpu.memref_slice %arg5[%dma_start3A_458, %mul3A_446] : memref<32x1920xf32, #tpu.memory_space<vmem>> -> memref<32x1024xf32, #tpu.memory_space<vmem>>
    tpu.enqueue_dma source(%dma_start3A_459 : memref<32x1024xf32, #tpu.memory_space<vmem>>) target(%dma_start3A_457 : memref<32x1024xf32, #tpu.memory_space<hbm>>) target_semaphore(%arg9 : memref<!tpu.dma_semaphore, #tpu.memory_space<semaphore_mem>>)
    %dma_wait3A_460 = arith.constant 0 : i32
    %dma_wait3A_461 = arith.constant 0 : i32
    %dma_wait3A_462 = tpu.memref_slice %arg5[%dma_wait3A_461, %mul3A_317] : memref<32x1920xf32, #tpu.memory_space<vmem>> -> memref<32x1024xf32, #tpu.memory_space<vmem>>
    %dma_wait3A_463 = arith.constant 0 : i32
    %dma_wait3A_464 = tpu.memref_slice %arg3[%dma_wait3A_460, %select_n3A, %mul3A_319, %dma_wait3A_463] : memref<1x16x1024x1024xf32, #tpu.memory_space<hbm>> -> memref<1x1x32x1024xf32, #tpu.memory_space<hbm>>
    %dma_wait3A_465 = tpu.memref_squeeze %dma_wait3A_464 : memref<1x1x32x1024xf32, #tpu.memory_space<hbm>> -> memref<32x1024xf32, #tpu.memory_space<hbm>>
    %dma_wait3A_466 = arith.constant 0 : i32
    %dma_wait3A_467 = tpu.memref_slice %arg3[%dma_wait3A_460, %select_n3A, %mul3A_319, %dma_wait3A_466] : memref<1x16x1024x1024xf32, #tpu.memory_space<hbm>> -> memref<1x1x32x1024xf32, #tpu.memory_space<hbm>>
    %dma_wait3A_468 = tpu.memref_squeeze %dma_wait3A_467 : memref<1x1x32x1024xf32, #tpu.memory_space<hbm>> -> memref<32x1024xf32, #tpu.memory_space<hbm>>
    %dma_wait3A_469 = arith.constant 0 : i32
    %dma_wait3A_470 = tpu.memref_slice %arg5[%dma_wait3A_469, %mul3A_317] : memref<32x1920xf32, #tpu.memory_space<vmem>> -> memref<32x1024xf32, #tpu.memory_space<vmem>>
    tpu.wait_dma2 semaphore(%arg9 : memref<!tpu.dma_semaphore, #tpu.memory_space<semaphore_mem>>) src(%dma_wait3A_470 : memref<32x1024xf32, #tpu.memory_space<vmem>>) dst(%dma_wait3A_468 : memref<32x1024xf32, #tpu.memory_space<hbm>>)
    %dma_wait3A_471 = arith.constant 0 : i32
    %dma_wait3A_472 = arith.constant 0 : i32
    %dma_wait3A_473 = tpu.memref_slice %arg5[%dma_wait3A_472, %mul3A_360] : memref<32x1920xf32, #tpu.memory_space<vmem>> -> memref<32x1024xf32, #tpu.memory_space<vmem>>
    %dma_wait3A_474 = arith.constant 0 : i32
    %dma_wait3A_475 = tpu.memref_slice %arg3[%dma_wait3A_471, %select_n3A, %mul3A_362, %dma_wait3A_474] : memref<1x16x1024x1024xf32, #tpu.memory_space<hbm>> -> memref<1x1x32x1024xf32, #tpu.memory_space<hbm>>
    %dma_wait3A_476 = tpu.memref_squeeze %dma_wait3A_475 : memref<1x1x32x1024xf32, #tpu.memory_space<hbm>> -> memref<32x1024xf32, #tpu.memory_space<hbm>>
    %dma_wait3A_477 = arith.constant 0 : i32
    %dma_wait3A_478 = tpu.memref_slice %arg3[%dma_wait3A_471, %select_n3A, %mul3A_362, %dma_wait3A_477] : memref<1x16x1024x1024xf32, #tpu.memory_space<hbm>> -> memref<1x1x32x1024xf32, #tpu.memory_space<hbm>>
    %dma_wait3A_479 = tpu.memref_squeeze %dma_wait3A_478 : memref<1x1x32x1024xf32, #tpu.memory_space<hbm>> -> memref<32x1024xf32, #tpu.memory_space<hbm>>
    %dma_wait3A_480 = arith.constant 0 : i32
    %dma_wait3A_481 = tpu.memref_slice %arg5[%dma_wait3A_480, %mul3A_360] : memref<32x1920xf32, #tpu.memory_space<vmem>> -> memref<32x1024xf32, #tpu.memory_space<vmem>>
    tpu.wait_dma2 semaphore(%arg9 : memref<!tpu.dma_semaphore, #tpu.memory_space<semaphore_mem>>) src(%dma_wait3A_481 : memref<32x1024xf32, #tpu.memory_space<vmem>>) dst(%dma_wait3A_479 : memref<32x1024xf32, #tpu.memory_space<hbm>>)
    %dma_wait3A_482 = arith.constant 0 : i32
    %dma_wait3A_483 = arith.constant 0 : i32
    %dma_wait3A_484 = tpu.memref_slice %arg5[%dma_wait3A_483, %mul3A_403] : memref<32x1920xf32, #tpu.memory_space<vmem>> -> memref<32x1024xf32, #tpu.memory_space<vmem>>
    %dma_wait3A_485 = arith.constant 0 : i32
    %dma_wait3A_486 = tpu.memref_slice %arg3[%dma_wait3A_482, %select_n3A, %mul3A_405, %dma_wait3A_485] : memref<1x16x1024x1024xf32, #tpu.memory_space<hbm>> -> memref<1x1x32x1024xf32, #tpu.memory_space<hbm>>
    %dma_wait3A_487 = tpu.memref_squeeze %dma_wait3A_486 : memref<1x1x32x1024xf32, #tpu.memory_space<hbm>> -> memref<32x1024xf32, #tpu.memory_space<hbm>>
    %dma_wait3A_488 = arith.constant 0 : i32
    %dma_wait3A_489 = tpu.memref_slice %arg3[%dma_wait3A_482, %select_n3A, %mul3A_405, %dma_wait3A_488] : memref<1x16x1024x1024xf32, #tpu.memory_space<hbm>> -> memref<1x1x32x1024xf32, #tpu.memory_space<hbm>>
    %dma_wait3A_490 = tpu.memref_squeeze %dma_wait3A_489 : memref<1x1x32x1024xf32, #tpu.memory_space<hbm>> -> memref<32x1024xf32, #tpu.memory_space<hbm>>
    %dma_wait3A_491 = arith.constant 0 : i32
    %dma_wait3A_492 = tpu.memref_slice %arg5[%dma_wait3A_491, %mul3A_403] : memref<32x1920xf32, #tpu.memory_space<vmem>> -> memref<32x1024xf32, #tpu.memory_space<vmem>>
    tpu.wait_dma2 semaphore(%arg9 : memref<!tpu.dma_semaphore, #tpu.memory_space<semaphore_mem>>) src(%dma_wait3A_492 : memref<32x1024xf32, #tpu.memory_space<vmem>>) dst(%dma_wait3A_490 : memref<32x1024xf32, #tpu.memory_space<hbm>>)
    %dma_wait3A_493 = arith.constant 0 : i32
    %dma_wait3A_494 = arith.constant 0 : i32
    %dma_wait3A_495 = tpu.memref_slice %arg5[%dma_wait3A_494, %mul3A_446] : memref<32x1920xf32, #tpu.memory_space<vmem>> -> memref<32x1024xf32, #tpu.memory_space<vmem>>
    %dma_wait3A_496 = arith.constant 0 : i32
    %dma_wait3A_497 = tpu.memref_slice %arg3[%dma_wait3A_493, %select_n3A, %mul3A_448, %dma_wait3A_496] : memref<1x16x1024x1024xf32, #tpu.memory_space<hbm>> -> memref<1x1x32x1024xf32, #tpu.memory_space<hbm>>
    %dma_wait3A_498 = tpu.memref_squeeze %dma_wait3A_497 : memref<1x1x32x1024xf32, #tpu.memory_space<hbm>> -> memref<32x1024xf32, #tpu.memory_space<hbm>>
    %dma_wait3A_499 = arith.constant 0 : i32
    %dma_wait3A_500 = tpu.memref_slice %arg3[%dma_wait3A_493, %select_n3A, %mul3A_448, %dma_wait3A_499] : memref<1x16x1024x1024xf32, #tpu.memory_space<hbm>> -> memref<1x1x32x1024xf32, #tpu.memory_space<hbm>>
    %dma_wait3A_501 = tpu.memref_squeeze %dma_wait3A_500 : memref<1x1x32x1024xf32, #tpu.memory_space<hbm>> -> memref<32x1024xf32, #tpu.memory_space<hbm>>
    %dma_wait3A_502 = arith.constant 0 : i32
    %dma_wait3A_503 = tpu.memref_slice %arg5[%dma_wait3A_502, %mul3A_446] : memref<32x1920xf32, #tpu.memory_space<vmem>> -> memref<32x1024xf32, #tpu.memory_space<vmem>>
    tpu.wait_dma2 semaphore(%arg9 : memref<!tpu.dma_semaphore, #tpu.memory_space<semaphore_mem>>) src(%dma_wait3A_503 : memref<32x1024xf32, #tpu.memory_space<vmem>>) dst(%dma_wait3A_501 : memref<32x1024xf32, #tpu.memory_space<hbm>>)
    %mul3A_504 = arith.constant 32 : i32
    %mul3A_505 = arith.muli %select_n3A, %mul3A_504 : i32
    %dma_start3A_506 = arith.constant 3 : i32
    %dma_start3A_507 = arith.constant 0 : i32
    %dma_start3A_508 = tpu.memref_slice %arg2[%dma_start3A_506, %mul3A_505, %dma_start3A_507] : memref<4x512x1920xf32, #tpu.memory_space<hbm>> -> memref<1x32x1920xf32, #tpu.memory_space<hbm>>
    %dma_start3A_509 = tpu.memref_squeeze %dma_start3A_508 : memref<1x32x1920xf32, #tpu.memory_space<hbm>> -> memref<32x1920xf32, #tpu.memory_space<hbm>>
    %dma_start3A_510 = arith.constant 0 : i32
    %dma_start3A_511 = tpu.memref_slice %arg2[%dma_start3A_506, %mul3A_505, %dma_start3A_510] : memref<4x512x1920xf32, #tpu.memory_space<hbm>> -> memref<1x32x1920xf32, #tpu.memory_space<hbm>>
    %dma_start3A_512 = tpu.memref_squeeze %dma_start3A_511 : memref<1x32x1920xf32, #tpu.memory_space<hbm>> -> memref<32x1920xf32, #tpu.memory_space<hbm>>
    tpu.enqueue_dma source(%dma_start3A_512 : memref<32x1920xf32, #tpu.memory_space<hbm>>) target(%arg5 : memref<32x1920xf32, #tpu.memory_space<vmem>>) target_semaphore(%arg7 : memref<!tpu.dma_semaphore, #tpu.memory_space<semaphore_mem>>)
    %dma_wait3A_513 = arith.constant 2 : i32
    %dma_wait3A_514 = arith.constant 0 : i32
    %dma_wait3A_515 = tpu.memref_slice %arg2[%dma_wait3A_513, %mul3A_273, %dma_wait3A_514] : memref<4x512x1920xf32, #tpu.memory_space<hbm>> -> memref<1x32x1920xf32, #tpu.memory_space<hbm>>
    %dma_wait3A_516 = tpu.memref_squeeze %dma_wait3A_515 : memref<1x32x1920xf32, #tpu.memory_space<hbm>> -> memref<32x1920xf32, #tpu.memory_space<hbm>>
    %dma_wait3A_517 = arith.constant 0 : i32
    %dma_wait3A_518 = tpu.memref_slice %arg2[%dma_wait3A_513, %mul3A_273, %dma_wait3A_517] : memref<4x512x1920xf32, #tpu.memory_space<hbm>> -> memref<1x32x1920xf32, #tpu.memory_space<hbm>>
    %dma_wait3A_519 = tpu.memref_squeeze %dma_wait3A_518 : memref<1x32x1920xf32, #tpu.memory_space<hbm>> -> memref<32x1920xf32, #tpu.memory_space<hbm>>
    tpu.wait_dma2 semaphore(%arg6 : memref<!tpu.dma_semaphore, #tpu.memory_space<semaphore_mem>>) src(%dma_wait3A_519 : memref<32x1920xf32, #tpu.memory_space<hbm>>) dst(%arg4 : memref<32x1920xf32, #tpu.memory_space<vmem>>)
    %add3A_520 = arith.constant 1 : i32
    %add3A_521 = arith.addi %mul3A_32, %add3A_520 : i32
    %sub3A_522 = arith.constant 31 : i32
    %sub3A_523 = arith.subi %sub3A_522, %add3A_521 : i32
    %jit3A_524 = arith.constant 4 : i32
    %div3A_525 = arith.divsi %sub3A_523, %jit3A_524 : i32
    %sign3A_526 = arith.constant 0 : i32
    %sign3A_527 = arith.cmpi sgt, %sub3A_523, %sign3A_526 : i32
    %sign3A_528 = arith.extui %sign3A_527 : i1 to i32
    %sign3A_529 = arith.constant 0 : i32
    %sign3A_530 = arith.cmpi slt, %sub3A_523, %sign3A_529 : i32
    %sign3A_531 = arith.extui %sign3A_530 : i1 to i32
    %sign3A_532 = arith.subi %sign3A_528, %sign3A_531 : i32
    %sign3A_533 = arith.constant 0 : i32
    %sign3A_534 = arith.cmpi sgt, %jit3A_524, %sign3A_533 : i32
    %sign3A_535 = arith.extui %sign3A_534 : i1 to i32
    %sign3A_536 = arith.constant 0 : i32
    %sign3A_537 = arith.cmpi slt, %jit3A_524, %sign3A_536 : i32
    %sign3A_538 = arith.extui %sign3A_537 : i1 to i32
    %sign3A_539 = arith.subi %sign3A_535, %sign3A_538 : i32
    %ne3A_540 = arith.cmpi ne, %sign3A_532, %sign3A_539 : i32
    %rem3A_541 = arith.remsi %sub3A_523, %jit3A_524 : i32
    %ne3A_542 = arith.constant 0 : i32
    %ne3A_543 = arith.cmpi ne, %rem3A_541, %ne3A_542 : i32
    %and3A_544 = arith.andi %ne3A_540, %ne3A_543 : i1
    %sub3A_545 = arith.constant 1 : i32
    %sub3A_546 = arith.subi %div3A_525, %sub3A_545 : i32
    %select_n3A_547 = arith.select %and3A_544, %sub3A_546, %div3A_525 : i32
    %mul3A_548 = arith.constant 128 : i32
    %mul3A_549 = arith.muli %select_n3A_547, %mul3A_548 : i32
    %mul3A_550 = arith.constant 32 : i32
    %mul3A_551 = arith.muli %add3A_521, %mul3A_550 : i32
    %dma_start3A_552 = arith.constant 0 : i32
    %dma_start3A_553 = arith.constant 0 : i32
    %dma_start3A_554 = tpu.memref_slice %arg4[%dma_start3A_553, %mul3A_549] : memref<32x1920xf32, #tpu.memory_space<vmem>> -> memref<32x1024xf32, #tpu.memory_space<vmem>>
    %dma_start3A_555 = arith.constant 0 : i32
    %dma_start3A_556 = tpu.memref_slice %arg3[%dma_start3A_552, %select_n3A, %mul3A_551, %dma_start3A_555] : memref<1x16x1024x1024xf32, #tpu.memory_space<hbm>> -> memref<1x1x32x1024xf32, #tpu.memory_space<hbm>>
    %dma_start3A_557 = tpu.memref_squeeze %dma_start3A_556 : memref<1x1x32x1024xf32, #tpu.memory_space<hbm>> -> memref<32x1024xf32, #tpu.memory_space<hbm>>
    %dma_start3A_558 = arith.constant 0 : i32
    %dma_start3A_559 = tpu.memref_slice %arg3[%dma_start3A_552, %select_n3A, %mul3A_551, %dma_start3A_558] : memref<1x16x1024x1024xf32, #tpu.memory_space<hbm>> -> memref<1x1x32x1024xf32, #tpu.memory_space<hbm>>
    %dma_start3A_560 = tpu.memref_squeeze %dma_start3A_559 : memref<1x1x32x1024xf32, #tpu.memory_space<hbm>> -> memref<32x1024xf32, #tpu.memory_space<hbm>>
    %dma_start3A_561 = arith.constant 0 : i32
    %dma_start3A_562 = tpu.memref_slice %arg4[%dma_start3A_561, %mul3A_549] : memref<32x1920xf32, #tpu.memory_space<vmem>> -> memref<32x1024xf32, #tpu.memory_space<vmem>>
    tpu.enqueue_dma source(%dma_start3A_562 : memref<32x1024xf32, #tpu.memory_space<vmem>>) target(%dma_start3A_560 : memref<32x1024xf32, #tpu.memory_space<hbm>>) target_semaphore(%arg8 : memref<!tpu.dma_semaphore, #tpu.memory_space<semaphore_mem>>)
    %add3A_563 = arith.constant 5 : i32
    %add3A_564 = arith.addi %mul3A_32, %add3A_563 : i32
    %sub3A_565 = arith.constant 31 : i32
    %sub3A_566 = arith.subi %sub3A_565, %add3A_564 : i32
    %jit3A_567 = arith.constant 4 : i32
    %div3A_568 = arith.divsi %sub3A_566, %jit3A_567 : i32
    %sign3A_569 = arith.constant 0 : i32
    %sign3A_570 = arith.cmpi sgt, %sub3A_566, %sign3A_569 : i32
    %sign3A_571 = arith.extui %sign3A_570 : i1 to i32
    %sign3A_572 = arith.constant 0 : i32
    %sign3A_573 = arith.cmpi slt, %sub3A_566, %sign3A_572 : i32
    %sign3A_574 = arith.extui %sign3A_573 : i1 to i32
    %sign3A_575 = arith.subi %sign3A_571, %sign3A_574 : i32
    %sign3A_576 = arith.constant 0 : i32
    %sign3A_577 = arith.cmpi sgt, %jit3A_567, %sign3A_576 : i32
    %sign3A_578 = arith.extui %sign3A_577 : i1 to i32
    %sign3A_579 = arith.constant 0 : i32
    %sign3A_580 = arith.cmpi slt, %jit3A_567, %sign3A_579 : i32
    %sign3A_581 = arith.extui %sign3A_580 : i1 to i32
    %sign3A_582 = arith.subi %sign3A_578, %sign3A_581 : i32
    %ne3A_583 = arith.cmpi ne, %sign3A_575, %sign3A_582 : i32
    %rem3A_584 = arith.remsi %sub3A_566, %jit3A_567 : i32
    %ne3A_585 = arith.constant 0 : i32
    %ne3A_586 = arith.cmpi ne, %rem3A_584, %ne3A_585 : i32
    %and3A_587 = arith.andi %ne3A_583, %ne3A_586 : i1
    %sub3A_588 = arith.constant 1 : i32
    %sub3A_589 = arith.subi %div3A_568, %sub3A_588 : i32
    %select_n3A_590 = arith.select %and3A_587, %sub3A_589, %div3A_568 : i32
    %mul3A_591 = arith.constant 128 : i32
    %mul3A_592 = arith.muli %select_n3A_590, %mul3A_591 : i32
    %mul3A_593 = arith.constant 32 : i32
    %mul3A_594 = arith.muli %add3A_564, %mul3A_593 : i32
    %dma_start3A_595 = arith.constant 0 : i32
    %dma_start3A_596 = arith.constant 0 : i32
    %dma_start3A_597 = tpu.memref_slice %arg4[%dma_start3A_596, %mul3A_592] : memref<32x1920xf32, #tpu.memory_space<vmem>> -> memref<32x1024xf32, #tpu.memory_space<vmem>>
    %dma_start3A_598 = arith.constant 0 : i32
    %dma_start3A_599 = tpu.memref_slice %arg3[%dma_start3A_595, %select_n3A, %mul3A_594, %dma_start3A_598] : memref<1x16x1024x1024xf32, #tpu.memory_space<hbm>> -> memref<1x1x32x1024xf32, #tpu.memory_space<hbm>>
    %dma_start3A_600 = tpu.memref_squeeze %dma_start3A_599 : memref<1x1x32x1024xf32, #tpu.memory_space<hbm>> -> memref<32x1024xf32, #tpu.memory_space<hbm>>
    %dma_start3A_601 = arith.constant 0 : i32
    %dma_start3A_602 = tpu.memref_slice %arg3[%dma_start3A_595, %select_n3A, %mul3A_594, %dma_start3A_601] : memref<1x16x1024x1024xf32, #tpu.memory_space<hbm>> -> memref<1x1x32x1024xf32, #tpu.memory_space<hbm>>
    %dma_start3A_603 = tpu.memref_squeeze %dma_start3A_602 : memref<1x1x32x1024xf32, #tpu.memory_space<hbm>> -> memref<32x1024xf32, #tpu.memory_space<hbm>>
    %dma_start3A_604 = arith.constant 0 : i32
    %dma_start3A_605 = tpu.memref_slice %arg4[%dma_start3A_604, %mul3A_592] : memref<32x1920xf32, #tpu.memory_space<vmem>> -> memref<32x1024xf32, #tpu.memory_space<vmem>>
    tpu.enqueue_dma source(%dma_start3A_605 : memref<32x1024xf32, #tpu.memory_space<vmem>>) target(%dma_start3A_603 : memref<32x1024xf32, #tpu.memory_space<hbm>>) target_semaphore(%arg8 : memref<!tpu.dma_semaphore, #tpu.memory_space<semaphore_mem>>)
    %add3A_606 = arith.constant 9 : i32
    %add3A_607 = arith.addi %mul3A_32, %add3A_606 : i32
    %sub3A_608 = arith.constant 31 : i32
    %sub3A_609 = arith.subi %sub3A_608, %add3A_607 : i32
    %jit3A_610 = arith.constant 4 : i32
    %div3A_611 = arith.divsi %sub3A_609, %jit3A_610 : i32
    %sign3A_612 = arith.constant 0 : i32
    %sign3A_613 = arith.cmpi sgt, %sub3A_609, %sign3A_612 : i32
    %sign3A_614 = arith.extui %sign3A_613 : i1 to i32
    %sign3A_615 = arith.constant 0 : i32
    %sign3A_616 = arith.cmpi slt, %sub3A_609, %sign3A_615 : i32
    %sign3A_617 = arith.extui %sign3A_616 : i1 to i32
    %sign3A_618 = arith.subi %sign3A_614, %sign3A_617 : i32
    %sign3A_619 = arith.constant 0 : i32
    %sign3A_620 = arith.cmpi sgt, %jit3A_610, %sign3A_619 : i32
    %sign3A_621 = arith.extui %sign3A_620 : i1 to i32
    %sign3A_622 = arith.constant 0 : i32
    %sign3A_623 = arith.cmpi slt, %jit3A_610, %sign3A_622 : i32
    %sign3A_624 = arith.extui %sign3A_623 : i1 to i32
    %sign3A_625 = arith.subi %sign3A_621, %sign3A_624 : i32
    %ne3A_626 = arith.cmpi ne, %sign3A_618, %sign3A_625 : i32
    %rem3A_627 = arith.remsi %sub3A_609, %jit3A_610 : i32
    %ne3A_628 = arith.constant 0 : i32
    %ne3A_629 = arith.cmpi ne, %rem3A_627, %ne3A_628 : i32
    %and3A_630 = arith.andi %ne3A_626, %ne3A_629 : i1
    %sub3A_631 = arith.constant 1 : i32
    %sub3A_632 = arith.subi %div3A_611, %sub3A_631 : i32
    %select_n3A_633 = arith.select %and3A_630, %sub3A_632, %div3A_611 : i32
    %mul3A_634 = arith.constant 128 : i32
    %mul3A_635 = arith.muli %select_n3A_633, %mul3A_634 : i32
    %mul3A_636 = arith.constant 32 : i32
    %mul3A_637 = arith.muli %add3A_607, %mul3A_636 : i32
    %dma_start3A_638 = arith.constant 0 : i32
    %dma_start3A_639 = arith.constant 0 : i32
    %dma_start3A_640 = tpu.memref_slice %arg4[%dma_start3A_639, %mul3A_635] : memref<32x1920xf32, #tpu.memory_space<vmem>> -> memref<32x1024xf32, #tpu.memory_space<vmem>>
    %dma_start3A_641 = arith.constant 0 : i32
    %dma_start3A_642 = tpu.memref_slice %arg3[%dma_start3A_638, %select_n3A, %mul3A_637, %dma_start3A_641] : memref<1x16x1024x1024xf32, #tpu.memory_space<hbm>> -> memref<1x1x32x1024xf32, #tpu.memory_space<hbm>>
    %dma_start3A_643 = tpu.memref_squeeze %dma_start3A_642 : memref<1x1x32x1024xf32, #tpu.memory_space<hbm>> -> memref<32x1024xf32, #tpu.memory_space<hbm>>
    %dma_start3A_644 = arith.constant 0 : i32
    %dma_start3A_645 = tpu.memref_slice %arg3[%dma_start3A_638, %select_n3A, %mul3A_637, %dma_start3A_644] : memref<1x16x1024x1024xf32, #tpu.memory_space<hbm>> -> memref<1x1x32x1024xf32, #tpu.memory_space<hbm>>
    %dma_start3A_646 = tpu.memref_squeeze %dma_start3A_645 : memref<1x1x32x1024xf32, #tpu.memory_space<hbm>> -> memref<32x1024xf32, #tpu.memory_space<hbm>>
    %dma_start3A_647 = arith.constant 0 : i32
    %dma_start3A_648 = tpu.memref_slice %arg4[%dma_start3A_647, %mul3A_635] : memref<32x1920xf32, #tpu.memory_space<vmem>> -> memref<32x1024xf32, #tpu.memory_space<vmem>>
    tpu.enqueue_dma source(%dma_start3A_648 : memref<32x1024xf32, #tpu.memory_space<vmem>>) target(%dma_start3A_646 : memref<32x1024xf32, #tpu.memory_space<hbm>>) target_semaphore(%arg8 : memref<!tpu.dma_semaphore, #tpu.memory_space<semaphore_mem>>)
    %add3A_649 = arith.constant 13 : i32
    %add3A_650 = arith.addi %mul3A_32, %add3A_649 : i32
    %sub3A_651 = arith.constant 31 : i32
    %sub3A_652 = arith.subi %sub3A_651, %add3A_650 : i32
    %jit3A_653 = arith.constant 4 : i32
    %div3A_654 = arith.divsi %sub3A_652, %jit3A_653 : i32
    %sign3A_655 = arith.constant 0 : i32
    %sign3A_656 = arith.cmpi sgt, %sub3A_652, %sign3A_655 : i32
    %sign3A_657 = arith.extui %sign3A_656 : i1 to i32
    %sign3A_658 = arith.constant 0 : i32
    %sign3A_659 = arith.cmpi slt, %sub3A_652, %sign3A_658 : i32
    %sign3A_660 = arith.extui %sign3A_659 : i1 to i32
    %sign3A_661 = arith.subi %sign3A_657, %sign3A_660 : i32
    %sign3A_662 = arith.constant 0 : i32
    %sign3A_663 = arith.cmpi sgt, %jit3A_653, %sign3A_662 : i32
    %sign3A_664 = arith.extui %sign3A_663 : i1 to i32
    %sign3A_665 = arith.constant 0 : i32
    %sign3A_666 = arith.cmpi slt, %jit3A_653, %sign3A_665 : i32
    %sign3A_667 = arith.extui %sign3A_666 : i1 to i32
    %sign3A_668 = arith.subi %sign3A_664, %sign3A_667 : i32
    %ne3A_669 = arith.cmpi ne, %sign3A_661, %sign3A_668 : i32
    %rem3A_670 = arith.remsi %sub3A_652, %jit3A_653 : i32
    %ne3A_671 = arith.constant 0 : i32
    %ne3A_672 = arith.cmpi ne, %rem3A_670, %ne3A_671 : i32
    %and3A_673 = arith.andi %ne3A_669, %ne3A_672 : i1
    %sub3A_674 = arith.constant 1 : i32
    %sub3A_675 = arith.subi %div3A_654, %sub3A_674 : i32
    %select_n3A_676 = arith.select %and3A_673, %sub3A_675, %div3A_654 : i32
    %mul3A_677 = arith.constant 128 : i32
    %mul3A_678 = arith.muli %select_n3A_676, %mul3A_677 : i32
    %mul3A_679 = arith.constant 32 : i32
    %mul3A_680 = arith.muli %add3A_650, %mul3A_679 : i32
    %dma_start3A_681 = arith.constant 0 : i32
    %dma_start3A_682 = arith.constant 0 : i32
    %dma_start3A_683 = tpu.memref_slice %arg4[%dma_start3A_682, %mul3A_678] : memref<32x1920xf32, #tpu.memory_space<vmem>> -> memref<32x1024xf32, #tpu.memory_space<vmem>>
    %dma_start3A_684 = arith.constant 0 : i32
    %dma_start3A_685 = tpu.memref_slice %arg3[%dma_start3A_681, %select_n3A, %mul3A_680, %dma_start3A_684] : memref<1x16x1024x1024xf32, #tpu.memory_space<hbm>> -> memref<1x1x32x1024xf32, #tpu.memory_space<hbm>>
    %dma_start3A_686 = tpu.memref_squeeze %dma_start3A_685 : memref<1x1x32x1024xf32, #tpu.memory_space<hbm>> -> memref<32x1024xf32, #tpu.memory_space<hbm>>
    %dma_start3A_687 = arith.constant 0 : i32
    %dma_start3A_688 = tpu.memref_slice %arg3[%dma_start3A_681, %select_n3A, %mul3A_680, %dma_start3A_687] : memref<1x16x1024x1024xf32, #tpu.memory_space<hbm>> -> memref<1x1x32x1024xf32, #tpu.memory_space<hbm>>
    %dma_start3A_689 = tpu.memref_squeeze %dma_start3A_688 : memref<1x1x32x1024xf32, #tpu.memory_space<hbm>> -> memref<32x1024xf32, #tpu.memory_space<hbm>>
    %dma_start3A_690 = arith.constant 0 : i32
    %dma_start3A_691 = tpu.memref_slice %arg4[%dma_start3A_690, %mul3A_678] : memref<32x1920xf32, #tpu.memory_space<vmem>> -> memref<32x1024xf32, #tpu.memory_space<vmem>>
    tpu.enqueue_dma source(%dma_start3A_691 : memref<32x1024xf32, #tpu.memory_space<vmem>>) target(%dma_start3A_689 : memref<32x1024xf32, #tpu.memory_space<hbm>>) target_semaphore(%arg8 : memref<!tpu.dma_semaphore, #tpu.memory_space<semaphore_mem>>)
    %dma_wait3A_692 = arith.constant 3 : i32
    %dma_wait3A_693 = arith.constant 0 : i32
    %dma_wait3A_694 = tpu.memref_slice %arg2[%dma_wait3A_692, %mul3A_505, %dma_wait3A_693] : memref<4x512x1920xf32, #tpu.memory_space<hbm>> -> memref<1x32x1920xf32, #tpu.memory_space<hbm>>
    %dma_wait3A_695 = tpu.memref_squeeze %dma_wait3A_694 : memref<1x32x1920xf32, #tpu.memory_space<hbm>> -> memref<32x1920xf32, #tpu.memory_space<hbm>>
    %dma_wait3A_696 = arith.constant 0 : i32
    %dma_wait3A_697 = tpu.memref_slice %arg2[%dma_wait3A_692, %mul3A_505, %dma_wait3A_696] : memref<4x512x1920xf32, #tpu.memory_space<hbm>> -> memref<1x32x1920xf32, #tpu.memory_space<hbm>>
    %dma_wait3A_698 = tpu.memref_squeeze %dma_wait3A_697 : memref<1x32x1920xf32, #tpu.memory_space<hbm>> -> memref<32x1920xf32, #tpu.memory_space<hbm>>
    tpu.wait_dma2 semaphore(%arg7 : memref<!tpu.dma_semaphore, #tpu.memory_space<semaphore_mem>>) src(%dma_wait3A_698 : memref<32x1920xf32, #tpu.memory_space<hbm>>) dst(%arg5 : memref<32x1920xf32, #tpu.memory_space<vmem>>)
    %add3A_699 = arith.constant 0 : i32
    %add3A_700 = arith.addi %mul3A_32, %add3A_699 : i32
    %sub3A_701 = arith.constant 31 : i32
    %sub3A_702 = arith.subi %sub3A_701, %add3A_700 : i32
    %jit3A_703 = arith.constant 4 : i32
    %div3A_704 = arith.divsi %sub3A_702, %jit3A_703 : i32
    %sign3A_705 = arith.constant 0 : i32
    %sign3A_706 = arith.cmpi sgt, %sub3A_702, %sign3A_705 : i32
    %sign3A_707 = arith.extui %sign3A_706 : i1 to i32
    %sign3A_708 = arith.constant 0 : i32
    %sign3A_709 = arith.cmpi slt, %sub3A_702, %sign3A_708 : i32
    %sign3A_710 = arith.extui %sign3A_709 : i1 to i32
    %sign3A_711 = arith.subi %sign3A_707, %sign3A_710 : i32
    %sign3A_712 = arith.constant 0 : i32
    %sign3A_713 = arith.cmpi sgt, %jit3A_703, %sign3A_712 : i32
    %sign3A_714 = arith.extui %sign3A_713 : i1 to i32
    %sign3A_715 = arith.constant 0 : i32
    %sign3A_716 = arith.cmpi slt, %jit3A_703, %sign3A_715 : i32
    %sign3A_717 = arith.extui %sign3A_716 : i1 to i32
    %sign3A_718 = arith.subi %sign3A_714, %sign3A_717 : i32
    %ne3A_719 = arith.cmpi ne, %sign3A_711, %sign3A_718 : i32
    %rem3A_720 = arith.remsi %sub3A_702, %jit3A_703 : i32
    %ne3A_721 = arith.constant 0 : i32
    %ne3A_722 = arith.cmpi ne, %rem3A_720, %ne3A_721 : i32
    %and3A_723 = arith.andi %ne3A_719, %ne3A_722 : i1
    %sub3A_724 = arith.constant 1 : i32
    %sub3A_725 = arith.subi %div3A_704, %sub3A_724 : i32
    %select_n3A_726 = arith.select %and3A_723, %sub3A_725, %div3A_704 : i32
    %mul3A_727 = arith.constant 128 : i32
    %mul3A_728 = arith.muli %select_n3A_726, %mul3A_727 : i32
    %mul3A_729 = arith.constant 32 : i32
    %mul3A_730 = arith.muli %add3A_700, %mul3A_729 : i32
    %dma_start3A_731 = arith.constant 0 : i32
    %dma_start3A_732 = arith.constant 0 : i32
    %dma_start3A_733 = tpu.memref_slice %arg5[%dma_start3A_732, %mul3A_728] : memref<32x1920xf32, #tpu.memory_space<vmem>> -> memref<32x1024xf32, #tpu.memory_space<vmem>>
    %dma_start3A_734 = arith.constant 0 : i32
    %dma_start3A_735 = tpu.memref_slice %arg3[%dma_start3A_731, %select_n3A, %mul3A_730, %dma_start3A_734] : memref<1x16x1024x1024xf32, #tpu.memory_space<hbm>> -> memref<1x1x32x1024xf32, #tpu.memory_space<hbm>>
    %dma_start3A_736 = tpu.memref_squeeze %dma_start3A_735 : memref<1x1x32x1024xf32, #tpu.memory_space<hbm>> -> memref<32x1024xf32, #tpu.memory_space<hbm>>
    %dma_start3A_737 = arith.constant 0 : i32
    %dma_start3A_738 = tpu.memref_slice %arg3[%dma_start3A_731, %select_n3A, %mul3A_730, %dma_start3A_737] : memref<1x16x1024x1024xf32, #tpu.memory_space<hbm>> -> memref<1x1x32x1024xf32, #tpu.memory_space<hbm>>
    %dma_start3A_739 = tpu.memref_squeeze %dma_start3A_738 : memref<1x1x32x1024xf32, #tpu.memory_space<hbm>> -> memref<32x1024xf32, #tpu.memory_space<hbm>>
    %dma_start3A_740 = arith.constant 0 : i32
    %dma_start3A_741 = tpu.memref_slice %arg5[%dma_start3A_740, %mul3A_728] : memref<32x1920xf32, #tpu.memory_space<vmem>> -> memref<32x1024xf32, #tpu.memory_space<vmem>>
    tpu.enqueue_dma source(%dma_start3A_741 : memref<32x1024xf32, #tpu.memory_space<vmem>>) target(%dma_start3A_739 : memref<32x1024xf32, #tpu.memory_space<hbm>>) target_semaphore(%arg9 : memref<!tpu.dma_semaphore, #tpu.memory_space<semaphore_mem>>)
    %add3A_742 = arith.constant 4 : i32
    %add3A_743 = arith.addi %mul3A_32, %add3A_742 : i32
    %sub3A_744 = arith.constant 31 : i32
    %sub3A_745 = arith.subi %sub3A_744, %add3A_743 : i32
    %jit3A_746 = arith.constant 4 : i32
    %div3A_747 = arith.divsi %sub3A_745, %jit3A_746 : i32
    %sign3A_748 = arith.constant 0 : i32
    %sign3A_749 = arith.cmpi sgt, %sub3A_745, %sign3A_748 : i32
    %sign3A_750 = arith.extui %sign3A_749 : i1 to i32
    %sign3A_751 = arith.constant 0 : i32
    %sign3A_752 = arith.cmpi slt, %sub3A_745, %sign3A_751 : i32
    %sign3A_753 = arith.extui %sign3A_752 : i1 to i32
    %sign3A_754 = arith.subi %sign3A_750, %sign3A_753 : i32
    %sign3A_755 = arith.constant 0 : i32
    %sign3A_756 = arith.cmpi sgt, %jit3A_746, %sign3A_755 : i32
    %sign3A_757 = arith.extui %sign3A_756 : i1 to i32
    %sign3A_758 = arith.constant 0 : i32
    %sign3A_759 = arith.cmpi slt, %jit3A_746, %sign3A_758 : i32
    %sign3A_760 = arith.extui %sign3A_759 : i1 to i32
    %sign3A_761 = arith.subi %sign3A_757, %sign3A_760 : i32
    %ne3A_762 = arith.cmpi ne, %sign3A_754, %sign3A_761 : i32
    %rem3A_763 = arith.remsi %sub3A_745, %jit3A_746 : i32
    %ne3A_764 = arith.constant 0 : i32
    %ne3A_765 = arith.cmpi ne, %rem3A_763, %ne3A_764 : i32
    %and3A_766 = arith.andi %ne3A_762, %ne3A_765 : i1
    %sub3A_767 = arith.constant 1 : i32
    %sub3A_768 = arith.subi %div3A_747, %sub3A_767 : i32
    %select_n3A_769 = arith.select %and3A_766, %sub3A_768, %div3A_747 : i32
    %mul3A_770 = arith.constant 128 : i32
    %mul3A_771 = arith.muli %select_n3A_769, %mul3A_770 : i32
    %mul3A_772 = arith.constant 32 : i32
    %mul3A_773 = arith.muli %add3A_743, %mul3A_772 : i32
    %dma_start3A_774 = arith.constant 0 : i32
    %dma_start3A_775 = arith.constant 0 : i32
    %dma_start3A_776 = tpu.memref_slice %arg5[%dma_start3A_775, %mul3A_771] : memref<32x1920xf32, #tpu.memory_space<vmem>> -> memref<32x1024xf32, #tpu.memory_space<vmem>>
    %dma_start3A_777 = arith.constant 0 : i32
    %dma_start3A_778 = tpu.memref_slice %arg3[%dma_start3A_774, %select_n3A, %mul3A_773, %dma_start3A_777] : memref<1x16x1024x1024xf32, #tpu.memory_space<hbm>> -> memref<1x1x32x1024xf32, #tpu.memory_space<hbm>>
    %dma_start3A_779 = tpu.memref_squeeze %dma_start3A_778 : memref<1x1x32x1024xf32, #tpu.memory_space<hbm>> -> memref<32x1024xf32, #tpu.memory_space<hbm>>
    %dma_start3A_780 = arith.constant 0 : i32
    %dma_start3A_781 = tpu.memref_slice %arg3[%dma_start3A_774, %select_n3A, %mul3A_773, %dma_start3A_780] : memref<1x16x1024x1024xf32, #tpu.memory_space<hbm>> -> memref<1x1x32x1024xf32, #tpu.memory_space<hbm>>
    %dma_start3A_782 = tpu.memref_squeeze %dma_start3A_781 : memref<1x1x32x1024xf32, #tpu.memory_space<hbm>> -> memref<32x1024xf32, #tpu.memory_space<hbm>>
    %dma_start3A_783 = arith.constant 0 : i32
    %dma_start3A_784 = tpu.memref_slice %arg5[%dma_start3A_783, %mul3A_771] : memref<32x1920xf32, #tpu.memory_space<vmem>> -> memref<32x1024xf32, #tpu.memory_space<vmem>>
    tpu.enqueue_dma source(%dma_start3A_784 : memref<32x1024xf32, #tpu.memory_space<vmem>>) target(%dma_start3A_782 : memref<32x1024xf32, #tpu.memory_space<hbm>>) target_semaphore(%arg9 : memref<!tpu.dma_semaphore, #tpu.memory_space<semaphore_mem>>)
    %add3A_785 = arith.constant 8 : i32
    %add3A_786 = arith.addi %mul3A_32, %add3A_785 : i32
    %sub3A_787 = arith.constant 31 : i32
    %sub3A_788 = arith.subi %sub3A_787, %add3A_786 : i32
    %jit3A_789 = arith.constant 4 : i32
    %div3A_790 = arith.divsi %sub3A_788, %jit3A_789 : i32
    %sign3A_791 = arith.constant 0 : i32
    %sign3A_792 = arith.cmpi sgt, %sub3A_788, %sign3A_791 : i32
    %sign3A_793 = arith.extui %sign3A_792 : i1 to i32
    %sign3A_794 = arith.constant 0 : i32
    %sign3A_795 = arith.cmpi slt, %sub3A_788, %sign3A_794 : i32
    %sign3A_796 = arith.extui %sign3A_795 : i1 to i32
    %sign3A_797 = arith.subi %sign3A_793, %sign3A_796 : i32
    %sign3A_798 = arith.constant 0 : i32
    %sign3A_799 = arith.cmpi sgt, %jit3A_789, %sign3A_798 : i32
    %sign3A_800 = arith.extui %sign3A_799 : i1 to i32
    %sign3A_801 = arith.constant 0 : i32
    %sign3A_802 = arith.cmpi slt, %jit3A_789, %sign3A_801 : i32
    %sign3A_803 = arith.extui %sign3A_802 : i1 to i32
    %sign3A_804 = arith.subi %sign3A_800, %sign3A_803 : i32
    %ne3A_805 = arith.cmpi ne, %sign3A_797, %sign3A_804 : i32
    %rem3A_806 = arith.remsi %sub3A_788, %jit3A_789 : i32
    %ne3A_807 = arith.constant 0 : i32
    %ne3A_808 = arith.cmpi ne, %rem3A_806, %ne3A_807 : i32
    %and3A_809 = arith.andi %ne3A_805, %ne3A_808 : i1
    %sub3A_810 = arith.constant 1 : i32
    %sub3A_811 = arith.subi %div3A_790, %sub3A_810 : i32
    %select_n3A_812 = arith.select %and3A_809, %sub3A_811, %div3A_790 : i32
    %mul3A_813 = arith.constant 128 : i32
    %mul3A_814 = arith.muli %select_n3A_812, %mul3A_813 : i32
    %mul3A_815 = arith.constant 32 : i32
    %mul3A_816 = arith.muli %add3A_786, %mul3A_815 : i32
    %dma_start3A_817 = arith.constant 0 : i32
    %dma_start3A_818 = arith.constant 0 : i32
    %dma_start3A_819 = tpu.memref_slice %arg5[%dma_start3A_818, %mul3A_814] : memref<32x1920xf32, #tpu.memory_space<vmem>> -> memref<32x1024xf32, #tpu.memory_space<vmem>>
    %dma_start3A_820 = arith.constant 0 : i32
    %dma_start3A_821 = tpu.memref_slice %arg3[%dma_start3A_817, %select_n3A, %mul3A_816, %dma_start3A_820] : memref<1x16x1024x1024xf32, #tpu.memory_space<hbm>> -> memref<1x1x32x1024xf32, #tpu.memory_space<hbm>>
    %dma_start3A_822 = tpu.memref_squeeze %dma_start3A_821 : memref<1x1x32x1024xf32, #tpu.memory_space<hbm>> -> memref<32x1024xf32, #tpu.memory_space<hbm>>
    %dma_start3A_823 = arith.constant 0 : i32
    %dma_start3A_824 = tpu.memref_slice %arg3[%dma_start3A_817, %select_n3A, %mul3A_816, %dma_start3A_823] : memref<1x16x1024x1024xf32, #tpu.memory_space<hbm>> -> memref<1x1x32x1024xf32, #tpu.memory_space<hbm>>
    %dma_start3A_825 = tpu.memref_squeeze %dma_start3A_824 : memref<1x1x32x1024xf32, #tpu.memory_space<hbm>> -> memref<32x1024xf32, #tpu.memory_space<hbm>>
    %dma_start3A_826 = arith.constant 0 : i32
    %dma_start3A_827 = tpu.memref_slice %arg5[%dma_start3A_826, %mul3A_814] : memref<32x1920xf32, #tpu.memory_space<vmem>> -> memref<32x1024xf32, #tpu.memory_space<vmem>>
    tpu.enqueue_dma source(%dma_start3A_827 : memref<32x1024xf32, #tpu.memory_space<vmem>>) target(%dma_start3A_825 : memref<32x1024xf32, #tpu.memory_space<hbm>>) target_semaphore(%arg9 : memref<!tpu.dma_semaphore, #tpu.memory_space<semaphore_mem>>)
    %add3A_828 = arith.constant 12 : i32
    %add3A_829 = arith.addi %mul3A_32, %add3A_828 : i32
    %sub3A_830 = arith.constant 31 : i32
    %sub3A_831 = arith.subi %sub3A_830, %add3A_829 : i32
    %jit3A_832 = arith.constant 4 : i32
    %div3A_833 = arith.divsi %sub3A_831, %jit3A_832 : i32
    %sign3A_834 = arith.constant 0 : i32
    %sign3A_835 = arith.cmpi sgt, %sub3A_831, %sign3A_834 : i32
    %sign3A_836 = arith.extui %sign3A_835 : i1 to i32
    %sign3A_837 = arith.constant 0 : i32
    %sign3A_838 = arith.cmpi slt, %sub3A_831, %sign3A_837 : i32
    %sign3A_839 = arith.extui %sign3A_838 : i1 to i32
    %sign3A_840 = arith.subi %sign3A_836, %sign3A_839 : i32
    %sign3A_841 = arith.constant 0 : i32
    %sign3A_842 = arith.cmpi sgt, %jit3A_832, %sign3A_841 : i32
    %sign3A_843 = arith.extui %sign3A_842 : i1 to i32
    %sign3A_844 = arith.constant 0 : i32
    %sign3A_845 = arith.cmpi slt, %jit3A_832, %sign3A_844 : i32
    %sign3A_846 = arith.extui %sign3A_845 : i1 to i32
    %sign3A_847 = arith.subi %sign3A_843, %sign3A_846 : i32
    %ne3A_848 = arith.cmpi ne, %sign3A_840, %sign3A_847 : i32
    %rem3A_849 = arith.remsi %sub3A_831, %jit3A_832 : i32
    %ne3A_850 = arith.constant 0 : i32
    %ne3A_851 = arith.cmpi ne, %rem3A_849, %ne3A_850 : i32
    %and3A_852 = arith.andi %ne3A_848, %ne3A_851 : i1
    %sub3A_853 = arith.constant 1 : i32
    %sub3A_854 = arith.subi %div3A_833, %sub3A_853 : i32
    %select_n3A_855 = arith.select %and3A_852, %sub3A_854, %div3A_833 : i32
    %mul3A_856 = arith.constant 128 : i32
    %mul3A_857 = arith.muli %select_n3A_855, %mul3A_856 : i32
    %mul3A_858 = arith.constant 32 : i32
    %mul3A_859 = arith.muli %add3A_829, %mul3A_858 : i32
    %dma_start3A_860 = arith.constant 0 : i32
    %dma_start3A_861 = arith.constant 0 : i32
    %dma_start3A_862 = tpu.memref_slice %arg5[%dma_start3A_861, %mul3A_857] : memref<32x1920xf32, #tpu.memory_space<vmem>> -> memref<32x1024xf32, #tpu.memory_space<vmem>>
    %dma_start3A_863 = arith.constant 0 : i32
    %dma_start3A_864 = tpu.memref_slice %arg3[%dma_start3A_860, %select_n3A, %mul3A_859, %dma_start3A_863] : memref<1x16x1024x1024xf32, #tpu.memory_space<hbm>> -> memref<1x1x32x1024xf32, #tpu.memory_space<hbm>>
    %dma_start3A_865 = tpu.memref_squeeze %dma_start3A_864 : memref<1x1x32x1024xf32, #tpu.memory_space<hbm>> -> memref<32x1024xf32, #tpu.memory_space<hbm>>
    %dma_start3A_866 = arith.constant 0 : i32
    %dma_start3A_867 = tpu.memref_slice %arg3[%dma_start3A_860, %select_n3A, %mul3A_859, %dma_start3A_866] : memref<1x16x1024x1024xf32, #tpu.memory_space<hbm>> -> memref<1x1x32x1024xf32, #tpu.memory_space<hbm>>
    %dma_start3A_868 = tpu.memref_squeeze %dma_start3A_867 : memref<1x1x32x1024xf32, #tpu.memory_space<hbm>> -> memref<32x1024xf32, #tpu.memory_space<hbm>>
    %dma_start3A_869 = arith.constant 0 : i32
    %dma_start3A_870 = tpu.memref_slice %arg5[%dma_start3A_869, %mul3A_857] : memref<32x1920xf32, #tpu.memory_space<vmem>> -> memref<32x1024xf32, #tpu.memory_space<vmem>>
    tpu.enqueue_dma source(%dma_start3A_870 : memref<32x1024xf32, #tpu.memory_space<vmem>>) target(%dma_start3A_868 : memref<32x1024xf32, #tpu.memory_space<hbm>>) target_semaphore(%arg9 : memref<!tpu.dma_semaphore, #tpu.memory_space<semaphore_mem>>)
    %dma_wait3A_871 = arith.constant 0 : i32
    %dma_wait3A_872 = arith.constant 0 : i32
    %dma_wait3A_873 = tpu.memref_slice %arg4[%dma_wait3A_872, %mul3A_549] : memref<32x1920xf32, #tpu.memory_space<vmem>> -> memref<32x1024xf32, #tpu.memory_space<vmem>>
    %dma_wait3A_874 = arith.constant 0 : i32
    %dma_wait3A_875 = tpu.memref_slice %arg3[%dma_wait3A_871, %select_n3A, %mul3A_551, %dma_wait3A_874] : memref<1x16x1024x1024xf32, #tpu.memory_space<hbm>> -> memref<1x1x32x1024xf32, #tpu.memory_space<hbm>>
    %dma_wait3A_876 = tpu.memref_squeeze %dma_wait3A_875 : memref<1x1x32x1024xf32, #tpu.memory_space<hbm>> -> memref<32x1024xf32, #tpu.memory_space<hbm>>
    %dma_wait3A_877 = arith.constant 0 : i32
    %dma_wait3A_878 = tpu.memref_slice %arg3[%dma_wait3A_871, %select_n3A, %mul3A_551, %dma_wait3A_877] : memref<1x16x1024x1024xf32, #tpu.memory_space<hbm>> -> memref<1x1x32x1024xf32, #tpu.memory_space<hbm>>
    %dma_wait3A_879 = tpu.memref_squeeze %dma_wait3A_878 : memref<1x1x32x1024xf32, #tpu.memory_space<hbm>> -> memref<32x1024xf32, #tpu.memory_space<hbm>>
    %dma_wait3A_880 = arith.constant 0 : i32
    %dma_wait3A_881 = tpu.memref_slice %arg4[%dma_wait3A_880, %mul3A_549] : memref<32x1920xf32, #tpu.memory_space<vmem>> -> memref<32x1024xf32, #tpu.memory_space<vmem>>
    tpu.wait_dma2 semaphore(%arg8 : memref<!tpu.dma_semaphore, #tpu.memory_space<semaphore_mem>>) src(%dma_wait3A_881 : memref<32x1024xf32, #tpu.memory_space<vmem>>) dst(%dma_wait3A_879 : memref<32x1024xf32, #tpu.memory_space<hbm>>)
    %dma_wait3A_882 = arith.constant 0 : i32
    %dma_wait3A_883 = arith.constant 0 : i32
    %dma_wait3A_884 = tpu.memref_slice %arg4[%dma_wait3A_883, %mul3A_592] : memref<32x1920xf32, #tpu.memory_space<vmem>> -> memref<32x1024xf32, #tpu.memory_space<vmem>>
    %dma_wait3A_885 = arith.constant 0 : i32
    %dma_wait3A_886 = tpu.memref_slice %arg3[%dma_wait3A_882, %select_n3A, %mul3A_594, %dma_wait3A_885] : memref<1x16x1024x1024xf32, #tpu.memory_space<hbm>> -> memref<1x1x32x1024xf32, #tpu.memory_space<hbm>>
    %dma_wait3A_887 = tpu.memref_squeeze %dma_wait3A_886 : memref<1x1x32x1024xf32, #tpu.memory_space<hbm>> -> memref<32x1024xf32, #tpu.memory_space<hbm>>
    %dma_wait3A_888 = arith.constant 0 : i32
    %dma_wait3A_889 = tpu.memref_slice %arg3[%dma_wait3A_882, %select_n3A, %mul3A_594, %dma_wait3A_888] : memref<1x16x1024x1024xf32, #tpu.memory_space<hbm>> -> memref<1x1x32x1024xf32, #tpu.memory_space<hbm>>
    %dma_wait3A_890 = tpu.memref_squeeze %dma_wait3A_889 : memref<1x1x32x1024xf32, #tpu.memory_space<hbm>> -> memref<32x1024xf32, #tpu.memory_space<hbm>>
    %dma_wait3A_891 = arith.constant 0 : i32
    %dma_wait3A_892 = tpu.memref_slice %arg4[%dma_wait3A_891, %mul3A_592] : memref<32x1920xf32, #tpu.memory_space<vmem>> -> memref<32x1024xf32, #tpu.memory_space<vmem>>
    tpu.wait_dma2 semaphore(%arg8 : memref<!tpu.dma_semaphore, #tpu.memory_space<semaphore_mem>>) src(%dma_wait3A_892 : memref<32x1024xf32, #tpu.memory_space<vmem>>) dst(%dma_wait3A_890 : memref<32x1024xf32, #tpu.memory_space<hbm>>)
    %dma_wait3A_893 = arith.constant 0 : i32
    %dma_wait3A_894 = arith.constant 0 : i32
    %dma_wait3A_895 = tpu.memref_slice %arg4[%dma_wait3A_894, %mul3A_635] : memref<32x1920xf32, #tpu.memory_space<vmem>> -> memref<32x1024xf32, #tpu.memory_space<vmem>>
    %dma_wait3A_896 = arith.constant 0 : i32
    %dma_wait3A_897 = tpu.memref_slice %arg3[%dma_wait3A_893, %select_n3A, %mul3A_637, %dma_wait3A_896] : memref<1x16x1024x1024xf32, #tpu.memory_space<hbm>> -> memref<1x1x32x1024xf32, #tpu.memory_space<hbm>>
    %dma_wait3A_898 = tpu.memref_squeeze %dma_wait3A_897 : memref<1x1x32x1024xf32, #tpu.memory_space<hbm>> -> memref<32x1024xf32, #tpu.memory_space<hbm>>
    %dma_wait3A_899 = arith.constant 0 : i32
    %dma_wait3A_900 = tpu.memref_slice %arg3[%dma_wait3A_893, %select_n3A, %mul3A_637, %dma_wait3A_899] : memref<1x16x1024x1024xf32, #tpu.memory_space<hbm>> -> memref<1x1x32x1024xf32, #tpu.memory_space<hbm>>
    %dma_wait3A_901 = tpu.memref_squeeze %dma_wait3A_900 : memref<1x1x32x1024xf32, #tpu.memory_space<hbm>> -> memref<32x1024xf32, #tpu.memory_space<hbm>>
    %dma_wait3A_902 = arith.constant 0 : i32
    %dma_wait3A_903 = tpu.memref_slice %arg4[%dma_wait3A_902, %mul3A_635] : memref<32x1920xf32, #tpu.memory_space<vmem>> -> memref<32x1024xf32, #tpu.memory_space<vmem>>
    tpu.wait_dma2 semaphore(%arg8 : memref<!tpu.dma_semaphore, #tpu.memory_space<semaphore_mem>>) src(%dma_wait3A_903 : memref<32x1024xf32, #tpu.memory_space<vmem>>) dst(%dma_wait3A_901 : memref<32x1024xf32, #tpu.memory_space<hbm>>)
    %dma_wait3A_904 = arith.constant 0 : i32
    %dma_wait3A_905 = arith.constant 0 : i32
    %dma_wait3A_906 = tpu.memref_slice %arg4[%dma_wait3A_905, %mul3A_678] : memref<32x1920xf32, #tpu.memory_space<vmem>> -> memref<32x1024xf32, #tpu.memory_space<vmem>>
    %dma_wait3A_907 = arith.constant 0 : i32
    %dma_wait3A_908 = tpu.memref_slice %arg3[%dma_wait3A_904, %select_n3A, %mul3A_680, %dma_wait3A_907] : memref<1x16x1024x1024xf32, #tpu.memory_space<hbm>> -> memref<1x1x32x1024xf32, #tpu.memory_space<hbm>>
    %dma_wait3A_909 = tpu.memref_squeeze %dma_wait3A_908 : memref<1x1x32x1024xf32, #tpu.memory_space<hbm>> -> memref<32x1024xf32, #tpu.memory_space<hbm>>
    %dma_wait3A_910 = arith.constant 0 : i32
    %dma_wait3A_911 = tpu.memref_slice %arg3[%dma_wait3A_904, %select_n3A, %mul3A_680, %dma_wait3A_910] : memref<1x16x1024x1024xf32, #tpu.memory_space<hbm>> -> memref<1x1x32x1024xf32, #tpu.memory_space<hbm>>
    %dma_wait3A_912 = tpu.memref_squeeze %dma_wait3A_911 : memref<1x1x32x1024xf32, #tpu.memory_space<hbm>> -> memref<32x1024xf32, #tpu.memory_space<hbm>>
    %dma_wait3A_913 = arith.constant 0 : i32
    %dma_wait3A_914 = tpu.memref_slice %arg4[%dma_wait3A_913, %mul3A_678] : memref<32x1920xf32, #tpu.memory_space<vmem>> -> memref<32x1024xf32, #tpu.memory_space<vmem>>
    tpu.wait_dma2 semaphore(%arg8 : memref<!tpu.dma_semaphore, #tpu.memory_space<semaphore_mem>>) src(%dma_wait3A_914 : memref<32x1024xf32, #tpu.memory_space<vmem>>) dst(%dma_wait3A_912 : memref<32x1024xf32, #tpu.memory_space<hbm>>)
    %dma_wait3A_915 = arith.constant 0 : i32
    %dma_wait3A_916 = arith.constant 0 : i32
    %dma_wait3A_917 = tpu.memref_slice %arg5[%dma_wait3A_916, %mul3A_728] : memref<32x1920xf32, #tpu.memory_space<vmem>> -> memref<32x1024xf32, #tpu.memory_space<vmem>>
    %dma_wait3A_918 = arith.constant 0 : i32
    %dma_wait3A_919 = tpu.memref_slice %arg3[%dma_wait3A_915, %select_n3A, %mul3A_730, %dma_wait3A_918] : memref<1x16x1024x1024xf32, #tpu.memory_space<hbm>> -> memref<1x1x32x1024xf32, #tpu.memory_space<hbm>>
    %dma_wait3A_920 = tpu.memref_squeeze %dma_wait3A_919 : memref<1x1x32x1024xf32, #tpu.memory_space<hbm>> -> memref<32x1024xf32, #tpu.memory_space<hbm>>
    %dma_wait3A_921 = arith.constant 0 : i32
    %dma_wait3A_922 = tpu.memref_slice %arg3[%dma_wait3A_915, %select_n3A, %mul3A_730, %dma_wait3A_921] : memref<1x16x1024x1024xf32, #tpu.memory_space<hbm>> -> memref<1x1x32x1024xf32, #tpu.memory_space<hbm>>
    %dma_wait3A_923 = tpu.memref_squeeze %dma_wait3A_922 : memref<1x1x32x1024xf32, #tpu.memory_space<hbm>> -> memref<32x1024xf32, #tpu.memory_space<hbm>>
    %dma_wait3A_924 = arith.constant 0 : i32
    %dma_wait3A_925 = tpu.memref_slice %arg5[%dma_wait3A_924, %mul3A_728] : memref<32x1920xf32, #tpu.memory_space<vmem>> -> memref<32x1024xf32, #tpu.memory_space<vmem>>
    tpu.wait_dma2 semaphore(%arg9 : memref<!tpu.dma_semaphore, #tpu.memory_space<semaphore_mem>>) src(%dma_wait3A_925 : memref<32x1024xf32, #tpu.memory_space<vmem>>) dst(%dma_wait3A_923 : memref<32x1024xf32, #tpu.memory_space<hbm>>)
    %dma_wait3A_926 = arith.constant 0 : i32
    %dma_wait3A_927 = arith.constant 0 : i32
    %dma_wait3A_928 = tpu.memref_slice %arg5[%dma_wait3A_927, %mul3A_771] : memref<32x1920xf32, #tpu.memory_space<vmem>> -> memref<32x1024xf32, #tpu.memory_space<vmem>>
    %dma_wait3A_929 = arith.constant 0 : i32
    %dma_wait3A_930 = tpu.memref_slice %arg3[%dma_wait3A_926, %select_n3A, %mul3A_773, %dma_wait3A_929] : memref<1x16x1024x1024xf32, #tpu.memory_space<hbm>> -> memref<1x1x32x1024xf32, #tpu.memory_space<hbm>>
    %dma_wait3A_931 = tpu.memref_squeeze %dma_wait3A_930 : memref<1x1x32x1024xf32, #tpu.memory_space<hbm>> -> memref<32x1024xf32, #tpu.memory_space<hbm>>
    %dma_wait3A_932 = arith.constant 0 : i32
    %dma_wait3A_933 = tpu.memref_slice %arg3[%dma_wait3A_926, %select_n3A, %mul3A_773, %dma_wait3A_932] : memref<1x16x1024x1024xf32, #tpu.memory_space<hbm>> -> memref<1x1x32x1024xf32, #tpu.memory_space<hbm>>
    %dma_wait3A_934 = tpu.memref_squeeze %dma_wait3A_933 : memref<1x1x32x1024xf32, #tpu.memory_space<hbm>> -> memref<32x1024xf32, #tpu.memory_space<hbm>>
    %dma_wait3A_935 = arith.constant 0 : i32
    %dma_wait3A_936 = tpu.memref_slice %arg5[%dma_wait3A_935, %mul3A_771] : memref<32x1920xf32, #tpu.memory_space<vmem>> -> memref<32x1024xf32, #tpu.memory_space<vmem>>
    tpu.wait_dma2 semaphore(%arg9 : memref<!tpu.dma_semaphore, #tpu.memory_space<semaphore_mem>>) src(%dma_wait3A_936 : memref<32x1024xf32, #tpu.memory_space<vmem>>) dst(%dma_wait3A_934 : memref<32x1024xf32, #tpu.memory_space<hbm>>)
    %dma_wait3A_937 = arith.constant 0 : i32
    %dma_wait3A_938 = arith.constant 0 : i32
    %dma_wait3A_939 = tpu.memref_slice %arg5[%dma_wait3A_938, %mul3A_814] : memref<32x1920xf32, #tpu.memory_space<vmem>> -> memref<32x1024xf32, #tpu.memory_space<vmem>>
    %dma_wait3A_940 = arith.constant 0 : i32
    %dma_wait3A_941 = tpu.memref_slice %arg3[%dma_wait3A_937, %select_n3A, %mul3A_816, %dma_wait3A_940] : memref<1x16x1024x1024xf32, #tpu.memory_space<hbm>> -> memref<1x1x32x1024xf32, #tpu.memory_space<hbm>>
    %dma_wait3A_942 = tpu.memref_squeeze %dma_wait3A_941 : memref<1x1x32x1024xf32, #tpu.memory_space<hbm>> -> memref<32x1024xf32, #tpu.memory_space<hbm>>
    %dma_wait3A_943 = arith.constant 0 : i32
    %dma_wait3A_944 = tpu.memref_slice %arg3[%dma_wait3A_937, %select_n3A, %mul3A_816, %dma_wait3A_943] : memref<1x16x1024x1024xf32, #tpu.memory_space<hbm>> -> memref<1x1x32x1024xf32, #tpu.memory_space<hbm>>
    %dma_wait3A_945 = tpu.memref_squeeze %dma_wait3A_944 : memref<1x1x32x1024xf32, #tpu.memory_space<hbm>> -> memref<32x1024xf32, #tpu.memory_space<hbm>>
    %dma_wait3A_946 = arith.constant 0 : i32
    %dma_wait3A_947 = tpu.memref_slice %arg5[%dma_wait3A_946, %mul3A_814] : memref<32x1920xf32, #tpu.memory_space<vmem>> -> memref<32x1024xf32, #tpu.memory_space<vmem>>
    tpu.wait_dma2 semaphore(%arg9 : memref<!tpu.dma_semaphore, #tpu.memory_space<semaphore_mem>>) src(%dma_wait3A_947 : memref<32x1024xf32, #tpu.memory_space<vmem>>) dst(%dma_wait3A_945 : memref<32x1024xf32, #tpu.memory_space<hbm>>)
    %dma_wait3A_948 = arith.constant 0 : i32
    %dma_wait3A_949 = arith.constant 0 : i32
    %dma_wait3A_950 = tpu.memref_slice %arg5[%dma_wait3A_949, %mul3A_857] : memref<32x1920xf32, #tpu.memory_space<vmem>> -> memref<32x1024xf32, #tpu.memory_space<vmem>>
    %dma_wait3A_951 = arith.constant 0 : i32
    %dma_wait3A_952 = tpu.memref_slice %arg3[%dma_wait3A_948, %select_n3A, %mul3A_859, %dma_wait3A_951] : memref<1x16x1024x1024xf32, #tpu.memory_space<hbm>> -> memref<1x1x32x1024xf32, #tpu.memory_space<hbm>>
    %dma_wait3A_953 = tpu.memref_squeeze %dma_wait3A_952 : memref<1x1x32x1024xf32, #tpu.memory_space<hbm>> -> memref<32x1024xf32, #tpu.memory_space<hbm>>
    %dma_wait3A_954 = arith.constant 0 : i32
    %dma_wait3A_955 = tpu.memref_slice %arg3[%dma_wait3A_948, %select_n3A, %mul3A_859, %dma_wait3A_954] : memref<1x16x1024x1024xf32, #tpu.memory_space<hbm>> -> memref<1x1x32x1024xf32, #tpu.memory_space<hbm>>
    %dma_wait3A_956 = tpu.memref_squeeze %dma_wait3A_955 : memref<1x1x32x1024xf32, #tpu.memory_space<hbm>> -> memref<32x1024xf32, #tpu.memory_space<hbm>>
    %dma_wait3A_957 = arith.constant 0 : i32
    %dma_wait3A_958 = tpu.memref_slice %arg5[%dma_wait3A_957, %mul3A_857] : memref<32x1920xf32, #tpu.memory_space<vmem>> -> memref<32x1024xf32, #tpu.memory_space<vmem>>
    tpu.wait_dma2 semaphore(%arg9 : memref<!tpu.dma_semaphore, #tpu.memory_space<semaphore_mem>>) src(%dma_wait3A_958 : memref<32x1024xf32, #tpu.memory_space<vmem>>) dst(%dma_wait3A_956 : memref<32x1024xf32, #tpu.memory_space<hbm>>)
    return
  }
}

module attributes {stable_mosaic.version = 14 : i64} {
  func.func @_phase_body(%arg0: i32, %arg1: memref<4x63x63xf32, #tpu.memory_space<vmem>>, %arg2: memref<4x128x1920xf32, #tpu.memory_space<vmem>>, %arg3: memref<4x32x63x32xf32, #tpu.memory_space<vmem>>) attributes {dimension_semantics = [#tpu.dimension_semantics<arbitrary>], iteration_bounds = array<i64: 4>, scalar_prefetch = 0 : i64, scratch_operands = 1 : i64, tpu.core_type = #tpu.core_type<tc>, window_params = [{transform_indices = @transform_0, window_bounds = array<i64: 4, 63, 63>}, {transform_indices = @transform_1, window_bounds = array<i64: 4, 128, 1920>}]} {
    %iota3A = tpu.iota {dimensions = array<i32: 0>} : vector<63x63xi32>
    %iota3A_0 = tpu.iota {dimensions = array<i32: 1>} : vector<63x63xi32>
    %add3A = arith.addi %iota3A, %iota3A_0 : vector<63x63xi32>
    %eq3A = arith.constant 62 : i32
    %eq3A_1 = vector.broadcast %eq3A : i32 to vector<63x63xi32>
    %eq3A_2 = arith.cmpi eq, %add3A, %eq3A_1 : vector<63x63xi32>
    %convert_element_type3A = arith.extui %eq3A_2 : vector<63x63xi1> to vector<63x63xi32>
    %convert_element_type3A_3 = arith.sitofp %convert_element_type3A : vector<63x63xi32> to vector<63x63xf32>
    %get3A = arith.constant 0 : index
    %get3A_4 = arith.constant 0 : index
    %get3A_5 = arith.constant 0 : index
    %get3A_6 = vector.load %arg1[%get3A, %get3A_4, %get3A_5] : memref<4x63x63xf32, #tpu.memory_space<vmem>>, vector<1x63x63xf32>
    %get3A_7 = vector.shape_cast %get3A_6 : vector<1x63x63xf32> to vector<63x63xf32>
    %dot_general3A = arith.constant dense<0.000000e+00> : vector<63x63xf32>
    %dot_general3A_8 = tpu.matmul %get3A_7, %convert_element_type3A_3, %dot_general3A {dimension_numbers = #tpu.dot_dimension_numbers<[1], [0], [0], [1], [0, 0, 1, 1], [], []>, precision = #tpu.contract_precision<fp32>, transpose_lhs_hint = false} : vector<63x63xf32>, vector<63x63xf32>, vector<63x63xf32> -> vector<63x63xf32>
    %dot_general3A_9 = arith.constant dense<0.000000e+00> : vector<63x63xf32>
    %dot_general3A_10 = tpu.matmul %convert_element_type3A_3, %dot_general3A_8, %dot_general3A_9 {dimension_numbers = #tpu.dot_dimension_numbers<[1], [0], [0], [1], [0, 0, 1, 1], [], []>, precision = #tpu.contract_precision<fp32>, transpose_lhs_hint = false} : vector<63x63xf32>, vector<63x63xf32>, vector<63x63xf32> -> vector<63x63xf32>
    %slice3A = vector.extract_strided_slice %dot_general3A_10 {offsets = [0, 31], sizes = [63, 32], strides = [1, 1]} : vector<63x63xf32> to vector<63x32xf32>
    %swap3A = arith.constant 0 : index
    %swap3A_11 = arith.constant 0 : index
    %swap3A_12 = arith.constant 0 : index
    %swap3A_13 = arith.constant 0 : index
    %swap3A_14 = vector.load %arg3[%swap3A, %swap3A_11, %swap3A_12, %swap3A_13] : memref<4x32x63x32xf32, #tpu.memory_space<vmem>>, vector<1x1x63x32xf32>
    %swap3A_15 = vector.shape_cast %swap3A_14 : vector<1x1x63x32xf32> to vector<63x32xf32>
    %swap3A_16 = vector.shape_cast %slice3A : vector<63x32xf32> to vector<1x1x63x32xf32>
    tpu.vector_store %arg3[%swap3A, %swap3A_11, %swap3A_12, %swap3A_13], %swap3A_16 {strides = array<i32>} : memref<4x32x63x32xf32, #tpu.memory_space<vmem>>, vector<1x1x63x32xf32>,
    %slice3A_17 = vector.extract_strided_slice %dot_general3A_10 {offsets = [0, 30], sizes = [63, 32], strides = [1, 1]} : vector<63x63xf32> to vector<63x32xf32>
    %swap3A_18 = arith.constant 0 : index
    %swap3A_19 = arith.constant 1 : index
    %swap3A_20 = arith.constant 0 : index
    %swap3A_21 = arith.constant 0 : index
    %swap3A_22 = vector.load %arg3[%swap3A_18, %swap3A_19, %swap3A_20, %swap3A_21] : memref<4x32x63x32xf32, #tpu.memory_space<vmem>>, vector<1x1x63x32xf32>
    %swap3A_23 = vector.shape_cast %swap3A_22 : vector<1x1x63x32xf32> to vector<63x32xf32>
    %swap3A_24 = vector.shape_cast %slice3A_17 : vector<63x32xf32> to vector<1x1x63x32xf32>
    tpu.vector_store %arg3[%swap3A_18, %swap3A_19, %swap3A_20, %swap3A_21], %swap3A_24 {strides = array<i32>} : memref<4x32x63x32xf32, #tpu.memory_space<vmem>>, vector<1x1x63x32xf32>,
    %slice3A_25 = vector.extract_strided_slice %dot_general3A_10 {offsets = [0, 29], sizes = [63, 32], strides = [1, 1]} : vector<63x63xf32> to vector<63x32xf32>
    %swap3A_26 = arith.constant 0 : index
    %swap3A_27 = arith.constant 2 : index
    %swap3A_28 = arith.constant 0 : index
    %swap3A_29 = arith.constant 0 : index
    %swap3A_30 = vector.load %arg3[%swap3A_26, %swap3A_27, %swap3A_28, %swap3A_29] : memref<4x32x63x32xf32, #tpu.memory_space<vmem>>, vector<1x1x63x32xf32>
    %swap3A_31 = vector.shape_cast %swap3A_30 : vector<1x1x63x32xf32> to vector<63x32xf32>
    %swap3A_32 = vector.shape_cast %slice3A_25 : vector<63x32xf32> to vector<1x1x63x32xf32>
    tpu.vector_store %arg3[%swap3A_26, %swap3A_27, %swap3A_28, %swap3A_29], %swap3A_32 {strides = array<i32>} : memref<4x32x63x32xf32, #tpu.memory_space<vmem>>, vector<1x1x63x32xf32>,
    %slice3A_33 = vector.extract_strided_slice %dot_general3A_10 {offsets = [0, 28], sizes = [63, 32], strides = [1, 1]} : vector<63x63xf32> to vector<63x32xf32>
    %swap3A_34 = arith.constant 0 : index
    %swap3A_35 = arith.constant 3 : index
    %swap3A_36 = arith.constant 0 : index
    %swap3A_37 = arith.constant 0 : index
    %swap3A_38 = vector.load %arg3[%swap3A_34, %swap3A_35, %swap3A_36, %swap3A_37] : memref<4x32x63x32xf32, #tpu.memory_space<vmem>>, vector<1x1x63x32xf32>
    %swap3A_39 = vector.shape_cast %swap3A_38 : vector<1x1x63x32xf32> to vector<63x32xf32>
    %swap3A_40 = vector.shape_cast %slice3A_33 : vector<63x32xf32> to vector<1x1x63x32xf32>
    tpu.vector_store %arg3[%swap3A_34, %swap3A_35, %swap3A_36, %swap3A_37], %swap3A_40 {strides = array<i32>} : memref<4x32x63x32xf32, #tpu.memory_space<vmem>>, vector<1x1x63x32xf32>,
    %slice3A_41 = vector.extract_strided_slice %dot_general3A_10 {offsets = [0, 27], sizes = [63, 32], strides = [1, 1]} : vector<63x63xf32> to vector<63x32xf32>
    %swap3A_42 = arith.constant 0 : index
    %swap3A_43 = arith.constant 4 : index
    %swap3A_44 = arith.constant 0 : index
    %swap3A_45 = arith.constant 0 : index
    %swap3A_46 = vector.load %arg3[%swap3A_42, %swap3A_43, %swap3A_44, %swap3A_45] : memref<4x32x63x32xf32, #tpu.memory_space<vmem>>, vector<1x1x63x32xf32>
    %swap3A_47 = vector.shape_cast %swap3A_46 : vector<1x1x63x32xf32> to vector<63x32xf32>
    %swap3A_48 = vector.shape_cast %slice3A_41 : vector<63x32xf32> to vector<1x1x63x32xf32>
    tpu.vector_store %arg3[%swap3A_42, %swap3A_43, %swap3A_44, %swap3A_45], %swap3A_48 {strides = array<i32>} : memref<4x32x63x32xf32, #tpu.memory_space<vmem>>, vector<1x1x63x32xf32>,
    %slice3A_49 = vector.extract_strided_slice %dot_general3A_10 {offsets = [0, 26], sizes = [63, 32], strides = [1, 1]} : vector<63x63xf32> to vector<63x32xf32>
    %swap3A_50 = arith.constant 0 : index
    %swap3A_51 = arith.constant 5 : index
    %swap3A_52 = arith.constant 0 : index
    %swap3A_53 = arith.constant 0 : index
    %swap3A_54 = vector.load %arg3[%swap3A_50, %swap3A_51, %swap3A_52, %swap3A_53] : memref<4x32x63x32xf32, #tpu.memory_space<vmem>>, vector<1x1x63x32xf32>
    %swap3A_55 = vector.shape_cast %swap3A_54 : vector<1x1x63x32xf32> to vector<63x32xf32>
    %swap3A_56 = vector.shape_cast %slice3A_49 : vector<63x32xf32> to vector<1x1x63x32xf32>
    tpu.vector_store %arg3[%swap3A_50, %swap3A_51, %swap3A_52, %swap3A_53], %swap3A_56 {strides = array<i32>} : memref<4x32x63x32xf32, #tpu.memory_space<vmem>>, vector<1x1x63x32xf32>,
    %slice3A_57 = vector.extract_strided_slice %dot_general3A_10 {offsets = [0, 25], sizes = [63, 32], strides = [1, 1]} : vector<63x63xf32> to vector<63x32xf32>
    %swap3A_58 = arith.constant 0 : index
    %swap3A_59 = arith.constant 6 : index
    %swap3A_60 = arith.constant 0 : index
    %swap3A_61 = arith.constant 0 : index
    %swap3A_62 = vector.load %arg3[%swap3A_58, %swap3A_59, %swap3A_60, %swap3A_61] : memref<4x32x63x32xf32, #tpu.memory_space<vmem>>, vector<1x1x63x32xf32>
    %swap3A_63 = vector.shape_cast %swap3A_62 : vector<1x1x63x32xf32> to vector<63x32xf32>
    %swap3A_64 = vector.shape_cast %slice3A_57 : vector<63x32xf32> to vector<1x1x63x32xf32>
    tpu.vector_store %arg3[%swap3A_58, %swap3A_59, %swap3A_60, %swap3A_61], %swap3A_64 {strides = array<i32>} : memref<4x32x63x32xf32, #tpu.memory_space<vmem>>, vector<1x1x63x32xf32>,
    %slice3A_65 = vector.extract_strided_slice %dot_general3A_10 {offsets = [0, 24], sizes = [63, 32], strides = [1, 1]} : vector<63x63xf32> to vector<63x32xf32>
    %swap3A_66 = arith.constant 0 : index
    %swap3A_67 = arith.constant 7 : index
    %swap3A_68 = arith.constant 0 : index
    %swap3A_69 = arith.constant 0 : index
    %swap3A_70 = vector.load %arg3[%swap3A_66, %swap3A_67, %swap3A_68, %swap3A_69] : memref<4x32x63x32xf32, #tpu.memory_space<vmem>>, vector<1x1x63x32xf32>
    %swap3A_71 = vector.shape_cast %swap3A_70 : vector<1x1x63x32xf32> to vector<63x32xf32>
    %swap3A_72 = vector.shape_cast %slice3A_65 : vector<63x32xf32> to vector<1x1x63x32xf32>
    tpu.vector_store %arg3[%swap3A_66, %swap3A_67, %swap3A_68, %swap3A_69], %swap3A_72 {strides = array<i32>} : memref<4x32x63x32xf32, #tpu.memory_space<vmem>>, vector<1x1x63x32xf32>,
    %slice3A_73 = vector.extract_strided_slice %dot_general3A_10 {offsets = [0, 23], sizes = [63, 32], strides = [1, 1]} : vector<63x63xf32> to vector<63x32xf32>
    %swap3A_74 = arith.constant 0 : index
    %swap3A_75 = arith.constant 8 : index
    %swap3A_76 = arith.constant 0 : index
    %swap3A_77 = arith.constant 0 : index
    %swap3A_78 = vector.load %arg3[%swap3A_74, %swap3A_75, %swap3A_76, %swap3A_77] : memref<4x32x63x32xf32, #tpu.memory_space<vmem>>, vector<1x1x63x32xf32>
    %swap3A_79 = vector.shape_cast %swap3A_78 : vector<1x1x63x32xf32> to vector<63x32xf32>
    %swap3A_80 = vector.shape_cast %slice3A_73 : vector<63x32xf32> to vector<1x1x63x32xf32>
    tpu.vector_store %arg3[%swap3A_74, %swap3A_75, %swap3A_76, %swap3A_77], %swap3A_80 {strides = array<i32>} : memref<4x32x63x32xf32, #tpu.memory_space<vmem>>, vector<1x1x63x32xf32>,
    %slice3A_81 = vector.extract_strided_slice %dot_general3A_10 {offsets = [0, 22], sizes = [63, 32], strides = [1, 1]} : vector<63x63xf32> to vector<63x32xf32>
    %swap3A_82 = arith.constant 0 : index
    %swap3A_83 = arith.constant 9 : index
    %swap3A_84 = arith.constant 0 : index
    %swap3A_85 = arith.constant 0 : index
    %swap3A_86 = vector.load %arg3[%swap3A_82, %swap3A_83, %swap3A_84, %swap3A_85] : memref<4x32x63x32xf32, #tpu.memory_space<vmem>>, vector<1x1x63x32xf32>
    %swap3A_87 = vector.shape_cast %swap3A_86 : vector<1x1x63x32xf32> to vector<63x32xf32>
    %swap3A_88 = vector.shape_cast %slice3A_81 : vector<63x32xf32> to vector<1x1x63x32xf32>
    tpu.vector_store %arg3[%swap3A_82, %swap3A_83, %swap3A_84, %swap3A_85], %swap3A_88 {strides = array<i32>} : memref<4x32x63x32xf32, #tpu.memory_space<vmem>>, vector<1x1x63x32xf32>,
    %slice3A_89 = vector.extract_strided_slice %dot_general3A_10 {offsets = [0, 21], sizes = [63, 32], strides = [1, 1]} : vector<63x63xf32> to vector<63x32xf32>
    %swap3A_90 = arith.constant 0 : index
    %swap3A_91 = arith.constant 10 : index
    %swap3A_92 = arith.constant 0 : index
    %swap3A_93 = arith.constant 0 : index
    %swap3A_94 = vector.load %arg3[%swap3A_90, %swap3A_91, %swap3A_92, %swap3A_93] : memref<4x32x63x32xf32, #tpu.memory_space<vmem>>, vector<1x1x63x32xf32>
    %swap3A_95 = vector.shape_cast %swap3A_94 : vector<1x1x63x32xf32> to vector<63x32xf32>
    %swap3A_96 = vector.shape_cast %slice3A_89 : vector<63x32xf32> to vector<1x1x63x32xf32>
    tpu.vector_store %arg3[%swap3A_90, %swap3A_91, %swap3A_92, %swap3A_93], %swap3A_96 {strides = array<i32>} : memref<4x32x63x32xf32, #tpu.memory_space<vmem>>, vector<1x1x63x32xf32>,
    %slice3A_97 = vector.extract_strided_slice %dot_general3A_10 {offsets = [0, 20], sizes = [63, 32], strides = [1, 1]} : vector<63x63xf32> to vector<63x32xf32>
    %swap3A_98 = arith.constant 0 : index
    %swap3A_99 = arith.constant 11 : index
    %swap3A_100 = arith.constant 0 : index
    %swap3A_101 = arith.constant 0 : index
    %swap3A_102 = vector.load %arg3[%swap3A_98, %swap3A_99, %swap3A_100, %swap3A_101] : memref<4x32x63x32xf32, #tpu.memory_space<vmem>>, vector<1x1x63x32xf32>
    %swap3A_103 = vector.shape_cast %swap3A_102 : vector<1x1x63x32xf32> to vector<63x32xf32>
    %swap3A_104 = vector.shape_cast %slice3A_97 : vector<63x32xf32> to vector<1x1x63x32xf32>
    tpu.vector_store %arg3[%swap3A_98, %swap3A_99, %swap3A_100, %swap3A_101], %swap3A_104 {strides = array<i32>} : memref<4x32x63x32xf32, #tpu.memory_space<vmem>>, vector<1x1x63x32xf32>,
    %slice3A_105 = vector.extract_strided_slice %dot_general3A_10 {offsets = [0, 19], sizes = [63, 32], strides = [1, 1]} : vector<63x63xf32> to vector<63x32xf32>
    %swap3A_106 = arith.constant 0 : index
    %swap3A_107 = arith.constant 12 : index
    %swap3A_108 = arith.constant 0 : index
    %swap3A_109 = arith.constant 0 : index
    %swap3A_110 = vector.load %arg3[%swap3A_106, %swap3A_107, %swap3A_108, %swap3A_109] : memref<4x32x63x32xf32, #tpu.memory_space<vmem>>, vector<1x1x63x32xf32>
    %swap3A_111 = vector.shape_cast %swap3A_110 : vector<1x1x63x32xf32> to vector<63x32xf32>
    %swap3A_112 = vector.shape_cast %slice3A_105 : vector<63x32xf32> to vector<1x1x63x32xf32>
    tpu.vector_store %arg3[%swap3A_106, %swap3A_107, %swap3A_108, %swap3A_109], %swap3A_112 {strides = array<i32>} : memref<4x32x63x32xf32, #tpu.memory_space<vmem>>, vector<1x1x63x32xf32>,
    %slice3A_113 = vector.extract_strided_slice %dot_general3A_10 {offsets = [0, 18], sizes = [63, 32], strides = [1, 1]} : vector<63x63xf32> to vector<63x32xf32>
    %swap3A_114 = arith.constant 0 : index
    %swap3A_115 = arith.constant 13 : index
    %swap3A_116 = arith.constant 0 : index
    %swap3A_117 = arith.constant 0 : index
    %swap3A_118 = vector.load %arg3[%swap3A_114, %swap3A_115, %swap3A_116, %swap3A_117] : memref<4x32x63x32xf32, #tpu.memory_space<vmem>>, vector<1x1x63x32xf32>
    %swap3A_119 = vector.shape_cast %swap3A_118 : vector<1x1x63x32xf32> to vector<63x32xf32>
    %swap3A_120 = vector.shape_cast %slice3A_113 : vector<63x32xf32> to vector<1x1x63x32xf32>
    tpu.vector_store %arg3[%swap3A_114, %swap3A_115, %swap3A_116, %swap3A_117], %swap3A_120 {strides = array<i32>} : memref<4x32x63x32xf32, #tpu.memory_space<vmem>>, vector<1x1x63x32xf32>,
    %slice3A_121 = vector.extract_strided_slice %dot_general3A_10 {offsets = [0, 17], sizes = [63, 32], strides = [1, 1]} : vector<63x63xf32> to vector<63x32xf32>
    %swap3A_122 = arith.constant 0 : index
    %swap3A_123 = arith.constant 14 : index
    %swap3A_124 = arith.constant 0 : index
    %swap3A_125 = arith.constant 0 : index
    %swap3A_126 = vector.load %arg3[%swap3A_122, %swap3A_123, %swap3A_124, %swap3A_125] : memref<4x32x63x32xf32, #tpu.memory_space<vmem>>, vector<1x1x63x32xf32>
    %swap3A_127 = vector.shape_cast %swap3A_126 : vector<1x1x63x32xf32> to vector<63x32xf32>
    %swap3A_128 = vector.shape_cast %slice3A_121 : vector<63x32xf32> to vector<1x1x63x32xf32>
    tpu.vector_store %arg3[%swap3A_122, %swap3A_123, %swap3A_124, %swap3A_125], %swap3A_128 {strides = array<i32>} : memref<4x32x63x32xf32, #tpu.memory_space<vmem>>, vector<1x1x63x32xf32>,
    %slice3A_129 = vector.extract_strided_slice %dot_general3A_10 {offsets = [0, 16], sizes = [63, 32], strides = [1, 1]} : vector<63x63xf32> to vector<63x32xf32>
    %swap3A_130 = arith.constant 0 : index
    %swap3A_131 = arith.constant 15 : index
    %swap3A_132 = arith.constant 0 : index
    %swap3A_133 = arith.constant 0 : index
    %swap3A_134 = vector.load %arg3[%swap3A_130, %swap3A_131, %swap3A_132, %swap3A_133] : memref<4x32x63x32xf32, #tpu.memory_space<vmem>>, vector<1x1x63x32xf32>
    %swap3A_135 = vector.shape_cast %swap3A_134 : vector<1x1x63x32xf32> to vector<63x32xf32>
    %swap3A_136 = vector.shape_cast %slice3A_129 : vector<63x32xf32> to vector<1x1x63x32xf32>
    tpu.vector_store %arg3[%swap3A_130, %swap3A_131, %swap3A_132, %swap3A_133], %swap3A_136 {strides = array<i32>} : memref<4x32x63x32xf32, #tpu.memory_space<vmem>>, vector<1x1x63x32xf32>,
    %slice3A_137 = vector.extract_strided_slice %dot_general3A_10 {offsets = [0, 15], sizes = [63, 32], strides = [1, 1]} : vector<63x63xf32> to vector<63x32xf32>
    %swap3A_138 = arith.constant 0 : index
    %swap3A_139 = arith.constant 16 : index
    %swap3A_140 = arith.constant 0 : index
    %swap3A_141 = arith.constant 0 : index
    %swap3A_142 = vector.load %arg3[%swap3A_138, %swap3A_139, %swap3A_140, %swap3A_141] : memref<4x32x63x32xf32, #tpu.memory_space<vmem>>, vector<1x1x63x32xf32>
    %swap3A_143 = vector.shape_cast %swap3A_142 : vector<1x1x63x32xf32> to vector<63x32xf32>
    %swap3A_144 = vector.shape_cast %slice3A_137 : vector<63x32xf32> to vector<1x1x63x32xf32>
    tpu.vector_store %arg3[%swap3A_138, %swap3A_139, %swap3A_140, %swap3A_141], %swap3A_144 {strides = array<i32>} : memref<4x32x63x32xf32, #tpu.memory_space<vmem>>, vector<1x1x63x32xf32>,
    %slice3A_145 = vector.extract_strided_slice %dot_general3A_10 {offsets = [0, 14], sizes = [63, 32], strides = [1, 1]} : vector<63x63xf32> to vector<63x32xf32>
    %swap3A_146 = arith.constant 0 : index
    %swap3A_147 = arith.constant 17 : index
    %swap3A_148 = arith.constant 0 : index
    %swap3A_149 = arith.constant 0 : index
    %swap3A_150 = vector.load %arg3[%swap3A_146, %swap3A_147, %swap3A_148, %swap3A_149] : memref<4x32x63x32xf32, #tpu.memory_space<vmem>>, vector<1x1x63x32xf32>
    %swap3A_151 = vector.shape_cast %swap3A_150 : vector<1x1x63x32xf32> to vector<63x32xf32>
    %swap3A_152 = vector.shape_cast %slice3A_145 : vector<63x32xf32> to vector<1x1x63x32xf32>
    tpu.vector_store %arg3[%swap3A_146, %swap3A_147, %swap3A_148, %swap3A_149], %swap3A_152 {strides = array<i32>} : memref<4x32x63x32xf32, #tpu.memory_space<vmem>>, vector<1x1x63x32xf32>,
    %slice3A_153 = vector.extract_strided_slice %dot_general3A_10 {offsets = [0, 13], sizes = [63, 32], strides = [1, 1]} : vector<63x63xf32> to vector<63x32xf32>
    %swap3A_154 = arith.constant 0 : index
    %swap3A_155 = arith.constant 18 : index
    %swap3A_156 = arith.constant 0 : index
    %swap3A_157 = arith.constant 0 : index
    %swap3A_158 = vector.load %arg3[%swap3A_154, %swap3A_155, %swap3A_156, %swap3A_157] : memref<4x32x63x32xf32, #tpu.memory_space<vmem>>, vector<1x1x63x32xf32>
    %swap3A_159 = vector.shape_cast %swap3A_158 : vector<1x1x63x32xf32> to vector<63x32xf32>
    %swap3A_160 = vector.shape_cast %slice3A_153 : vector<63x32xf32> to vector<1x1x63x32xf32>
    tpu.vector_store %arg3[%swap3A_154, %swap3A_155, %swap3A_156, %swap3A_157], %swap3A_160 {strides = array<i32>} : memref<4x32x63x32xf32, #tpu.memory_space<vmem>>, vector<1x1x63x32xf32>,
    %slice3A_161 = vector.extract_strided_slice %dot_general3A_10 {offsets = [0, 12], sizes = [63, 32], strides = [1, 1]} : vector<63x63xf32> to vector<63x32xf32>
    %swap3A_162 = arith.constant 0 : index
    %swap3A_163 = arith.constant 19 : index
    %swap3A_164 = arith.constant 0 : index
    %swap3A_165 = arith.constant 0 : index
    %swap3A_166 = vector.load %arg3[%swap3A_162, %swap3A_163, %swap3A_164, %swap3A_165] : memref<4x32x63x32xf32, #tpu.memory_space<vmem>>, vector<1x1x63x32xf32>
    %swap3A_167 = vector.shape_cast %swap3A_166 : vector<1x1x63x32xf32> to vector<63x32xf32>
    %swap3A_168 = vector.shape_cast %slice3A_161 : vector<63x32xf32> to vector<1x1x63x32xf32>
    tpu.vector_store %arg3[%swap3A_162, %swap3A_163, %swap3A_164, %swap3A_165], %swap3A_168 {strides = array<i32>} : memref<4x32x63x32xf32, #tpu.memory_space<vmem>>, vector<1x1x63x32xf32>,
    %slice3A_169 = vector.extract_strided_slice %dot_general3A_10 {offsets = [0, 11], sizes = [63, 32], strides = [1, 1]} : vector<63x63xf32> to vector<63x32xf32>
    %swap3A_170 = arith.constant 0 : index
    %swap3A_171 = arith.constant 20 : index
    %swap3A_172 = arith.constant 0 : index
    %swap3A_173 = arith.constant 0 : index
    %swap3A_174 = vector.load %arg3[%swap3A_170, %swap3A_171, %swap3A_172, %swap3A_173] : memref<4x32x63x32xf32, #tpu.memory_space<vmem>>, vector<1x1x63x32xf32>
    %swap3A_175 = vector.shape_cast %swap3A_174 : vector<1x1x63x32xf32> to vector<63x32xf32>
    %swap3A_176 = vector.shape_cast %slice3A_169 : vector<63x32xf32> to vector<1x1x63x32xf32>
    tpu.vector_store %arg3[%swap3A_170, %swap3A_171, %swap3A_172, %swap3A_173], %swap3A_176 {strides = array<i32>} : memref<4x32x63x32xf32, #tpu.memory_space<vmem>>, vector<1x1x63x32xf32>,
    %slice3A_177 = vector.extract_strided_slice %dot_general3A_10 {offsets = [0, 10], sizes = [63, 32], strides = [1, 1]} : vector<63x63xf32> to vector<63x32xf32>
    %swap3A_178 = arith.constant 0 : index
    %swap3A_179 = arith.constant 21 : index
    %swap3A_180 = arith.constant 0 : index
    %swap3A_181 = arith.constant 0 : index
    %swap3A_182 = vector.load %arg3[%swap3A_178, %swap3A_179, %swap3A_180, %swap3A_181] : memref<4x32x63x32xf32, #tpu.memory_space<vmem>>, vector<1x1x63x32xf32>
    %swap3A_183 = vector.shape_cast %swap3A_182 : vector<1x1x63x32xf32> to vector<63x32xf32>
    %swap3A_184 = vector.shape_cast %slice3A_177 : vector<63x32xf32> to vector<1x1x63x32xf32>
    tpu.vector_store %arg3[%swap3A_178, %swap3A_179, %swap3A_180, %swap3A_181], %swap3A_184 {strides = array<i32>} : memref<4x32x63x32xf32, #tpu.memory_space<vmem>>, vector<1x1x63x32xf32>,
    %slice3A_185 = vector.extract_strided_slice %dot_general3A_10 {offsets = [0, 9], sizes = [63, 32], strides = [1, 1]} : vector<63x63xf32> to vector<63x32xf32>
    %swap3A_186 = arith.constant 0 : index
    %swap3A_187 = arith.constant 22 : index
    %swap3A_188 = arith.constant 0 : index
    %swap3A_189 = arith.constant 0 : index
    %swap3A_190 = vector.load %arg3[%swap3A_186, %swap3A_187, %swap3A_188, %swap3A_189] : memref<4x32x63x32xf32, #tpu.memory_space<vmem>>, vector<1x1x63x32xf32>
    %swap3A_191 = vector.shape_cast %swap3A_190 : vector<1x1x63x32xf32> to vector<63x32xf32>
    %swap3A_192 = vector.shape_cast %slice3A_185 : vector<63x32xf32> to vector<1x1x63x32xf32>
    tpu.vector_store %arg3[%swap3A_186, %swap3A_187, %swap3A_188, %swap3A_189], %swap3A_192 {strides = array<i32>} : memref<4x32x63x32xf32, #tpu.memory_space<vmem>>, vector<1x1x63x32xf32>,
    %slice3A_193 = vector.extract_strided_slice %dot_general3A_10 {offsets = [0, 8], sizes = [63, 32], strides = [1, 1]} : vector<63x63xf32> to vector<63x32xf32>
    %swap3A_194 = arith.constant 0 : index
    %swap3A_195 = arith.constant 23 : index
    %swap3A_196 = arith.constant 0 : index
    %swap3A_197 = arith.constant 0 : index
    %swap3A_198 = vector.load %arg3[%swap3A_194, %swap3A_195, %swap3A_196, %swap3A_197] : memref<4x32x63x32xf32, #tpu.memory_space<vmem>>, vector<1x1x63x32xf32>
    %swap3A_199 = vector.shape_cast %swap3A_198 : vector<1x1x63x32xf32> to vector<63x32xf32>
    %swap3A_200 = vector.shape_cast %slice3A_193 : vector<63x32xf32> to vector<1x1x63x32xf32>
    tpu.vector_store %arg3[%swap3A_194, %swap3A_195, %swap3A_196, %swap3A_197], %swap3A_200 {strides = array<i32>} : memref<4x32x63x32xf32, #tpu.memory_space<vmem>>, vector<1x1x63x32xf32>,
    %slice3A_201 = vector.extract_strided_slice %dot_general3A_10 {offsets = [0, 7], sizes = [63, 32], strides = [1, 1]} : vector<63x63xf32> to vector<63x32xf32>
    %swap3A_202 = arith.constant 0 : index
    %swap3A_203 = arith.constant 24 : index
    %swap3A_204 = arith.constant 0 : index
    %swap3A_205 = arith.constant 0 : index
    %swap3A_206 = vector.load %arg3[%swap3A_202, %swap3A_203, %swap3A_204, %swap3A_205] : memref<4x32x63x32xf32, #tpu.memory_space<vmem>>, vector<1x1x63x32xf32>
    %swap3A_207 = vector.shape_cast %swap3A_206 : vector<1x1x63x32xf32> to vector<63x32xf32>
    %swap3A_208 = vector.shape_cast %slice3A_201 : vector<63x32xf32> to vector<1x1x63x32xf32>
    tpu.vector_store %arg3[%swap3A_202, %swap3A_203, %swap3A_204, %swap3A_205], %swap3A_208 {strides = array<i32>} : memref<4x32x63x32xf32, #tpu.memory_space<vmem>>, vector<1x1x63x32xf32>,
    %slice3A_209 = vector.extract_strided_slice %dot_general3A_10 {offsets = [0, 6], sizes = [63, 32], strides = [1, 1]} : vector<63x63xf32> to vector<63x32xf32>
    %swap3A_210 = arith.constant 0 : index
    %swap3A_211 = arith.constant 25 : index
    %swap3A_212 = arith.constant 0 : index
    %swap3A_213 = arith.constant 0 : index
    %swap3A_214 = vector.load %arg3[%swap3A_210, %swap3A_211, %swap3A_212, %swap3A_213] : memref<4x32x63x32xf32, #tpu.memory_space<vmem>>, vector<1x1x63x32xf32>
    %swap3A_215 = vector.shape_cast %swap3A_214 : vector<1x1x63x32xf32> to vector<63x32xf32>
    %swap3A_216 = vector.shape_cast %slice3A_209 : vector<63x32xf32> to vector<1x1x63x32xf32>
    tpu.vector_store %arg3[%swap3A_210, %swap3A_211, %swap3A_212, %swap3A_213], %swap3A_216 {strides = array<i32>} : memref<4x32x63x32xf32, #tpu.memory_space<vmem>>, vector<1x1x63x32xf32>,
    %slice3A_217 = vector.extract_strided_slice %dot_general3A_10 {offsets = [0, 5], sizes = [63, 32], strides = [1, 1]} : vector<63x63xf32> to vector<63x32xf32>
    %swap3A_218 = arith.constant 0 : index
    %swap3A_219 = arith.constant 26 : index
    %swap3A_220 = arith.constant 0 : index
    %swap3A_221 = arith.constant 0 : index
    %swap3A_222 = vector.load %arg3[%swap3A_218, %swap3A_219, %swap3A_220, %swap3A_221] : memref<4x32x63x32xf32, #tpu.memory_space<vmem>>, vector<1x1x63x32xf32>
    %swap3A_223 = vector.shape_cast %swap3A_222 : vector<1x1x63x32xf32> to vector<63x32xf32>
    %swap3A_224 = vector.shape_cast %slice3A_217 : vector<63x32xf32> to vector<1x1x63x32xf32>
    tpu.vector_store %arg3[%swap3A_218, %swap3A_219, %swap3A_220, %swap3A_221], %swap3A_224 {strides = array<i32>} : memref<4x32x63x32xf32, #tpu.memory_space<vmem>>, vector<1x1x63x32xf32>,
    %slice3A_225 = vector.extract_strided_slice %dot_general3A_10 {offsets = [0, 4], sizes = [63, 32], strides = [1, 1]} : vector<63x63xf32> to vector<63x32xf32>
    %swap3A_226 = arith.constant 0 : index
    %swap3A_227 = arith.constant 27 : index
    %swap3A_228 = arith.constant 0 : index
    %swap3A_229 = arith.constant 0 : index
    %swap3A_230 = vector.load %arg3[%swap3A_226, %swap3A_227, %swap3A_228, %swap3A_229] : memref<4x32x63x32xf32, #tpu.memory_space<vmem>>, vector<1x1x63x32xf32>
    %swap3A_231 = vector.shape_cast %swap3A_230 : vector<1x1x63x32xf32> to vector<63x32xf32>
    %swap3A_232 = vector.shape_cast %slice3A_225 : vector<63x32xf32> to vector<1x1x63x32xf32>
    tpu.vector_store %arg3[%swap3A_226, %swap3A_227, %swap3A_228, %swap3A_229], %swap3A_232 {strides = array<i32>} : memref<4x32x63x32xf32, #tpu.memory_space<vmem>>, vector<1x1x63x32xf32>,
    %slice3A_233 = vector.extract_strided_slice %dot_general3A_10 {offsets = [0, 3], sizes = [63, 32], strides = [1, 1]} : vector<63x63xf32> to vector<63x32xf32>
    %swap3A_234 = arith.constant 0 : index
    %swap3A_235 = arith.constant 28 : index
    %swap3A_236 = arith.constant 0 : index
    %swap3A_237 = arith.constant 0 : index
    %swap3A_238 = vector.load %arg3[%swap3A_234, %swap3A_235, %swap3A_236, %swap3A_237] : memref<4x32x63x32xf32, #tpu.memory_space<vmem>>, vector<1x1x63x32xf32>
    %swap3A_239 = vector.shape_cast %swap3A_238 : vector<1x1x63x32xf32> to vector<63x32xf32>
    %swap3A_240 = vector.shape_cast %slice3A_233 : vector<63x32xf32> to vector<1x1x63x32xf32>
    tpu.vector_store %arg3[%swap3A_234, %swap3A_235, %swap3A_236, %swap3A_237], %swap3A_240 {strides = array<i32>} : memref<4x32x63x32xf32, #tpu.memory_space<vmem>>, vector<1x1x63x32xf32>,
    %slice3A_241 = vector.extract_strided_slice %dot_general3A_10 {offsets = [0, 2], sizes = [63, 32], strides = [1, 1]} : vector<63x63xf32> to vector<63x32xf32>
    %swap3A_242 = arith.constant 0 : index
    %swap3A_243 = arith.constant 29 : index
    %swap3A_244 = arith.constant 0 : index
    %swap3A_245 = arith.constant 0 : index
    %swap3A_246 = vector.load %arg3[%swap3A_242, %swap3A_243, %swap3A_244, %swap3A_245] : memref<4x32x63x32xf32, #tpu.memory_space<vmem>>, vector<1x1x63x32xf32>
    %swap3A_247 = vector.shape_cast %swap3A_246 : vector<1x1x63x32xf32> to vector<63x32xf32>
    %swap3A_248 = vector.shape_cast %slice3A_241 : vector<63x32xf32> to vector<1x1x63x32xf32>
    tpu.vector_store %arg3[%swap3A_242, %swap3A_243, %swap3A_244, %swap3A_245], %swap3A_248 {strides = array<i32>} : memref<4x32x63x32xf32, #tpu.memory_space<vmem>>, vector<1x1x63x32xf32>,
    %slice3A_249 = vector.extract_strided_slice %dot_general3A_10 {offsets = [0, 1], sizes = [63, 32], strides = [1, 1]} : vector<63x63xf32> to vector<63x32xf32>
    %swap3A_250 = arith.constant 0 : index
    %swap3A_251 = arith.constant 30 : index
    %swap3A_252 = arith.constant 0 : index
    %swap3A_253 = arith.constant 0 : index
    %swap3A_254 = vector.load %arg3[%swap3A_250, %swap3A_251, %swap3A_252, %swap3A_253] : memref<4x32x63x32xf32, #tpu.memory_space<vmem>>, vector<1x1x63x32xf32>
    %swap3A_255 = vector.shape_cast %swap3A_254 : vector<1x1x63x32xf32> to vector<63x32xf32>
    %swap3A_256 = vector.shape_cast %slice3A_249 : vector<63x32xf32> to vector<1x1x63x32xf32>
    tpu.vector_store %arg3[%swap3A_250, %swap3A_251, %swap3A_252, %swap3A_253], %swap3A_256 {strides = array<i32>} : memref<4x32x63x32xf32, #tpu.memory_space<vmem>>, vector<1x1x63x32xf32>,
    %slice3A_257 = vector.extract_strided_slice %dot_general3A_10 {offsets = [0, 0], sizes = [63, 32], strides = [1, 1]} : vector<63x63xf32> to vector<63x32xf32>
    %swap3A_258 = arith.constant 0 : index
    %swap3A_259 = arith.constant 31 : index
    %swap3A_260 = arith.constant 0 : index
    %swap3A_261 = arith.constant 0 : index
    %swap3A_262 = vector.load %arg3[%swap3A_258, %swap3A_259, %swap3A_260, %swap3A_261] : memref<4x32x63x32xf32, #tpu.memory_space<vmem>>, vector<1x1x63x32xf32>
    %swap3A_263 = vector.shape_cast %swap3A_262 : vector<1x1x63x32xf32> to vector<63x32xf32>
    %swap3A_264 = vector.shape_cast %slice3A_257 : vector<63x32xf32> to vector<1x1x63x32xf32>
    tpu.vector_store %arg3[%swap3A_258, %swap3A_259, %swap3A_260, %swap3A_261], %swap3A_264 {strides = array<i32>} : memref<4x32x63x32xf32, #tpu.memory_space<vmem>>, vector<1x1x63x32xf32>,
    %get3A_265 = arith.constant 1 : index
    %get3A_266 = arith.constant 0 : index
    %get3A_267 = arith.constant 0 : index
    %get3A_268 = vector.load %arg1[%get3A_265, %get3A_266, %get3A_267] : memref<4x63x63xf32, #tpu.memory_space<vmem>>, vector<1x63x63xf32>
    %get3A_269 = vector.shape_cast %get3A_268 : vector<1x63x63xf32> to vector<63x63xf32>
    %dot_general3A_270 = arith.constant dense<0.000000e+00> : vector<63x63xf32>
    %dot_general3A_271 = tpu.matmul %get3A_269, %convert_element_type3A_3, %dot_general3A_270 {dimension_numbers = #tpu.dot_dimension_numbers<[1], [0], [0], [1], [0, 0, 1, 1], [], []>, precision = #tpu.contract_precision<fp32>, transpose_lhs_hint = false} : vector<63x63xf32>, vector<63x63xf32>, vector<63x63xf32> -> vector<63x63xf32>
    %dot_general3A_272 = arith.constant dense<0.000000e+00> : vector<63x63xf32>
    %dot_general3A_273 = tpu.matmul %convert_element_type3A_3, %dot_general3A_271, %dot_general3A_272 {dimension_numbers = #tpu.dot_dimension_numbers<[1], [0], [0], [1], [0, 0, 1, 1], [], []>, precision = #tpu.contract_precision<fp32>, transpose_lhs_hint = false} : vector<63x63xf32>, vector<63x63xf32>, vector<63x63xf32> -> vector<63x63xf32>
    %slice3A_274 = vector.extract_strided_slice %dot_general3A_273 {offsets = [0, 31], sizes = [63, 32], strides = [1, 1]} : vector<63x63xf32> to vector<63x32xf32>
    %swap3A_275 = arith.constant 1 : index
    %swap3A_276 = arith.constant 0 : index
    %swap3A_277 = arith.constant 0 : index
    %swap3A_278 = arith.constant 0 : index
    %swap3A_279 = vector.load %arg3[%swap3A_275, %swap3A_276, %swap3A_277, %swap3A_278] : memref<4x32x63x32xf32, #tpu.memory_space<vmem>>, vector<1x1x63x32xf32>
    %swap3A_280 = vector.shape_cast %swap3A_279 : vector<1x1x63x32xf32> to vector<63x32xf32>
    %swap3A_281 = vector.shape_cast %slice3A_274 : vector<63x32xf32> to vector<1x1x63x32xf32>
    tpu.vector_store %arg3[%swap3A_275, %swap3A_276, %swap3A_277, %swap3A_278], %swap3A_281 {strides = array<i32>} : memref<4x32x63x32xf32, #tpu.memory_space<vmem>>, vector<1x1x63x32xf32>,
    %slice3A_282 = vector.extract_strided_slice %dot_general3A_273 {offsets = [0, 30], sizes = [63, 32], strides = [1, 1]} : vector<63x63xf32> to vector<63x32xf32>
    %swap3A_283 = arith.constant 1 : index
    %swap3A_284 = arith.constant 1 : index
    %swap3A_285 = arith.constant 0 : index
    %swap3A_286 = arith.constant 0 : index
    %swap3A_287 = vector.load %arg3[%swap3A_283, %swap3A_284, %swap3A_285, %swap3A_286] : memref<4x32x63x32xf32, #tpu.memory_space<vmem>>, vector<1x1x63x32xf32>
    %swap3A_288 = vector.shape_cast %swap3A_287 : vector<1x1x63x32xf32> to vector<63x32xf32>
    %swap3A_289 = vector.shape_cast %slice3A_282 : vector<63x32xf32> to vector<1x1x63x32xf32>
    tpu.vector_store %arg3[%swap3A_283, %swap3A_284, %swap3A_285, %swap3A_286], %swap3A_289 {strides = array<i32>} : memref<4x32x63x32xf32, #tpu.memory_space<vmem>>, vector<1x1x63x32xf32>,
    %slice3A_290 = vector.extract_strided_slice %dot_general3A_273 {offsets = [0, 29], sizes = [63, 32], strides = [1, 1]} : vector<63x63xf32> to vector<63x32xf32>
    %swap3A_291 = arith.constant 1 : index
    %swap3A_292 = arith.constant 2 : index
    %swap3A_293 = arith.constant 0 : index
    %swap3A_294 = arith.constant 0 : index
    %swap3A_295 = vector.load %arg3[%swap3A_291, %swap3A_292, %swap3A_293, %swap3A_294] : memref<4x32x63x32xf32, #tpu.memory_space<vmem>>, vector<1x1x63x32xf32>
    %swap3A_296 = vector.shape_cast %swap3A_295 : vector<1x1x63x32xf32> to vector<63x32xf32>
    %swap3A_297 = vector.shape_cast %slice3A_290 : vector<63x32xf32> to vector<1x1x63x32xf32>
    tpu.vector_store %arg3[%swap3A_291, %swap3A_292, %swap3A_293, %swap3A_294], %swap3A_297 {strides = array<i32>} : memref<4x32x63x32xf32, #tpu.memory_space<vmem>>, vector<1x1x63x32xf32>,
    %slice3A_298 = vector.extract_strided_slice %dot_general3A_273 {offsets = [0, 28], sizes = [63, 32], strides = [1, 1]} : vector<63x63xf32> to vector<63x32xf32>
    %swap3A_299 = arith.constant 1 : index
    %swap3A_300 = arith.constant 3 : index
    %swap3A_301 = arith.constant 0 : index
    %swap3A_302 = arith.constant 0 : index
    %swap3A_303 = vector.load %arg3[%swap3A_299, %swap3A_300, %swap3A_301, %swap3A_302] : memref<4x32x63x32xf32, #tpu.memory_space<vmem>>, vector<1x1x63x32xf32>
    %swap3A_304 = vector.shape_cast %swap3A_303 : vector<1x1x63x32xf32> to vector<63x32xf32>
    %swap3A_305 = vector.shape_cast %slice3A_298 : vector<63x32xf32> to vector<1x1x63x32xf32>
    tpu.vector_store %arg3[%swap3A_299, %swap3A_300, %swap3A_301, %swap3A_302], %swap3A_305 {strides = array<i32>} : memref<4x32x63x32xf32, #tpu.memory_space<vmem>>, vector<1x1x63x32xf32>,
    %slice3A_306 = vector.extract_strided_slice %dot_general3A_273 {offsets = [0, 27], sizes = [63, 32], strides = [1, 1]} : vector<63x63xf32> to vector<63x32xf32>
    %swap3A_307 = arith.constant 1 : index
    %swap3A_308 = arith.constant 4 : index
    %swap3A_309 = arith.constant 0 : index
    %swap3A_310 = arith.constant 0 : index
    %swap3A_311 = vector.load %arg3[%swap3A_307, %swap3A_308, %swap3A_309, %swap3A_310] : memref<4x32x63x32xf32, #tpu.memory_space<vmem>>, vector<1x1x63x32xf32>
    %swap3A_312 = vector.shape_cast %swap3A_311 : vector<1x1x63x32xf32> to vector<63x32xf32>
    %swap3A_313 = vector.shape_cast %slice3A_306 : vector<63x32xf32> to vector<1x1x63x32xf32>
    tpu.vector_store %arg3[%swap3A_307, %swap3A_308, %swap3A_309, %swap3A_310], %swap3A_313 {strides = array<i32>} : memref<4x32x63x32xf32, #tpu.memory_space<vmem>>, vector<1x1x63x32xf32>,
    %slice3A_314 = vector.extract_strided_slice %dot_general3A_273 {offsets = [0, 26], sizes = [63, 32], strides = [1, 1]} : vector<63x63xf32> to vector<63x32xf32>
    %swap3A_315 = arith.constant 1 : index
    %swap3A_316 = arith.constant 5 : index
    %swap3A_317 = arith.constant 0 : index
    %swap3A_318 = arith.constant 0 : index
    %swap3A_319 = vector.load %arg3[%swap3A_315, %swap3A_316, %swap3A_317, %swap3A_318] : memref<4x32x63x32xf32, #tpu.memory_space<vmem>>, vector<1x1x63x32xf32>
    %swap3A_320 = vector.shape_cast %swap3A_319 : vector<1x1x63x32xf32> to vector<63x32xf32>
    %swap3A_321 = vector.shape_cast %slice3A_314 : vector<63x32xf32> to vector<1x1x63x32xf32>
    tpu.vector_store %arg3[%swap3A_315, %swap3A_316, %swap3A_317, %swap3A_318], %swap3A_321 {strides = array<i32>} : memref<4x32x63x32xf32, #tpu.memory_space<vmem>>, vector<1x1x63x32xf32>,
    %slice3A_322 = vector.extract_strided_slice %dot_general3A_273 {offsets = [0, 25], sizes = [63, 32], strides = [1, 1]} : vector<63x63xf32> to vector<63x32xf32>
    %swap3A_323 = arith.constant 1 : index
    %swap3A_324 = arith.constant 6 : index
    %swap3A_325 = arith.constant 0 : index
    %swap3A_326 = arith.constant 0 : index
    %swap3A_327 = vector.load %arg3[%swap3A_323, %swap3A_324, %swap3A_325, %swap3A_326] : memref<4x32x63x32xf32, #tpu.memory_space<vmem>>, vector<1x1x63x32xf32>
    %swap3A_328 = vector.shape_cast %swap3A_327 : vector<1x1x63x32xf32> to vector<63x32xf32>
    %swap3A_329 = vector.shape_cast %slice3A_322 : vector<63x32xf32> to vector<1x1x63x32xf32>
    tpu.vector_store %arg3[%swap3A_323, %swap3A_324, %swap3A_325, %swap3A_326], %swap3A_329 {strides = array<i32>} : memref<4x32x63x32xf32, #tpu.memory_space<vmem>>, vector<1x1x63x32xf32>,
    %slice3A_330 = vector.extract_strided_slice %dot_general3A_273 {offsets = [0, 24], sizes = [63, 32], strides = [1, 1]} : vector<63x63xf32> to vector<63x32xf32>
    %swap3A_331 = arith.constant 1 : index
    %swap3A_332 = arith.constant 7 : index
    %swap3A_333 = arith.constant 0 : index
    %swap3A_334 = arith.constant 0 : index
    %swap3A_335 = vector.load %arg3[%swap3A_331, %swap3A_332, %swap3A_333, %swap3A_334] : memref<4x32x63x32xf32, #tpu.memory_space<vmem>>, vector<1x1x63x32xf32>
    %swap3A_336 = vector.shape_cast %swap3A_335 : vector<1x1x63x32xf32> to vector<63x32xf32>
    %swap3A_337 = vector.shape_cast %slice3A_330 : vector<63x32xf32> to vector<1x1x63x32xf32>
    tpu.vector_store %arg3[%swap3A_331, %swap3A_332, %swap3A_333, %swap3A_334], %swap3A_337 {strides = array<i32>} : memref<4x32x63x32xf32, #tpu.memory_space<vmem>>, vector<1x1x63x32xf32>,
    %slice3A_338 = vector.extract_strided_slice %dot_general3A_273 {offsets = [0, 23], sizes = [63, 32], strides = [1, 1]} : vector<63x63xf32> to vector<63x32xf32>
    %swap3A_339 = arith.constant 1 : index
    %swap3A_340 = arith.constant 8 : index
    %swap3A_341 = arith.constant 0 : index
    %swap3A_342 = arith.constant 0 : index
    %swap3A_343 = vector.load %arg3[%swap3A_339, %swap3A_340, %swap3A_341, %swap3A_342] : memref<4x32x63x32xf32, #tpu.memory_space<vmem>>, vector<1x1x63x32xf32>
    %swap3A_344 = vector.shape_cast %swap3A_343 : vector<1x1x63x32xf32> to vector<63x32xf32>
    %swap3A_345 = vector.shape_cast %slice3A_338 : vector<63x32xf32> to vector<1x1x63x32xf32>
    tpu.vector_store %arg3[%swap3A_339, %swap3A_340, %swap3A_341, %swap3A_342], %swap3A_345 {strides = array<i32>} : memref<4x32x63x32xf32, #tpu.memory_space<vmem>>, vector<1x1x63x32xf32>,
    %slice3A_346 = vector.extract_strided_slice %dot_general3A_273 {offsets = [0, 22], sizes = [63, 32], strides = [1, 1]} : vector<63x63xf32> to vector<63x32xf32>
    %swap3A_347 = arith.constant 1 : index
    %swap3A_348 = arith.constant 9 : index
    %swap3A_349 = arith.constant 0 : index
    %swap3A_350 = arith.constant 0 : index
    %swap3A_351 = vector.load %arg3[%swap3A_347, %swap3A_348, %swap3A_349, %swap3A_350] : memref<4x32x63x32xf32, #tpu.memory_space<vmem>>, vector<1x1x63x32xf32>
    %swap3A_352 = vector.shape_cast %swap3A_351 : vector<1x1x63x32xf32> to vector<63x32xf32>
    %swap3A_353 = vector.shape_cast %slice3A_346 : vector<63x32xf32> to vector<1x1x63x32xf32>
    tpu.vector_store %arg3[%swap3A_347, %swap3A_348, %swap3A_349, %swap3A_350], %swap3A_353 {strides = array<i32>} : memref<4x32x63x32xf32, #tpu.memory_space<vmem>>, vector<1x1x63x32xf32>,
    %slice3A_354 = vector.extract_strided_slice %dot_general3A_273 {offsets = [0, 21], sizes = [63, 32], strides = [1, 1]} : vector<63x63xf32> to vector<63x32xf32>
    %swap3A_355 = arith.constant 1 : index
    %swap3A_356 = arith.constant 10 : index
    %swap3A_357 = arith.constant 0 : index
    %swap3A_358 = arith.constant 0 : index
    %swap3A_359 = vector.load %arg3[%swap3A_355, %swap3A_356, %swap3A_357, %swap3A_358] : memref<4x32x63x32xf32, #tpu.memory_space<vmem>>, vector<1x1x63x32xf32>
    %swap3A_360 = vector.shape_cast %swap3A_359 : vector<1x1x63x32xf32> to vector<63x32xf32>
    %swap3A_361 = vector.shape_cast %slice3A_354 : vector<63x32xf32> to vector<1x1x63x32xf32>
    tpu.vector_store %arg3[%swap3A_355, %swap3A_356, %swap3A_357, %swap3A_358], %swap3A_361 {strides = array<i32>} : memref<4x32x63x32xf32, #tpu.memory_space<vmem>>, vector<1x1x63x32xf32>,
    %slice3A_362 = vector.extract_strided_slice %dot_general3A_273 {offsets = [0, 20], sizes = [63, 32], strides = [1, 1]} : vector<63x63xf32> to vector<63x32xf32>
    %swap3A_363 = arith.constant 1 : index
    %swap3A_364 = arith.constant 11 : index
    %swap3A_365 = arith.constant 0 : index
    %swap3A_366 = arith.constant 0 : index
    %swap3A_367 = vector.load %arg3[%swap3A_363, %swap3A_364, %swap3A_365, %swap3A_366] : memref<4x32x63x32xf32, #tpu.memory_space<vmem>>, vector<1x1x63x32xf32>
    %swap3A_368 = vector.shape_cast %swap3A_367 : vector<1x1x63x32xf32> to vector<63x32xf32>
    %swap3A_369 = vector.shape_cast %slice3A_362 : vector<63x32xf32> to vector<1x1x63x32xf32>
    tpu.vector_store %arg3[%swap3A_363, %swap3A_364, %swap3A_365, %swap3A_366], %swap3A_369 {strides = array<i32>} : memref<4x32x63x32xf32, #tpu.memory_space<vmem>>, vector<1x1x63x32xf32>,
    %slice3A_370 = vector.extract_strided_slice %dot_general3A_273 {offsets = [0, 19], sizes = [63, 32], strides = [1, 1]} : vector<63x63xf32> to vector<63x32xf32>
    %swap3A_371 = arith.constant 1 : index
    %swap3A_372 = arith.constant 12 : index
    %swap3A_373 = arith.constant 0 : index
    %swap3A_374 = arith.constant 0 : index
    %swap3A_375 = vector.load %arg3[%swap3A_371, %swap3A_372, %swap3A_373, %swap3A_374] : memref<4x32x63x32xf32, #tpu.memory_space<vmem>>, vector<1x1x63x32xf32>
    %swap3A_376 = vector.shape_cast %swap3A_375 : vector<1x1x63x32xf32> to vector<63x32xf32>
    %swap3A_377 = vector.shape_cast %slice3A_370 : vector<63x32xf32> to vector<1x1x63x32xf32>
    tpu.vector_store %arg3[%swap3A_371, %swap3A_372, %swap3A_373, %swap3A_374], %swap3A_377 {strides = array<i32>} : memref<4x32x63x32xf32, #tpu.memory_space<vmem>>, vector<1x1x63x32xf32>,
    %slice3A_378 = vector.extract_strided_slice %dot_general3A_273 {offsets = [0, 18], sizes = [63, 32], strides = [1, 1]} : vector<63x63xf32> to vector<63x32xf32>
    %swap3A_379 = arith.constant 1 : index
    %swap3A_380 = arith.constant 13 : index
    %swap3A_381 = arith.constant 0 : index
    %swap3A_382 = arith.constant 0 : index
    %swap3A_383 = vector.load %arg3[%swap3A_379, %swap3A_380, %swap3A_381, %swap3A_382] : memref<4x32x63x32xf32, #tpu.memory_space<vmem>>, vector<1x1x63x32xf32>
    %swap3A_384 = vector.shape_cast %swap3A_383 : vector<1x1x63x32xf32> to vector<63x32xf32>
    %swap3A_385 = vector.shape_cast %slice3A_378 : vector<63x32xf32> to vector<1x1x63x32xf32>
    tpu.vector_store %arg3[%swap3A_379, %swap3A_380, %swap3A_381, %swap3A_382], %swap3A_385 {strides = array<i32>} : memref<4x32x63x32xf32, #tpu.memory_space<vmem>>, vector<1x1x63x32xf32>,
    %slice3A_386 = vector.extract_strided_slice %dot_general3A_273 {offsets = [0, 17], sizes = [63, 32], strides = [1, 1]} : vector<63x63xf32> to vector<63x32xf32>
    %swap3A_387 = arith.constant 1 : index
    %swap3A_388 = arith.constant 14 : index
    %swap3A_389 = arith.constant 0 : index
    %swap3A_390 = arith.constant 0 : index
    %swap3A_391 = vector.load %arg3[%swap3A_387, %swap3A_388, %swap3A_389, %swap3A_390] : memref<4x32x63x32xf32, #tpu.memory_space<vmem>>, vector<1x1x63x32xf32>
    %swap3A_392 = vector.shape_cast %swap3A_391 : vector<1x1x63x32xf32> to vector<63x32xf32>
    %swap3A_393 = vector.shape_cast %slice3A_386 : vector<63x32xf32> to vector<1x1x63x32xf32>
    tpu.vector_store %arg3[%swap3A_387, %swap3A_388, %swap3A_389, %swap3A_390], %swap3A_393 {strides = array<i32>} : memref<4x32x63x32xf32, #tpu.memory_space<vmem>>, vector<1x1x63x32xf32>,
    %slice3A_394 = vector.extract_strided_slice %dot_general3A_273 {offsets = [0, 16], sizes = [63, 32], strides = [1, 1]} : vector<63x63xf32> to vector<63x32xf32>
    %swap3A_395 = arith.constant 1 : index
    %swap3A_396 = arith.constant 15 : index
    %swap3A_397 = arith.constant 0 : index
    %swap3A_398 = arith.constant 0 : index
    %swap3A_399 = vector.load %arg3[%swap3A_395, %swap3A_396, %swap3A_397, %swap3A_398] : memref<4x32x63x32xf32, #tpu.memory_space<vmem>>, vector<1x1x63x32xf32>
    %swap3A_400 = vector.shape_cast %swap3A_399 : vector<1x1x63x32xf32> to vector<63x32xf32>
    %swap3A_401 = vector.shape_cast %slice3A_394 : vector<63x32xf32> to vector<1x1x63x32xf32>
    tpu.vector_store %arg3[%swap3A_395, %swap3A_396, %swap3A_397, %swap3A_398], %swap3A_401 {strides = array<i32>} : memref<4x32x63x32xf32, #tpu.memory_space<vmem>>, vector<1x1x63x32xf32>,
    %slice3A_402 = vector.extract_strided_slice %dot_general3A_273 {offsets = [0, 15], sizes = [63, 32], strides = [1, 1]} : vector<63x63xf32> to vector<63x32xf32>
    %swap3A_403 = arith.constant 1 : index
    %swap3A_404 = arith.constant 16 : index
    %swap3A_405 = arith.constant 0 : index
    %swap3A_406 = arith.constant 0 : index
    %swap3A_407 = vector.load %arg3[%swap3A_403, %swap3A_404, %swap3A_405, %swap3A_406] : memref<4x32x63x32xf32, #tpu.memory_space<vmem>>, vector<1x1x63x32xf32>
    %swap3A_408 = vector.shape_cast %swap3A_407 : vector<1x1x63x32xf32> to vector<63x32xf32>
    %swap3A_409 = vector.shape_cast %slice3A_402 : vector<63x32xf32> to vector<1x1x63x32xf32>
    tpu.vector_store %arg3[%swap3A_403, %swap3A_404, %swap3A_405, %swap3A_406], %swap3A_409 {strides = array<i32>} : memref<4x32x63x32xf32, #tpu.memory_space<vmem>>, vector<1x1x63x32xf32>,
    %slice3A_410 = vector.extract_strided_slice %dot_general3A_273 {offsets = [0, 14], sizes = [63, 32], strides = [1, 1]} : vector<63x63xf32> to vector<63x32xf32>
    %swap3A_411 = arith.constant 1 : index
    %swap3A_412 = arith.constant 17 : index
    %swap3A_413 = arith.constant 0 : index
    %swap3A_414 = arith.constant 0 : index
    %swap3A_415 = vector.load %arg3[%swap3A_411, %swap3A_412, %swap3A_413, %swap3A_414] : memref<4x32x63x32xf32, #tpu.memory_space<vmem>>, vector<1x1x63x32xf32>
    %swap3A_416 = vector.shape_cast %swap3A_415 : vector<1x1x63x32xf32> to vector<63x32xf32>
    %swap3A_417 = vector.shape_cast %slice3A_410 : vector<63x32xf32> to vector<1x1x63x32xf32>
    tpu.vector_store %arg3[%swap3A_411, %swap3A_412, %swap3A_413, %swap3A_414], %swap3A_417 {strides = array<i32>} : memref<4x32x63x32xf32, #tpu.memory_space<vmem>>, vector<1x1x63x32xf32>,
    %slice3A_418 = vector.extract_strided_slice %dot_general3A_273 {offsets = [0, 13], sizes = [63, 32], strides = [1, 1]} : vector<63x63xf32> to vector<63x32xf32>
    %swap3A_419 = arith.constant 1 : index
    %swap3A_420 = arith.constant 18 : index
    %swap3A_421 = arith.constant 0 : index
    %swap3A_422 = arith.constant 0 : index
    %swap3A_423 = vector.load %arg3[%swap3A_419, %swap3A_420, %swap3A_421, %swap3A_422] : memref<4x32x63x32xf32, #tpu.memory_space<vmem>>, vector<1x1x63x32xf32>
    %swap3A_424 = vector.shape_cast %swap3A_423 : vector<1x1x63x32xf32> to vector<63x32xf32>
    %swap3A_425 = vector.shape_cast %slice3A_418 : vector<63x32xf32> to vector<1x1x63x32xf32>
    tpu.vector_store %arg3[%swap3A_419, %swap3A_420, %swap3A_421, %swap3A_422], %swap3A_425 {strides = array<i32>} : memref<4x32x63x32xf32, #tpu.memory_space<vmem>>, vector<1x1x63x32xf32>,
    %slice3A_426 = vector.extract_strided_slice %dot_general3A_273 {offsets = [0, 12], sizes = [63, 32], strides = [1, 1]} : vector<63x63xf32> to vector<63x32xf32>
    %swap3A_427 = arith.constant 1 : index
    %swap3A_428 = arith.constant 19 : index
    %swap3A_429 = arith.constant 0 : index
    %swap3A_430 = arith.constant 0 : index
    %swap3A_431 = vector.load %arg3[%swap3A_427, %swap3A_428, %swap3A_429, %swap3A_430] : memref<4x32x63x32xf32, #tpu.memory_space<vmem>>, vector<1x1x63x32xf32>
    %swap3A_432 = vector.shape_cast %swap3A_431 : vector<1x1x63x32xf32> to vector<63x32xf32>
    %swap3A_433 = vector.shape_cast %slice3A_426 : vector<63x32xf32> to vector<1x1x63x32xf32>
    tpu.vector_store %arg3[%swap3A_427, %swap3A_428, %swap3A_429, %swap3A_430], %swap3A_433 {strides = array<i32>} : memref<4x32x63x32xf32, #tpu.memory_space<vmem>>, vector<1x1x63x32xf32>,
    %slice3A_434 = vector.extract_strided_slice %dot_general3A_273 {offsets = [0, 11], sizes = [63, 32], strides = [1, 1]} : vector<63x63xf32> to vector<63x32xf32>
    %swap3A_435 = arith.constant 1 : index
    %swap3A_436 = arith.constant 20 : index
    %swap3A_437 = arith.constant 0 : index
    %swap3A_438 = arith.constant 0 : index
    %swap3A_439 = vector.load %arg3[%swap3A_435, %swap3A_436, %swap3A_437, %swap3A_438] : memref<4x32x63x32xf32, #tpu.memory_space<vmem>>, vector<1x1x63x32xf32>
    %swap3A_440 = vector.shape_cast %swap3A_439 : vector<1x1x63x32xf32> to vector<63x32xf32>
    %swap3A_441 = vector.shape_cast %slice3A_434 : vector<63x32xf32> to vector<1x1x63x32xf32>
    tpu.vector_store %arg3[%swap3A_435, %swap3A_436, %swap3A_437, %swap3A_438], %swap3A_441 {strides = array<i32>} : memref<4x32x63x32xf32, #tpu.memory_space<vmem>>, vector<1x1x63x32xf32>,
    %slice3A_442 = vector.extract_strided_slice %dot_general3A_273 {offsets = [0, 10], sizes = [63, 32], strides = [1, 1]} : vector<63x63xf32> to vector<63x32xf32>
    %swap3A_443 = arith.constant 1 : index
    %swap3A_444 = arith.constant 21 : index
    %swap3A_445 = arith.constant 0 : index
    %swap3A_446 = arith.constant 0 : index
    %swap3A_447 = vector.load %arg3[%swap3A_443, %swap3A_444, %swap3A_445, %swap3A_446] : memref<4x32x63x32xf32, #tpu.memory_space<vmem>>, vector<1x1x63x32xf32>
    %swap3A_448 = vector.shape_cast %swap3A_447 : vector<1x1x63x32xf32> to vector<63x32xf32>
    %swap3A_449 = vector.shape_cast %slice3A_442 : vector<63x32xf32> to vector<1x1x63x32xf32>
    tpu.vector_store %arg3[%swap3A_443, %swap3A_444, %swap3A_445, %swap3A_446], %swap3A_449 {strides = array<i32>} : memref<4x32x63x32xf32, #tpu.memory_space<vmem>>, vector<1x1x63x32xf32>,
    %slice3A_450 = vector.extract_strided_slice %dot_general3A_273 {offsets = [0, 9], sizes = [63, 32], strides = [1, 1]} : vector<63x63xf32> to vector<63x32xf32>
    %swap3A_451 = arith.constant 1 : index
    %swap3A_452 = arith.constant 22 : index
    %swap3A_453 = arith.constant 0 : index
    %swap3A_454 = arith.constant 0 : index
    %swap3A_455 = vector.load %arg3[%swap3A_451, %swap3A_452, %swap3A_453, %swap3A_454] : memref<4x32x63x32xf32, #tpu.memory_space<vmem>>, vector<1x1x63x32xf32>
    %swap3A_456 = vector.shape_cast %swap3A_455 : vector<1x1x63x32xf32> to vector<63x32xf32>
    %swap3A_457 = vector.shape_cast %slice3A_450 : vector<63x32xf32> to vector<1x1x63x32xf32>
    tpu.vector_store %arg3[%swap3A_451, %swap3A_452, %swap3A_453, %swap3A_454], %swap3A_457 {strides = array<i32>} : memref<4x32x63x32xf32, #tpu.memory_space<vmem>>, vector<1x1x63x32xf32>,
    %slice3A_458 = vector.extract_strided_slice %dot_general3A_273 {offsets = [0, 8], sizes = [63, 32], strides = [1, 1]} : vector<63x63xf32> to vector<63x32xf32>
    %swap3A_459 = arith.constant 1 : index
    %swap3A_460 = arith.constant 23 : index
    %swap3A_461 = arith.constant 0 : index
    %swap3A_462 = arith.constant 0 : index
    %swap3A_463 = vector.load %arg3[%swap3A_459, %swap3A_460, %swap3A_461, %swap3A_462] : memref<4x32x63x32xf32, #tpu.memory_space<vmem>>, vector<1x1x63x32xf32>
    %swap3A_464 = vector.shape_cast %swap3A_463 : vector<1x1x63x32xf32> to vector<63x32xf32>
    %swap3A_465 = vector.shape_cast %slice3A_458 : vector<63x32xf32> to vector<1x1x63x32xf32>
    tpu.vector_store %arg3[%swap3A_459, %swap3A_460, %swap3A_461, %swap3A_462], %swap3A_465 {strides = array<i32>} : memref<4x32x63x32xf32, #tpu.memory_space<vmem>>, vector<1x1x63x32xf32>,
    %slice3A_466 = vector.extract_strided_slice %dot_general3A_273 {offsets = [0, 7], sizes = [63, 32], strides = [1, 1]} : vector<63x63xf32> to vector<63x32xf32>
    %swap3A_467 = arith.constant 1 : index
    %swap3A_468 = arith.constant 24 : index
    %swap3A_469 = arith.constant 0 : index
    %swap3A_470 = arith.constant 0 : index
    %swap3A_471 = vector.load %arg3[%swap3A_467, %swap3A_468, %swap3A_469, %swap3A_470] : memref<4x32x63x32xf32, #tpu.memory_space<vmem>>, vector<1x1x63x32xf32>
    %swap3A_472 = vector.shape_cast %swap3A_471 : vector<1x1x63x32xf32> to vector<63x32xf32>
    %swap3A_473 = vector.shape_cast %slice3A_466 : vector<63x32xf32> to vector<1x1x63x32xf32>
    tpu.vector_store %arg3[%swap3A_467, %swap3A_468, %swap3A_469, %swap3A_470], %swap3A_473 {strides = array<i32>} : memref<4x32x63x32xf32, #tpu.memory_space<vmem>>, vector<1x1x63x32xf32>,
    %slice3A_474 = vector.extract_strided_slice %dot_general3A_273 {offsets = [0, 6], sizes = [63, 32], strides = [1, 1]} : vector<63x63xf32> to vector<63x32xf32>
    %swap3A_475 = arith.constant 1 : index
    %swap3A_476 = arith.constant 25 : index
    %swap3A_477 = arith.constant 0 : index
    %swap3A_478 = arith.constant 0 : index
    %swap3A_479 = vector.load %arg3[%swap3A_475, %swap3A_476, %swap3A_477, %swap3A_478] : memref<4x32x63x32xf32, #tpu.memory_space<vmem>>, vector<1x1x63x32xf32>
    %swap3A_480 = vector.shape_cast %swap3A_479 : vector<1x1x63x32xf32> to vector<63x32xf32>
    %swap3A_481 = vector.shape_cast %slice3A_474 : vector<63x32xf32> to vector<1x1x63x32xf32>
    tpu.vector_store %arg3[%swap3A_475, %swap3A_476, %swap3A_477, %swap3A_478], %swap3A_481 {strides = array<i32>} : memref<4x32x63x32xf32, #tpu.memory_space<vmem>>, vector<1x1x63x32xf32>,
    %slice3A_482 = vector.extract_strided_slice %dot_general3A_273 {offsets = [0, 5], sizes = [63, 32], strides = [1, 1]} : vector<63x63xf32> to vector<63x32xf32>
    %swap3A_483 = arith.constant 1 : index
    %swap3A_484 = arith.constant 26 : index
    %swap3A_485 = arith.constant 0 : index
    %swap3A_486 = arith.constant 0 : index
    %swap3A_487 = vector.load %arg3[%swap3A_483, %swap3A_484, %swap3A_485, %swap3A_486] : memref<4x32x63x32xf32, #tpu.memory_space<vmem>>, vector<1x1x63x32xf32>
    %swap3A_488 = vector.shape_cast %swap3A_487 : vector<1x1x63x32xf32> to vector<63x32xf32>
    %swap3A_489 = vector.shape_cast %slice3A_482 : vector<63x32xf32> to vector<1x1x63x32xf32>
    tpu.vector_store %arg3[%swap3A_483, %swap3A_484, %swap3A_485, %swap3A_486], %swap3A_489 {strides = array<i32>} : memref<4x32x63x32xf32, #tpu.memory_space<vmem>>, vector<1x1x63x32xf32>,
    %slice3A_490 = vector.extract_strided_slice %dot_general3A_273 {offsets = [0, 4], sizes = [63, 32], strides = [1, 1]} : vector<63x63xf32> to vector<63x32xf32>
    %swap3A_491 = arith.constant 1 : index
    %swap3A_492 = arith.constant 27 : index
    %swap3A_493 = arith.constant 0 : index
    %swap3A_494 = arith.constant 0 : index
    %swap3A_495 = vector.load %arg3[%swap3A_491, %swap3A_492, %swap3A_493, %swap3A_494] : memref<4x32x63x32xf32, #tpu.memory_space<vmem>>, vector<1x1x63x32xf32>
    %swap3A_496 = vector.shape_cast %swap3A_495 : vector<1x1x63x32xf32> to vector<63x32xf32>
    %swap3A_497 = vector.shape_cast %slice3A_490 : vector<63x32xf32> to vector<1x1x63x32xf32>
    tpu.vector_store %arg3[%swap3A_491, %swap3A_492, %swap3A_493, %swap3A_494], %swap3A_497 {strides = array<i32>} : memref<4x32x63x32xf32, #tpu.memory_space<vmem>>, vector<1x1x63x32xf32>,
    %slice3A_498 = vector.extract_strided_slice %dot_general3A_273 {offsets = [0, 3], sizes = [63, 32], strides = [1, 1]} : vector<63x63xf32> to vector<63x32xf32>
    %swap3A_499 = arith.constant 1 : index
    %swap3A_500 = arith.constant 28 : index
    %swap3A_501 = arith.constant 0 : index
    %swap3A_502 = arith.constant 0 : index
    %swap3A_503 = vector.load %arg3[%swap3A_499, %swap3A_500, %swap3A_501, %swap3A_502] : memref<4x32x63x32xf32, #tpu.memory_space<vmem>>, vector<1x1x63x32xf32>
    %swap3A_504 = vector.shape_cast %swap3A_503 : vector<1x1x63x32xf32> to vector<63x32xf32>
    %swap3A_505 = vector.shape_cast %slice3A_498 : vector<63x32xf32> to vector<1x1x63x32xf32>
    tpu.vector_store %arg3[%swap3A_499, %swap3A_500, %swap3A_501, %swap3A_502], %swap3A_505 {strides = array<i32>} : memref<4x32x63x32xf32, #tpu.memory_space<vmem>>, vector<1x1x63x32xf32>,
    %slice3A_506 = vector.extract_strided_slice %dot_general3A_273 {offsets = [0, 2], sizes = [63, 32], strides = [1, 1]} : vector<63x63xf32> to vector<63x32xf32>
    %swap3A_507 = arith.constant 1 : index
    %swap3A_508 = arith.constant 29 : index
    %swap3A_509 = arith.constant 0 : index
    %swap3A_510 = arith.constant 0 : index
    %swap3A_511 = vector.load %arg3[%swap3A_507, %swap3A_508, %swap3A_509, %swap3A_510] : memref<4x32x63x32xf32, #tpu.memory_space<vmem>>, vector<1x1x63x32xf32>
    %swap3A_512 = vector.shape_cast %swap3A_511 : vector<1x1x63x32xf32> to vector<63x32xf32>
    %swap3A_513 = vector.shape_cast %slice3A_506 : vector<63x32xf32> to vector<1x1x63x32xf32>
    tpu.vector_store %arg3[%swap3A_507, %swap3A_508, %swap3A_509, %swap3A_510], %swap3A_513 {strides = array<i32>} : memref<4x32x63x32xf32, #tpu.memory_space<vmem>>, vector<1x1x63x32xf32>,
    %slice3A_514 = vector.extract_strided_slice %dot_general3A_273 {offsets = [0, 1], sizes = [63, 32], strides = [1, 1]} : vector<63x63xf32> to vector<63x32xf32>
    %swap3A_515 = arith.constant 1 : index
    %swap3A_516 = arith.constant 30 : index
    %swap3A_517 = arith.constant 0 : index
    %swap3A_518 = arith.constant 0 : index
    %swap3A_519 = vector.load %arg3[%swap3A_515, %swap3A_516, %swap3A_517, %swap3A_518] : memref<4x32x63x32xf32, #tpu.memory_space<vmem>>, vector<1x1x63x32xf32>
    %swap3A_520 = vector.shape_cast %swap3A_519 : vector<1x1x63x32xf32> to vector<63x32xf32>
    %swap3A_521 = vector.shape_cast %slice3A_514 : vector<63x32xf32> to vector<1x1x63x32xf32>
    tpu.vector_store %arg3[%swap3A_515, %swap3A_516, %swap3A_517, %swap3A_518], %swap3A_521 {strides = array<i32>} : memref<4x32x63x32xf32, #tpu.memory_space<vmem>>, vector<1x1x63x32xf32>,
    %slice3A_522 = vector.extract_strided_slice %dot_general3A_273 {offsets = [0, 0], sizes = [63, 32], strides = [1, 1]} : vector<63x63xf32> to vector<63x32xf32>
    %swap3A_523 = arith.constant 1 : index
    %swap3A_524 = arith.constant 31 : index
    %swap3A_525 = arith.constant 0 : index
    %swap3A_526 = arith.constant 0 : index
    %swap3A_527 = vector.load %arg3[%swap3A_523, %swap3A_524, %swap3A_525, %swap3A_526] : memref<4x32x63x32xf32, #tpu.memory_space<vmem>>, vector<1x1x63x32xf32>
    %swap3A_528 = vector.shape_cast %swap3A_527 : vector<1x1x63x32xf32> to vector<63x32xf32>
    %swap3A_529 = vector.shape_cast %slice3A_522 : vector<63x32xf32> to vector<1x1x63x32xf32>
    tpu.vector_store %arg3[%swap3A_523, %swap3A_524, %swap3A_525, %swap3A_526], %swap3A_529 {strides = array<i32>} : memref<4x32x63x32xf32, #tpu.memory_space<vmem>>, vector<1x1x63x32xf32>,
    %get3A_530 = arith.constant 2 : index
    %get3A_531 = arith.constant 0 : index
    %get3A_532 = arith.constant 0 : index
    %get3A_533 = vector.load %arg1[%get3A_530, %get3A_531, %get3A_532] : memref<4x63x63xf32, #tpu.memory_space<vmem>>, vector<1x63x63xf32>
    %get3A_534 = vector.shape_cast %get3A_533 : vector<1x63x63xf32> to vector<63x63xf32>
    %dot_general3A_535 = arith.constant dense<0.000000e+00> : vector<63x63xf32>
    %dot_general3A_536 = tpu.matmul %get3A_534, %convert_element_type3A_3, %dot_general3A_535 {dimension_numbers = #tpu.dot_dimension_numbers<[1], [0], [0], [1], [0, 0, 1, 1], [], []>, precision = #tpu.contract_precision<fp32>, transpose_lhs_hint = false} : vector<63x63xf32>, vector<63x63xf32>, vector<63x63xf32> -> vector<63x63xf32>
    %dot_general3A_537 = arith.constant dense<0.000000e+00> : vector<63x63xf32>
    %dot_general3A_538 = tpu.matmul %convert_element_type3A_3, %dot_general3A_536, %dot_general3A_537 {dimension_numbers = #tpu.dot_dimension_numbers<[1], [0], [0], [1], [0, 0, 1, 1], [], []>, precision = #tpu.contract_precision<fp32>, transpose_lhs_hint = false} : vector<63x63xf32>, vector<63x63xf32>, vector<63x63xf32> -> vector<63x63xf32>
    %slice3A_539 = vector.extract_strided_slice %dot_general3A_538 {offsets = [0, 31], sizes = [63, 32], strides = [1, 1]} : vector<63x63xf32> to vector<63x32xf32>
    %swap3A_540 = arith.constant 2 : index
    %swap3A_541 = arith.constant 0 : index
    %swap3A_542 = arith.constant 0 : index
    %swap3A_543 = arith.constant 0 : index
    %swap3A_544 = vector.load %arg3[%swap3A_540, %swap3A_541, %swap3A_542, %swap3A_543] : memref<4x32x63x32xf32, #tpu.memory_space<vmem>>, vector<1x1x63x32xf32>
    %swap3A_545 = vector.shape_cast %swap3A_544 : vector<1x1x63x32xf32> to vector<63x32xf32>
    %swap3A_546 = vector.shape_cast %slice3A_539 : vector<63x32xf32> to vector<1x1x63x32xf32>
    tpu.vector_store %arg3[%swap3A_540, %swap3A_541, %swap3A_542, %swap3A_543], %swap3A_546 {strides = array<i32>} : memref<4x32x63x32xf32, #tpu.memory_space<vmem>>, vector<1x1x63x32xf32>,
    %slice3A_547 = vector.extract_strided_slice %dot_general3A_538 {offsets = [0, 30], sizes = [63, 32], strides = [1, 1]} : vector<63x63xf32> to vector<63x32xf32>
    %swap3A_548 = arith.constant 2 : index
    %swap3A_549 = arith.constant 1 : index
    %swap3A_550 = arith.constant 0 : index
    %swap3A_551 = arith.constant 0 : index
    %swap3A_552 = vector.load %arg3[%swap3A_548, %swap3A_549, %swap3A_550, %swap3A_551] : memref<4x32x63x32xf32, #tpu.memory_space<vmem>>, vector<1x1x63x32xf32>
    %swap3A_553 = vector.shape_cast %swap3A_552 : vector<1x1x63x32xf32> to vector<63x32xf32>
    %swap3A_554 = vector.shape_cast %slice3A_547 : vector<63x32xf32> to vector<1x1x63x32xf32>
    tpu.vector_store %arg3[%swap3A_548, %swap3A_549, %swap3A_550, %swap3A_551], %swap3A_554 {strides = array<i32>} : memref<4x32x63x32xf32, #tpu.memory_space<vmem>>, vector<1x1x63x32xf32>,
    %slice3A_555 = vector.extract_strided_slice %dot_general3A_538 {offsets = [0, 29], sizes = [63, 32], strides = [1, 1]} : vector<63x63xf32> to vector<63x32xf32>
    %swap3A_556 = arith.constant 2 : index
    %swap3A_557 = arith.constant 2 : index
    %swap3A_558 = arith.constant 0 : index
    %swap3A_559 = arith.constant 0 : index
    %swap3A_560 = vector.load %arg3[%swap3A_556, %swap3A_557, %swap3A_558, %swap3A_559] : memref<4x32x63x32xf32, #tpu.memory_space<vmem>>, vector<1x1x63x32xf32>
    %swap3A_561 = vector.shape_cast %swap3A_560 : vector<1x1x63x32xf32> to vector<63x32xf32>
    %swap3A_562 = vector.shape_cast %slice3A_555 : vector<63x32xf32> to vector<1x1x63x32xf32>
    tpu.vector_store %arg3[%swap3A_556, %swap3A_557, %swap3A_558, %swap3A_559], %swap3A_562 {strides = array<i32>} : memref<4x32x63x32xf32, #tpu.memory_space<vmem>>, vector<1x1x63x32xf32>,
    %slice3A_563 = vector.extract_strided_slice %dot_general3A_538 {offsets = [0, 28], sizes = [63, 32], strides = [1, 1]} : vector<63x63xf32> to vector<63x32xf32>
    %swap3A_564 = arith.constant 2 : index
    %swap3A_565 = arith.constant 3 : index
    %swap3A_566 = arith.constant 0 : index
    %swap3A_567 = arith.constant 0 : index
    %swap3A_568 = vector.load %arg3[%swap3A_564, %swap3A_565, %swap3A_566, %swap3A_567] : memref<4x32x63x32xf32, #tpu.memory_space<vmem>>, vector<1x1x63x32xf32>
    %swap3A_569 = vector.shape_cast %swap3A_568 : vector<1x1x63x32xf32> to vector<63x32xf32>
    %swap3A_570 = vector.shape_cast %slice3A_563 : vector<63x32xf32> to vector<1x1x63x32xf32>
    tpu.vector_store %arg3[%swap3A_564, %swap3A_565, %swap3A_566, %swap3A_567], %swap3A_570 {strides = array<i32>} : memref<4x32x63x32xf32, #tpu.memory_space<vmem>>, vector<1x1x63x32xf32>,
    %slice3A_571 = vector.extract_strided_slice %dot_general3A_538 {offsets = [0, 27], sizes = [63, 32], strides = [1, 1]} : vector<63x63xf32> to vector<63x32xf32>
    %swap3A_572 = arith.constant 2 : index
    %swap3A_573 = arith.constant 4 : index
    %swap3A_574 = arith.constant 0 : index
    %swap3A_575 = arith.constant 0 : index
    %swap3A_576 = vector.load %arg3[%swap3A_572, %swap3A_573, %swap3A_574, %swap3A_575] : memref<4x32x63x32xf32, #tpu.memory_space<vmem>>, vector<1x1x63x32xf32>
    %swap3A_577 = vector.shape_cast %swap3A_576 : vector<1x1x63x32xf32> to vector<63x32xf32>
    %swap3A_578 = vector.shape_cast %slice3A_571 : vector<63x32xf32> to vector<1x1x63x32xf32>
    tpu.vector_store %arg3[%swap3A_572, %swap3A_573, %swap3A_574, %swap3A_575], %swap3A_578 {strides = array<i32>} : memref<4x32x63x32xf32, #tpu.memory_space<vmem>>, vector<1x1x63x32xf32>,
    %slice3A_579 = vector.extract_strided_slice %dot_general3A_538 {offsets = [0, 26], sizes = [63, 32], strides = [1, 1]} : vector<63x63xf32> to vector<63x32xf32>
    %swap3A_580 = arith.constant 2 : index
    %swap3A_581 = arith.constant 5 : index
    %swap3A_582 = arith.constant 0 : index
    %swap3A_583 = arith.constant 0 : index
    %swap3A_584 = vector.load %arg3[%swap3A_580, %swap3A_581, %swap3A_582, %swap3A_583] : memref<4x32x63x32xf32, #tpu.memory_space<vmem>>, vector<1x1x63x32xf32>
    %swap3A_585 = vector.shape_cast %swap3A_584 : vector<1x1x63x32xf32> to vector<63x32xf32>
    %swap3A_586 = vector.shape_cast %slice3A_579 : vector<63x32xf32> to vector<1x1x63x32xf32>
    tpu.vector_store %arg3[%swap3A_580, %swap3A_581, %swap3A_582, %swap3A_583], %swap3A_586 {strides = array<i32>} : memref<4x32x63x32xf32, #tpu.memory_space<vmem>>, vector<1x1x63x32xf32>,
    %slice3A_587 = vector.extract_strided_slice %dot_general3A_538 {offsets = [0, 25], sizes = [63, 32], strides = [1, 1]} : vector<63x63xf32> to vector<63x32xf32>
    %swap3A_588 = arith.constant 2 : index
    %swap3A_589 = arith.constant 6 : index
    %swap3A_590 = arith.constant 0 : index
    %swap3A_591 = arith.constant 0 : index
    %swap3A_592 = vector.load %arg3[%swap3A_588, %swap3A_589, %swap3A_590, %swap3A_591] : memref<4x32x63x32xf32, #tpu.memory_space<vmem>>, vector<1x1x63x32xf32>
    %swap3A_593 = vector.shape_cast %swap3A_592 : vector<1x1x63x32xf32> to vector<63x32xf32>
    %swap3A_594 = vector.shape_cast %slice3A_587 : vector<63x32xf32> to vector<1x1x63x32xf32>
    tpu.vector_store %arg3[%swap3A_588, %swap3A_589, %swap3A_590, %swap3A_591], %swap3A_594 {strides = array<i32>} : memref<4x32x63x32xf32, #tpu.memory_space<vmem>>, vector<1x1x63x32xf32>,
    %slice3A_595 = vector.extract_strided_slice %dot_general3A_538 {offsets = [0, 24], sizes = [63, 32], strides = [1, 1]} : vector<63x63xf32> to vector<63x32xf32>
    %swap3A_596 = arith.constant 2 : index
    %swap3A_597 = arith.constant 7 : index
    %swap3A_598 = arith.constant 0 : index
    %swap3A_599 = arith.constant 0 : index
    %swap3A_600 = vector.load %arg3[%swap3A_596, %swap3A_597, %swap3A_598, %swap3A_599] : memref<4x32x63x32xf32, #tpu.memory_space<vmem>>, vector<1x1x63x32xf32>
    %swap3A_601 = vector.shape_cast %swap3A_600 : vector<1x1x63x32xf32> to vector<63x32xf32>
    %swap3A_602 = vector.shape_cast %slice3A_595 : vector<63x32xf32> to vector<1x1x63x32xf32>
    tpu.vector_store %arg3[%swap3A_596, %swap3A_597, %swap3A_598, %swap3A_599], %swap3A_602 {strides = array<i32>} : memref<4x32x63x32xf32, #tpu.memory_space<vmem>>, vector<1x1x63x32xf32>,
    %slice3A_603 = vector.extract_strided_slice %dot_general3A_538 {offsets = [0, 23], sizes = [63, 32], strides = [1, 1]} : vector<63x63xf32> to vector<63x32xf32>
    %swap3A_604 = arith.constant 2 : index
    %swap3A_605 = arith.constant 8 : index
    %swap3A_606 = arith.constant 0 : index
    %swap3A_607 = arith.constant 0 : index
    %swap3A_608 = vector.load %arg3[%swap3A_604, %swap3A_605, %swap3A_606, %swap3A_607] : memref<4x32x63x32xf32, #tpu.memory_space<vmem>>, vector<1x1x63x32xf32>
    %swap3A_609 = vector.shape_cast %swap3A_608 : vector<1x1x63x32xf32> to vector<63x32xf32>
    %swap3A_610 = vector.shape_cast %slice3A_603 : vector<63x32xf32> to vector<1x1x63x32xf32>
    tpu.vector_store %arg3[%swap3A_604, %swap3A_605, %swap3A_606, %swap3A_607], %swap3A_610 {strides = array<i32>} : memref<4x32x63x32xf32, #tpu.memory_space<vmem>>, vector<1x1x63x32xf32>,
    %slice3A_611 = vector.extract_strided_slice %dot_general3A_538 {offsets = [0, 22], sizes = [63, 32], strides = [1, 1]} : vector<63x63xf32> to vector<63x32xf32>
    %swap3A_612 = arith.constant 2 : index
    %swap3A_613 = arith.constant 9 : index
    %swap3A_614 = arith.constant 0 : index
    %swap3A_615 = arith.constant 0 : index
    %swap3A_616 = vector.load %arg3[%swap3A_612, %swap3A_613, %swap3A_614, %swap3A_615] : memref<4x32x63x32xf32, #tpu.memory_space<vmem>>, vector<1x1x63x32xf32>
    %swap3A_617 = vector.shape_cast %swap3A_616 : vector<1x1x63x32xf32> to vector<63x32xf32>
    %swap3A_618 = vector.shape_cast %slice3A_611 : vector<63x32xf32> to vector<1x1x63x32xf32>
    tpu.vector_store %arg3[%swap3A_612, %swap3A_613, %swap3A_614, %swap3A_615], %swap3A_618 {strides = array<i32>} : memref<4x32x63x32xf32, #tpu.memory_space<vmem>>, vector<1x1x63x32xf32>,
    %slice3A_619 = vector.extract_strided_slice %dot_general3A_538 {offsets = [0, 21], sizes = [63, 32], strides = [1, 1]} : vector<63x63xf32> to vector<63x32xf32>
    %swap3A_620 = arith.constant 2 : index
    %swap3A_621 = arith.constant 10 : index
    %swap3A_622 = arith.constant 0 : index
    %swap3A_623 = arith.constant 0 : index
    %swap3A_624 = vector.load %arg3[%swap3A_620, %swap3A_621, %swap3A_622, %swap3A_623] : memref<4x32x63x32xf32, #tpu.memory_space<vmem>>, vector<1x1x63x32xf32>
    %swap3A_625 = vector.shape_cast %swap3A_624 : vector<1x1x63x32xf32> to vector<63x32xf32>
    %swap3A_626 = vector.shape_cast %slice3A_619 : vector<63x32xf32> to vector<1x1x63x32xf32>
    tpu.vector_store %arg3[%swap3A_620, %swap3A_621, %swap3A_622, %swap3A_623], %swap3A_626 {strides = array<i32>} : memref<4x32x63x32xf32, #tpu.memory_space<vmem>>, vector<1x1x63x32xf32>,
    %slice3A_627 = vector.extract_strided_slice %dot_general3A_538 {offsets = [0, 20], sizes = [63, 32], strides = [1, 1]} : vector<63x63xf32> to vector<63x32xf32>
    %swap3A_628 = arith.constant 2 : index
    %swap3A_629 = arith.constant 11 : index
    %swap3A_630 = arith.constant 0 : index
    %swap3A_631 = arith.constant 0 : index
    %swap3A_632 = vector.load %arg3[%swap3A_628, %swap3A_629, %swap3A_630, %swap3A_631] : memref<4x32x63x32xf32, #tpu.memory_space<vmem>>, vector<1x1x63x32xf32>
    %swap3A_633 = vector.shape_cast %swap3A_632 : vector<1x1x63x32xf32> to vector<63x32xf32>
    %swap3A_634 = vector.shape_cast %slice3A_627 : vector<63x32xf32> to vector<1x1x63x32xf32>
    tpu.vector_store %arg3[%swap3A_628, %swap3A_629, %swap3A_630, %swap3A_631], %swap3A_634 {strides = array<i32>} : memref<4x32x63x32xf32, #tpu.memory_space<vmem>>, vector<1x1x63x32xf32>,
    %slice3A_635 = vector.extract_strided_slice %dot_general3A_538 {offsets = [0, 19], sizes = [63, 32], strides = [1, 1]} : vector<63x63xf32> to vector<63x32xf32>
    %swap3A_636 = arith.constant 2 : index
    %swap3A_637 = arith.constant 12 : index
    %swap3A_638 = arith.constant 0 : index
    %swap3A_639 = arith.constant 0 : index
    %swap3A_640 = vector.load %arg3[%swap3A_636, %swap3A_637, %swap3A_638, %swap3A_639] : memref<4x32x63x32xf32, #tpu.memory_space<vmem>>, vector<1x1x63x32xf32>
    %swap3A_641 = vector.shape_cast %swap3A_640 : vector<1x1x63x32xf32> to vector<63x32xf32>
    %swap3A_642 = vector.shape_cast %slice3A_635 : vector<63x32xf32> to vector<1x1x63x32xf32>
    tpu.vector_store %arg3[%swap3A_636, %swap3A_637, %swap3A_638, %swap3A_639], %swap3A_642 {strides = array<i32>} : memref<4x32x63x32xf32, #tpu.memory_space<vmem>>, vector<1x1x63x32xf32>,
    %slice3A_643 = vector.extract_strided_slice %dot_general3A_538 {offsets = [0, 18], sizes = [63, 32], strides = [1, 1]} : vector<63x63xf32> to vector<63x32xf32>
    %swap3A_644 = arith.constant 2 : index
    %swap3A_645 = arith.constant 13 : index
    %swap3A_646 = arith.constant 0 : index
    %swap3A_647 = arith.constant 0 : index
    %swap3A_648 = vector.load %arg3[%swap3A_644, %swap3A_645, %swap3A_646, %swap3A_647] : memref<4x32x63x32xf32, #tpu.memory_space<vmem>>, vector<1x1x63x32xf32>
    %swap3A_649 = vector.shape_cast %swap3A_648 : vector<1x1x63x32xf32> to vector<63x32xf32>
    %swap3A_650 = vector.shape_cast %slice3A_643 : vector<63x32xf32> to vector<1x1x63x32xf32>
    tpu.vector_store %arg3[%swap3A_644, %swap3A_645, %swap3A_646, %swap3A_647], %swap3A_650 {strides = array<i32>} : memref<4x32x63x32xf32, #tpu.memory_space<vmem>>, vector<1x1x63x32xf32>,
    %slice3A_651 = vector.extract_strided_slice %dot_general3A_538 {offsets = [0, 17], sizes = [63, 32], strides = [1, 1]} : vector<63x63xf32> to vector<63x32xf32>
    %swap3A_652 = arith.constant 2 : index
    %swap3A_653 = arith.constant 14 : index
    %swap3A_654 = arith.constant 0 : index
    %swap3A_655 = arith.constant 0 : index
    %swap3A_656 = vector.load %arg3[%swap3A_652, %swap3A_653, %swap3A_654, %swap3A_655] : memref<4x32x63x32xf32, #tpu.memory_space<vmem>>, vector<1x1x63x32xf32>
    %swap3A_657 = vector.shape_cast %swap3A_656 : vector<1x1x63x32xf32> to vector<63x32xf32>
    %swap3A_658 = vector.shape_cast %slice3A_651 : vector<63x32xf32> to vector<1x1x63x32xf32>
    tpu.vector_store %arg3[%swap3A_652, %swap3A_653, %swap3A_654, %swap3A_655], %swap3A_658 {strides = array<i32>} : memref<4x32x63x32xf32, #tpu.memory_space<vmem>>, vector<1x1x63x32xf32>,
    %slice3A_659 = vector.extract_strided_slice %dot_general3A_538 {offsets = [0, 16], sizes = [63, 32], strides = [1, 1]} : vector<63x63xf32> to vector<63x32xf32>
    %swap3A_660 = arith.constant 2 : index
    %swap3A_661 = arith.constant 15 : index
    %swap3A_662 = arith.constant 0 : index
    %swap3A_663 = arith.constant 0 : index
    %swap3A_664 = vector.load %arg3[%swap3A_660, %swap3A_661, %swap3A_662, %swap3A_663] : memref<4x32x63x32xf32, #tpu.memory_space<vmem>>, vector<1x1x63x32xf32>
    %swap3A_665 = vector.shape_cast %swap3A_664 : vector<1x1x63x32xf32> to vector<63x32xf32>
    %swap3A_666 = vector.shape_cast %slice3A_659 : vector<63x32xf32> to vector<1x1x63x32xf32>
    tpu.vector_store %arg3[%swap3A_660, %swap3A_661, %swap3A_662, %swap3A_663], %swap3A_666 {strides = array<i32>} : memref<4x32x63x32xf32, #tpu.memory_space<vmem>>, vector<1x1x63x32xf32>,
    %slice3A_667 = vector.extract_strided_slice %dot_general3A_538 {offsets = [0, 15], sizes = [63, 32], strides = [1, 1]} : vector<63x63xf32> to vector<63x32xf32>
    %swap3A_668 = arith.constant 2 : index
    %swap3A_669 = arith.constant 16 : index
    %swap3A_670 = arith.constant 0 : index
    %swap3A_671 = arith.constant 0 : index
    %swap3A_672 = vector.load %arg3[%swap3A_668, %swap3A_669, %swap3A_670, %swap3A_671] : memref<4x32x63x32xf32, #tpu.memory_space<vmem>>, vector<1x1x63x32xf32>
    %swap3A_673 = vector.shape_cast %swap3A_672 : vector<1x1x63x32xf32> to vector<63x32xf32>
    %swap3A_674 = vector.shape_cast %slice3A_667 : vector<63x32xf32> to vector<1x1x63x32xf32>
    tpu.vector_store %arg3[%swap3A_668, %swap3A_669, %swap3A_670, %swap3A_671], %swap3A_674 {strides = array<i32>} : memref<4x32x63x32xf32, #tpu.memory_space<vmem>>, vector<1x1x63x32xf32>,
    %slice3A_675 = vector.extract_strided_slice %dot_general3A_538 {offsets = [0, 14], sizes = [63, 32], strides = [1, 1]} : vector<63x63xf32> to vector<63x32xf32>
    %swap3A_676 = arith.constant 2 : index
    %swap3A_677 = arith.constant 17 : index
    %swap3A_678 = arith.constant 0 : index
    %swap3A_679 = arith.constant 0 : index
    %swap3A_680 = vector.load %arg3[%swap3A_676, %swap3A_677, %swap3A_678, %swap3A_679] : memref<4x32x63x32xf32, #tpu.memory_space<vmem>>, vector<1x1x63x32xf32>
    %swap3A_681 = vector.shape_cast %swap3A_680 : vector<1x1x63x32xf32> to vector<63x32xf32>
    %swap3A_682 = vector.shape_cast %slice3A_675 : vector<63x32xf32> to vector<1x1x63x32xf32>
    tpu.vector_store %arg3[%swap3A_676, %swap3A_677, %swap3A_678, %swap3A_679], %swap3A_682 {strides = array<i32>} : memref<4x32x63x32xf32, #tpu.memory_space<vmem>>, vector<1x1x63x32xf32>,
    %slice3A_683 = vector.extract_strided_slice %dot_general3A_538 {offsets = [0, 13], sizes = [63, 32], strides = [1, 1]} : vector<63x63xf32> to vector<63x32xf32>
    %swap3A_684 = arith.constant 2 : index
    %swap3A_685 = arith.constant 18 : index
    %swap3A_686 = arith.constant 0 : index
    %swap3A_687 = arith.constant 0 : index
    %swap3A_688 = vector.load %arg3[%swap3A_684, %swap3A_685, %swap3A_686, %swap3A_687] : memref<4x32x63x32xf32, #tpu.memory_space<vmem>>, vector<1x1x63x32xf32>
    %swap3A_689 = vector.shape_cast %swap3A_688 : vector<1x1x63x32xf32> to vector<63x32xf32>
    %swap3A_690 = vector.shape_cast %slice3A_683 : vector<63x32xf32> to vector<1x1x63x32xf32>
    tpu.vector_store %arg3[%swap3A_684, %swap3A_685, %swap3A_686, %swap3A_687], %swap3A_690 {strides = array<i32>} : memref<4x32x63x32xf32, #tpu.memory_space<vmem>>, vector<1x1x63x32xf32>,
    %slice3A_691 = vector.extract_strided_slice %dot_general3A_538 {offsets = [0, 12], sizes = [63, 32], strides = [1, 1]} : vector<63x63xf32> to vector<63x32xf32>
    %swap3A_692 = arith.constant 2 : index
    %swap3A_693 = arith.constant 19 : index
    %swap3A_694 = arith.constant 0 : index
    %swap3A_695 = arith.constant 0 : index
    %swap3A_696 = vector.load %arg3[%swap3A_692, %swap3A_693, %swap3A_694, %swap3A_695] : memref<4x32x63x32xf32, #tpu.memory_space<vmem>>, vector<1x1x63x32xf32>
    %swap3A_697 = vector.shape_cast %swap3A_696 : vector<1x1x63x32xf32> to vector<63x32xf32>
    %swap3A_698 = vector.shape_cast %slice3A_691 : vector<63x32xf32> to vector<1x1x63x32xf32>
    tpu.vector_store %arg3[%swap3A_692, %swap3A_693, %swap3A_694, %swap3A_695], %swap3A_698 {strides = array<i32>} : memref<4x32x63x32xf32, #tpu.memory_space<vmem>>, vector<1x1x63x32xf32>,
    %slice3A_699 = vector.extract_strided_slice %dot_general3A_538 {offsets = [0, 11], sizes = [63, 32], strides = [1, 1]} : vector<63x63xf32> to vector<63x32xf32>
    %swap3A_700 = arith.constant 2 : index
    %swap3A_701 = arith.constant 20 : index
    %swap3A_702 = arith.constant 0 : index
    %swap3A_703 = arith.constant 0 : index
    %swap3A_704 = vector.load %arg3[%swap3A_700, %swap3A_701, %swap3A_702, %swap3A_703] : memref<4x32x63x32xf32, #tpu.memory_space<vmem>>, vector<1x1x63x32xf32>
    %swap3A_705 = vector.shape_cast %swap3A_704 : vector<1x1x63x32xf32> to vector<63x32xf32>
    %swap3A_706 = vector.shape_cast %slice3A_699 : vector<63x32xf32> to vector<1x1x63x32xf32>
    tpu.vector_store %arg3[%swap3A_700, %swap3A_701, %swap3A_702, %swap3A_703], %swap3A_706 {strides = array<i32>} : memref<4x32x63x32xf32, #tpu.memory_space<vmem>>, vector<1x1x63x32xf32>,
    %slice3A_707 = vector.extract_strided_slice %dot_general3A_538 {offsets = [0, 10], sizes = [63, 32], strides = [1, 1]} : vector<63x63xf32> to vector<63x32xf32>
    %swap3A_708 = arith.constant 2 : index
    %swap3A_709 = arith.constant 21 : index
    %swap3A_710 = arith.constant 0 : index
    %swap3A_711 = arith.constant 0 : index
    %swap3A_712 = vector.load %arg3[%swap3A_708, %swap3A_709, %swap3A_710, %swap3A_711] : memref<4x32x63x32xf32, #tpu.memory_space<vmem>>, vector<1x1x63x32xf32>
    %swap3A_713 = vector.shape_cast %swap3A_712 : vector<1x1x63x32xf32> to vector<63x32xf32>
    %swap3A_714 = vector.shape_cast %slice3A_707 : vector<63x32xf32> to vector<1x1x63x32xf32>
    tpu.vector_store %arg3[%swap3A_708, %swap3A_709, %swap3A_710, %swap3A_711], %swap3A_714 {strides = array<i32>} : memref<4x32x63x32xf32, #tpu.memory_space<vmem>>, vector<1x1x63x32xf32>,
    %slice3A_715 = vector.extract_strided_slice %dot_general3A_538 {offsets = [0, 9], sizes = [63, 32], strides = [1, 1]} : vector<63x63xf32> to vector<63x32xf32>
    %swap3A_716 = arith.constant 2 : index
    %swap3A_717 = arith.constant 22 : index
    %swap3A_718 = arith.constant 0 : index
    %swap3A_719 = arith.constant 0 : index
    %swap3A_720 = vector.load %arg3[%swap3A_716, %swap3A_717, %swap3A_718, %swap3A_719] : memref<4x32x63x32xf32, #tpu.memory_space<vmem>>, vector<1x1x63x32xf32>
    %swap3A_721 = vector.shape_cast %swap3A_720 : vector<1x1x63x32xf32> to vector<63x32xf32>
    %swap3A_722 = vector.shape_cast %slice3A_715 : vector<63x32xf32> to vector<1x1x63x32xf32>
    tpu.vector_store %arg3[%swap3A_716, %swap3A_717, %swap3A_718, %swap3A_719], %swap3A_722 {strides = array<i32>} : memref<4x32x63x32xf32, #tpu.memory_space<vmem>>, vector<1x1x63x32xf32>,
    %slice3A_723 = vector.extract_strided_slice %dot_general3A_538 {offsets = [0, 8], sizes = [63, 32], strides = [1, 1]} : vector<63x63xf32> to vector<63x32xf32>
    %swap3A_724 = arith.constant 2 : index
    %swap3A_725 = arith.constant 23 : index
    %swap3A_726 = arith.constant 0 : index
    %swap3A_727 = arith.constant 0 : index
    %swap3A_728 = vector.load %arg3[%swap3A_724, %swap3A_725, %swap3A_726, %swap3A_727] : memref<4x32x63x32xf32, #tpu.memory_space<vmem>>, vector<1x1x63x32xf32>
    %swap3A_729 = vector.shape_cast %swap3A_728 : vector<1x1x63x32xf32> to vector<63x32xf32>
    %swap3A_730 = vector.shape_cast %slice3A_723 : vector<63x32xf32> to vector<1x1x63x32xf32>
    tpu.vector_store %arg3[%swap3A_724, %swap3A_725, %swap3A_726, %swap3A_727], %swap3A_730 {strides = array<i32>} : memref<4x32x63x32xf32, #tpu.memory_space<vmem>>, vector<1x1x63x32xf32>,
    %slice3A_731 = vector.extract_strided_slice %dot_general3A_538 {offsets = [0, 7], sizes = [63, 32], strides = [1, 1]} : vector<63x63xf32> to vector<63x32xf32>
    %swap3A_732 = arith.constant 2 : index
    %swap3A_733 = arith.constant 24 : index
    %swap3A_734 = arith.constant 0 : index
    %swap3A_735 = arith.constant 0 : index
    %swap3A_736 = vector.load %arg3[%swap3A_732, %swap3A_733, %swap3A_734, %swap3A_735] : memref<4x32x63x32xf32, #tpu.memory_space<vmem>>, vector<1x1x63x32xf32>
    %swap3A_737 = vector.shape_cast %swap3A_736 : vector<1x1x63x32xf32> to vector<63x32xf32>
    %swap3A_738 = vector.shape_cast %slice3A_731 : vector<63x32xf32> to vector<1x1x63x32xf32>
    tpu.vector_store %arg3[%swap3A_732, %swap3A_733, %swap3A_734, %swap3A_735], %swap3A_738 {strides = array<i32>} : memref<4x32x63x32xf32, #tpu.memory_space<vmem>>, vector<1x1x63x32xf32>,
    %slice3A_739 = vector.extract_strided_slice %dot_general3A_538 {offsets = [0, 6], sizes = [63, 32], strides = [1, 1]} : vector<63x63xf32> to vector<63x32xf32>
    %swap3A_740 = arith.constant 2 : index
    %swap3A_741 = arith.constant 25 : index
    %swap3A_742 = arith.constant 0 : index
    %swap3A_743 = arith.constant 0 : index
    %swap3A_744 = vector.load %arg3[%swap3A_740, %swap3A_741, %swap3A_742, %swap3A_743] : memref<4x32x63x32xf32, #tpu.memory_space<vmem>>, vector<1x1x63x32xf32>
    %swap3A_745 = vector.shape_cast %swap3A_744 : vector<1x1x63x32xf32> to vector<63x32xf32>
    %swap3A_746 = vector.shape_cast %slice3A_739 : vector<63x32xf32> to vector<1x1x63x32xf32>
    tpu.vector_store %arg3[%swap3A_740, %swap3A_741, %swap3A_742, %swap3A_743], %swap3A_746 {strides = array<i32>} : memref<4x32x63x32xf32, #tpu.memory_space<vmem>>, vector<1x1x63x32xf32>,
    %slice3A_747 = vector.extract_strided_slice %dot_general3A_538 {offsets = [0, 5], sizes = [63, 32], strides = [1, 1]} : vector<63x63xf32> to vector<63x32xf32>
    %swap3A_748 = arith.constant 2 : index
    %swap3A_749 = arith.constant 26 : index
    %swap3A_750 = arith.constant 0 : index
    %swap3A_751 = arith.constant 0 : index
    %swap3A_752 = vector.load %arg3[%swap3A_748, %swap3A_749, %swap3A_750, %swap3A_751] : memref<4x32x63x32xf32, #tpu.memory_space<vmem>>, vector<1x1x63x32xf32>
    %swap3A_753 = vector.shape_cast %swap3A_752 : vector<1x1x63x32xf32> to vector<63x32xf32>
    %swap3A_754 = vector.shape_cast %slice3A_747 : vector<63x32xf32> to vector<1x1x63x32xf32>
    tpu.vector_store %arg3[%swap3A_748, %swap3A_749, %swap3A_750, %swap3A_751], %swap3A_754 {strides = array<i32>} : memref<4x32x63x32xf32, #tpu.memory_space<vmem>>, vector<1x1x63x32xf32>,
    %slice3A_755 = vector.extract_strided_slice %dot_general3A_538 {offsets = [0, 4], sizes = [63, 32], strides = [1, 1]} : vector<63x63xf32> to vector<63x32xf32>
    %swap3A_756 = arith.constant 2 : index
    %swap3A_757 = arith.constant 27 : index
    %swap3A_758 = arith.constant 0 : index
    %swap3A_759 = arith.constant 0 : index
    %swap3A_760 = vector.load %arg3[%swap3A_756, %swap3A_757, %swap3A_758, %swap3A_759] : memref<4x32x63x32xf32, #tpu.memory_space<vmem>>, vector<1x1x63x32xf32>
    %swap3A_761 = vector.shape_cast %swap3A_760 : vector<1x1x63x32xf32> to vector<63x32xf32>
    %swap3A_762 = vector.shape_cast %slice3A_755 : vector<63x32xf32> to vector<1x1x63x32xf32>
    tpu.vector_store %arg3[%swap3A_756, %swap3A_757, %swap3A_758, %swap3A_759], %swap3A_762 {strides = array<i32>} : memref<4x32x63x32xf32, #tpu.memory_space<vmem>>, vector<1x1x63x32xf32>,
    %slice3A_763 = vector.extract_strided_slice %dot_general3A_538 {offsets = [0, 3], sizes = [63, 32], strides = [1, 1]} : vector<63x63xf32> to vector<63x32xf32>
    %swap3A_764 = arith.constant 2 : index
    %swap3A_765 = arith.constant 28 : index
    %swap3A_766 = arith.constant 0 : index
    %swap3A_767 = arith.constant 0 : index
    %swap3A_768 = vector.load %arg3[%swap3A_764, %swap3A_765, %swap3A_766, %swap3A_767] : memref<4x32x63x32xf32, #tpu.memory_space<vmem>>, vector<1x1x63x32xf32>
    %swap3A_769 = vector.shape_cast %swap3A_768 : vector<1x1x63x32xf32> to vector<63x32xf32>
    %swap3A_770 = vector.shape_cast %slice3A_763 : vector<63x32xf32> to vector<1x1x63x32xf32>
    tpu.vector_store %arg3[%swap3A_764, %swap3A_765, %swap3A_766, %swap3A_767], %swap3A_770 {strides = array<i32>} : memref<4x32x63x32xf32, #tpu.memory_space<vmem>>, vector<1x1x63x32xf32>,
    %slice3A_771 = vector.extract_strided_slice %dot_general3A_538 {offsets = [0, 2], sizes = [63, 32], strides = [1, 1]} : vector<63x63xf32> to vector<63x32xf32>
    %swap3A_772 = arith.constant 2 : index
    %swap3A_773 = arith.constant 29 : index
    %swap3A_774 = arith.constant 0 : index
    %swap3A_775 = arith.constant 0 : index
    %swap3A_776 = vector.load %arg3[%swap3A_772, %swap3A_773, %swap3A_774, %swap3A_775] : memref<4x32x63x32xf32, #tpu.memory_space<vmem>>, vector<1x1x63x32xf32>
    %swap3A_777 = vector.shape_cast %swap3A_776 : vector<1x1x63x32xf32> to vector<63x32xf32>
    %swap3A_778 = vector.shape_cast %slice3A_771 : vector<63x32xf32> to vector<1x1x63x32xf32>
    tpu.vector_store %arg3[%swap3A_772, %swap3A_773, %swap3A_774, %swap3A_775], %swap3A_778 {strides = array<i32>} : memref<4x32x63x32xf32, #tpu.memory_space<vmem>>, vector<1x1x63x32xf32>,
    %slice3A_779 = vector.extract_strided_slice %dot_general3A_538 {offsets = [0, 1], sizes = [63, 32], strides = [1, 1]} : vector<63x63xf32> to vector<63x32xf32>
    %swap3A_780 = arith.constant 2 : index
    %swap3A_781 = arith.constant 30 : index
    %swap3A_782 = arith.constant 0 : index
    %swap3A_783 = arith.constant 0 : index
    %swap3A_784 = vector.load %arg3[%swap3A_780, %swap3A_781, %swap3A_782, %swap3A_783] : memref<4x32x63x32xf32, #tpu.memory_space<vmem>>, vector<1x1x63x32xf32>
    %swap3A_785 = vector.shape_cast %swap3A_784 : vector<1x1x63x32xf32> to vector<63x32xf32>
    %swap3A_786 = vector.shape_cast %slice3A_779 : vector<63x32xf32> to vector<1x1x63x32xf32>
    tpu.vector_store %arg3[%swap3A_780, %swap3A_781, %swap3A_782, %swap3A_783], %swap3A_786 {strides = array<i32>} : memref<4x32x63x32xf32, #tpu.memory_space<vmem>>, vector<1x1x63x32xf32>,
    %slice3A_787 = vector.extract_strided_slice %dot_general3A_538 {offsets = [0, 0], sizes = [63, 32], strides = [1, 1]} : vector<63x63xf32> to vector<63x32xf32>
    %swap3A_788 = arith.constant 2 : index
    %swap3A_789 = arith.constant 31 : index
    %swap3A_790 = arith.constant 0 : index
    %swap3A_791 = arith.constant 0 : index
    %swap3A_792 = vector.load %arg3[%swap3A_788, %swap3A_789, %swap3A_790, %swap3A_791] : memref<4x32x63x32xf32, #tpu.memory_space<vmem>>, vector<1x1x63x32xf32>
    %swap3A_793 = vector.shape_cast %swap3A_792 : vector<1x1x63x32xf32> to vector<63x32xf32>
    %swap3A_794 = vector.shape_cast %slice3A_787 : vector<63x32xf32> to vector<1x1x63x32xf32>
    tpu.vector_store %arg3[%swap3A_788, %swap3A_789, %swap3A_790, %swap3A_791], %swap3A_794 {strides = array<i32>} : memref<4x32x63x32xf32, #tpu.memory_space<vmem>>, vector<1x1x63x32xf32>,
    %get3A_795 = arith.constant 3 : index
    %get3A_796 = arith.constant 0 : index
    %get3A_797 = arith.constant 0 : index
    %get3A_798 = vector.load %arg1[%get3A_795, %get3A_796, %get3A_797] : memref<4x63x63xf32, #tpu.memory_space<vmem>>, vector<1x63x63xf32>
    %get3A_799 = vector.shape_cast %get3A_798 : vector<1x63x63xf32> to vector<63x63xf32>
    %dot_general3A_800 = arith.constant dense<0.000000e+00> : vector<63x63xf32>
    %dot_general3A_801 = tpu.matmul %get3A_799, %convert_element_type3A_3, %dot_general3A_800 {dimension_numbers = #tpu.dot_dimension_numbers<[1], [0], [0], [1], [0, 0, 1, 1], [], []>, precision = #tpu.contract_precision<fp32>, transpose_lhs_hint = false} : vector<63x63xf32>, vector<63x63xf32>, vector<63x63xf32> -> vector<63x63xf32>
    %dot_general3A_802 = arith.constant dense<0.000000e+00> : vector<63x63xf32>
    %dot_general3A_803 = tpu.matmul %convert_element_type3A_3, %dot_general3A_801, %dot_general3A_802 {dimension_numbers = #tpu.dot_dimension_numbers<[1], [0], [0], [1], [0, 0, 1, 1], [], []>, precision = #tpu.contract_precision<fp32>, transpose_lhs_hint = false} : vector<63x63xf32>, vector<63x63xf32>, vector<63x63xf32> -> vector<63x63xf32>
    %slice3A_804 = vector.extract_strided_slice %dot_general3A_803 {offsets = [0, 31], sizes = [63, 32], strides = [1, 1]} : vector<63x63xf32> to vector<63x32xf32>
    %swap3A_805 = arith.constant 3 : index
    %swap3A_806 = arith.constant 0 : index
    %swap3A_807 = arith.constant 0 : index
    %swap3A_808 = arith.constant 0 : index
    %swap3A_809 = vector.load %arg3[%swap3A_805, %swap3A_806, %swap3A_807, %swap3A_808] : memref<4x32x63x32xf32, #tpu.memory_space<vmem>>, vector<1x1x63x32xf32>
    %swap3A_810 = vector.shape_cast %swap3A_809 : vector<1x1x63x32xf32> to vector<63x32xf32>
    %swap3A_811 = vector.shape_cast %slice3A_804 : vector<63x32xf32> to vector<1x1x63x32xf32>
    tpu.vector_store %arg3[%swap3A_805, %swap3A_806, %swap3A_807, %swap3A_808], %swap3A_811 {strides = array<i32>} : memref<4x32x63x32xf32, #tpu.memory_space<vmem>>, vector<1x1x63x32xf32>,
    %slice3A_812 = vector.extract_strided_slice %dot_general3A_803 {offsets = [0, 30], sizes = [63, 32], strides = [1, 1]} : vector<63x63xf32> to vector<63x32xf32>
    %swap3A_813 = arith.constant 3 : index
    %swap3A_814 = arith.constant 1 : index
    %swap3A_815 = arith.constant 0 : index
    %swap3A_816 = arith.constant 0 : index
    %swap3A_817 = vector.load %arg3[%swap3A_813, %swap3A_814, %swap3A_815, %swap3A_816] : memref<4x32x63x32xf32, #tpu.memory_space<vmem>>, vector<1x1x63x32xf32>
    %swap3A_818 = vector.shape_cast %swap3A_817 : vector<1x1x63x32xf32> to vector<63x32xf32>
    %swap3A_819 = vector.shape_cast %slice3A_812 : vector<63x32xf32> to vector<1x1x63x32xf32>
    tpu.vector_store %arg3[%swap3A_813, %swap3A_814, %swap3A_815, %swap3A_816], %swap3A_819 {strides = array<i32>} : memref<4x32x63x32xf32, #tpu.memory_space<vmem>>, vector<1x1x63x32xf32>,
    %slice3A_820 = vector.extract_strided_slice %dot_general3A_803 {offsets = [0, 29], sizes = [63, 32], strides = [1, 1]} : vector<63x63xf32> to vector<63x32xf32>
    %swap3A_821 = arith.constant 3 : index
    %swap3A_822 = arith.constant 2 : index
    %swap3A_823 = arith.constant 0 : index
    %swap3A_824 = arith.constant 0 : index
    %swap3A_825 = vector.load %arg3[%swap3A_821, %swap3A_822, %swap3A_823, %swap3A_824] : memref<4x32x63x32xf32, #tpu.memory_space<vmem>>, vector<1x1x63x32xf32>
    %swap3A_826 = vector.shape_cast %swap3A_825 : vector<1x1x63x32xf32> to vector<63x32xf32>
    %swap3A_827 = vector.shape_cast %slice3A_820 : vector<63x32xf32> to vector<1x1x63x32xf32>
    tpu.vector_store %arg3[%swap3A_821, %swap3A_822, %swap3A_823, %swap3A_824], %swap3A_827 {strides = array<i32>} : memref<4x32x63x32xf32, #tpu.memory_space<vmem>>, vector<1x1x63x32xf32>,
    %slice3A_828 = vector.extract_strided_slice %dot_general3A_803 {offsets = [0, 28], sizes = [63, 32], strides = [1, 1]} : vector<63x63xf32> to vector<63x32xf32>
    %swap3A_829 = arith.constant 3 : index
    %swap3A_830 = arith.constant 3 : index
    %swap3A_831 = arith.constant 0 : index
    %swap3A_832 = arith.constant 0 : index
    %swap3A_833 = vector.load %arg3[%swap3A_829, %swap3A_830, %swap3A_831, %swap3A_832] : memref<4x32x63x32xf32, #tpu.memory_space<vmem>>, vector<1x1x63x32xf32>
    %swap3A_834 = vector.shape_cast %swap3A_833 : vector<1x1x63x32xf32> to vector<63x32xf32>
    %swap3A_835 = vector.shape_cast %slice3A_828 : vector<63x32xf32> to vector<1x1x63x32xf32>
    tpu.vector_store %arg3[%swap3A_829, %swap3A_830, %swap3A_831, %swap3A_832], %swap3A_835 {strides = array<i32>} : memref<4x32x63x32xf32, #tpu.memory_space<vmem>>, vector<1x1x63x32xf32>,
    %slice3A_836 = vector.extract_strided_slice %dot_general3A_803 {offsets = [0, 27], sizes = [63, 32], strides = [1, 1]} : vector<63x63xf32> to vector<63x32xf32>
    %swap3A_837 = arith.constant 3 : index
    %swap3A_838 = arith.constant 4 : index
    %swap3A_839 = arith.constant 0 : index
    %swap3A_840 = arith.constant 0 : index
    %swap3A_841 = vector.load %arg3[%swap3A_837, %swap3A_838, %swap3A_839, %swap3A_840] : memref<4x32x63x32xf32, #tpu.memory_space<vmem>>, vector<1x1x63x32xf32>
    %swap3A_842 = vector.shape_cast %swap3A_841 : vector<1x1x63x32xf32> to vector<63x32xf32>
    %swap3A_843 = vector.shape_cast %slice3A_836 : vector<63x32xf32> to vector<1x1x63x32xf32>
    tpu.vector_store %arg3[%swap3A_837, %swap3A_838, %swap3A_839, %swap3A_840], %swap3A_843 {strides = array<i32>} : memref<4x32x63x32xf32, #tpu.memory_space<vmem>>, vector<1x1x63x32xf32>,
    %slice3A_844 = vector.extract_strided_slice %dot_general3A_803 {offsets = [0, 26], sizes = [63, 32], strides = [1, 1]} : vector<63x63xf32> to vector<63x32xf32>
    %swap3A_845 = arith.constant 3 : index
    %swap3A_846 = arith.constant 5 : index
    %swap3A_847 = arith.constant 0 : index
    %swap3A_848 = arith.constant 0 : index
    %swap3A_849 = vector.load %arg3[%swap3A_845, %swap3A_846, %swap3A_847, %swap3A_848] : memref<4x32x63x32xf32, #tpu.memory_space<vmem>>, vector<1x1x63x32xf32>
    %swap3A_850 = vector.shape_cast %swap3A_849 : vector<1x1x63x32xf32> to vector<63x32xf32>
    %swap3A_851 = vector.shape_cast %slice3A_844 : vector<63x32xf32> to vector<1x1x63x32xf32>
    tpu.vector_store %arg3[%swap3A_845, %swap3A_846, %swap3A_847, %swap3A_848], %swap3A_851 {strides = array<i32>} : memref<4x32x63x32xf32, #tpu.memory_space<vmem>>, vector<1x1x63x32xf32>,
    %slice3A_852 = vector.extract_strided_slice %dot_general3A_803 {offsets = [0, 25], sizes = [63, 32], strides = [1, 1]} : vector<63x63xf32> to vector<63x32xf32>
    %swap3A_853 = arith.constant 3 : index
    %swap3A_854 = arith.constant 6 : index
    %swap3A_855 = arith.constant 0 : index
    %swap3A_856 = arith.constant 0 : index
    %swap3A_857 = vector.load %arg3[%swap3A_853, %swap3A_854, %swap3A_855, %swap3A_856] : memref<4x32x63x32xf32, #tpu.memory_space<vmem>>, vector<1x1x63x32xf32>
    %swap3A_858 = vector.shape_cast %swap3A_857 : vector<1x1x63x32xf32> to vector<63x32xf32>
    %swap3A_859 = vector.shape_cast %slice3A_852 : vector<63x32xf32> to vector<1x1x63x32xf32>
    tpu.vector_store %arg3[%swap3A_853, %swap3A_854, %swap3A_855, %swap3A_856], %swap3A_859 {strides = array<i32>} : memref<4x32x63x32xf32, #tpu.memory_space<vmem>>, vector<1x1x63x32xf32>,
    %slice3A_860 = vector.extract_strided_slice %dot_general3A_803 {offsets = [0, 24], sizes = [63, 32], strides = [1, 1]} : vector<63x63xf32> to vector<63x32xf32>
    %swap3A_861 = arith.constant 3 : index
    %swap3A_862 = arith.constant 7 : index
    %swap3A_863 = arith.constant 0 : index
    %swap3A_864 = arith.constant 0 : index
    %swap3A_865 = vector.load %arg3[%swap3A_861, %swap3A_862, %swap3A_863, %swap3A_864] : memref<4x32x63x32xf32, #tpu.memory_space<vmem>>, vector<1x1x63x32xf32>
    %swap3A_866 = vector.shape_cast %swap3A_865 : vector<1x1x63x32xf32> to vector<63x32xf32>
    %swap3A_867 = vector.shape_cast %slice3A_860 : vector<63x32xf32> to vector<1x1x63x32xf32>
    tpu.vector_store %arg3[%swap3A_861, %swap3A_862, %swap3A_863, %swap3A_864], %swap3A_867 {strides = array<i32>} : memref<4x32x63x32xf32, #tpu.memory_space<vmem>>, vector<1x1x63x32xf32>,
    %slice3A_868 = vector.extract_strided_slice %dot_general3A_803 {offsets = [0, 23], sizes = [63, 32], strides = [1, 1]} : vector<63x63xf32> to vector<63x32xf32>
    %swap3A_869 = arith.constant 3 : index
    %swap3A_870 = arith.constant 8 : index
    %swap3A_871 = arith.constant 0 : index
    %swap3A_872 = arith.constant 0 : index
    %swap3A_873 = vector.load %arg3[%swap3A_869, %swap3A_870, %swap3A_871, %swap3A_872] : memref<4x32x63x32xf32, #tpu.memory_space<vmem>>, vector<1x1x63x32xf32>
    %swap3A_874 = vector.shape_cast %swap3A_873 : vector<1x1x63x32xf32> to vector<63x32xf32>
    %swap3A_875 = vector.shape_cast %slice3A_868 : vector<63x32xf32> to vector<1x1x63x32xf32>
    tpu.vector_store %arg3[%swap3A_869, %swap3A_870, %swap3A_871, %swap3A_872], %swap3A_875 {strides = array<i32>} : memref<4x32x63x32xf32, #tpu.memory_space<vmem>>, vector<1x1x63x32xf32>,
    %slice3A_876 = vector.extract_strided_slice %dot_general3A_803 {offsets = [0, 22], sizes = [63, 32], strides = [1, 1]} : vector<63x63xf32> to vector<63x32xf32>
    %swap3A_877 = arith.constant 3 : index
    %swap3A_878 = arith.constant 9 : index
    %swap3A_879 = arith.constant 0 : index
    %swap3A_880 = arith.constant 0 : index
    %swap3A_881 = vector.load %arg3[%swap3A_877, %swap3A_878, %swap3A_879, %swap3A_880] : memref<4x32x63x32xf32, #tpu.memory_space<vmem>>, vector<1x1x63x32xf32>
    %swap3A_882 = vector.shape_cast %swap3A_881 : vector<1x1x63x32xf32> to vector<63x32xf32>
    %swap3A_883 = vector.shape_cast %slice3A_876 : vector<63x32xf32> to vector<1x1x63x32xf32>
    tpu.vector_store %arg3[%swap3A_877, %swap3A_878, %swap3A_879, %swap3A_880], %swap3A_883 {strides = array<i32>} : memref<4x32x63x32xf32, #tpu.memory_space<vmem>>, vector<1x1x63x32xf32>,
    %slice3A_884 = vector.extract_strided_slice %dot_general3A_803 {offsets = [0, 21], sizes = [63, 32], strides = [1, 1]} : vector<63x63xf32> to vector<63x32xf32>
    %swap3A_885 = arith.constant 3 : index
    %swap3A_886 = arith.constant 10 : index
    %swap3A_887 = arith.constant 0 : index
    %swap3A_888 = arith.constant 0 : index
    %swap3A_889 = vector.load %arg3[%swap3A_885, %swap3A_886, %swap3A_887, %swap3A_888] : memref<4x32x63x32xf32, #tpu.memory_space<vmem>>, vector<1x1x63x32xf32>
    %swap3A_890 = vector.shape_cast %swap3A_889 : vector<1x1x63x32xf32> to vector<63x32xf32>
    %swap3A_891 = vector.shape_cast %slice3A_884 : vector<63x32xf32> to vector<1x1x63x32xf32>
    tpu.vector_store %arg3[%swap3A_885, %swap3A_886, %swap3A_887, %swap3A_888], %swap3A_891 {strides = array<i32>} : memref<4x32x63x32xf32, #tpu.memory_space<vmem>>, vector<1x1x63x32xf32>,
    %slice3A_892 = vector.extract_strided_slice %dot_general3A_803 {offsets = [0, 20], sizes = [63, 32], strides = [1, 1]} : vector<63x63xf32> to vector<63x32xf32>
    %swap3A_893 = arith.constant 3 : index
    %swap3A_894 = arith.constant 11 : index
    %swap3A_895 = arith.constant 0 : index
    %swap3A_896 = arith.constant 0 : index
    %swap3A_897 = vector.load %arg3[%swap3A_893, %swap3A_894, %swap3A_895, %swap3A_896] : memref<4x32x63x32xf32, #tpu.memory_space<vmem>>, vector<1x1x63x32xf32>
    %swap3A_898 = vector.shape_cast %swap3A_897 : vector<1x1x63x32xf32> to vector<63x32xf32>
    %swap3A_899 = vector.shape_cast %slice3A_892 : vector<63x32xf32> to vector<1x1x63x32xf32>
    tpu.vector_store %arg3[%swap3A_893, %swap3A_894, %swap3A_895, %swap3A_896], %swap3A_899 {strides = array<i32>} : memref<4x32x63x32xf32, #tpu.memory_space<vmem>>, vector<1x1x63x32xf32>,
    %slice3A_900 = vector.extract_strided_slice %dot_general3A_803 {offsets = [0, 19], sizes = [63, 32], strides = [1, 1]} : vector<63x63xf32> to vector<63x32xf32>
    %swap3A_901 = arith.constant 3 : index
    %swap3A_902 = arith.constant 12 : index
    %swap3A_903 = arith.constant 0 : index
    %swap3A_904 = arith.constant 0 : index
    %swap3A_905 = vector.load %arg3[%swap3A_901, %swap3A_902, %swap3A_903, %swap3A_904] : memref<4x32x63x32xf32, #tpu.memory_space<vmem>>, vector<1x1x63x32xf32>
    %swap3A_906 = vector.shape_cast %swap3A_905 : vector<1x1x63x32xf32> to vector<63x32xf32>
    %swap3A_907 = vector.shape_cast %slice3A_900 : vector<63x32xf32> to vector<1x1x63x32xf32>
    tpu.vector_store %arg3[%swap3A_901, %swap3A_902, %swap3A_903, %swap3A_904], %swap3A_907 {strides = array<i32>} : memref<4x32x63x32xf32, #tpu.memory_space<vmem>>, vector<1x1x63x32xf32>,
    %slice3A_908 = vector.extract_strided_slice %dot_general3A_803 {offsets = [0, 18], sizes = [63, 32], strides = [1, 1]} : vector<63x63xf32> to vector<63x32xf32>
    %swap3A_909 = arith.constant 3 : index
    %swap3A_910 = arith.constant 13 : index
    %swap3A_911 = arith.constant 0 : index
    %swap3A_912 = arith.constant 0 : index
    %swap3A_913 = vector.load %arg3[%swap3A_909, %swap3A_910, %swap3A_911, %swap3A_912] : memref<4x32x63x32xf32, #tpu.memory_space<vmem>>, vector<1x1x63x32xf32>
    %swap3A_914 = vector.shape_cast %swap3A_913 : vector<1x1x63x32xf32> to vector<63x32xf32>
    %swap3A_915 = vector.shape_cast %slice3A_908 : vector<63x32xf32> to vector<1x1x63x32xf32>
    tpu.vector_store %arg3[%swap3A_909, %swap3A_910, %swap3A_911, %swap3A_912], %swap3A_915 {strides = array<i32>} : memref<4x32x63x32xf32, #tpu.memory_space<vmem>>, vector<1x1x63x32xf32>,
    %slice3A_916 = vector.extract_strided_slice %dot_general3A_803 {offsets = [0, 17], sizes = [63, 32], strides = [1, 1]} : vector<63x63xf32> to vector<63x32xf32>
    %swap3A_917 = arith.constant 3 : index
    %swap3A_918 = arith.constant 14 : index
    %swap3A_919 = arith.constant 0 : index
    %swap3A_920 = arith.constant 0 : index
    %swap3A_921 = vector.load %arg3[%swap3A_917, %swap3A_918, %swap3A_919, %swap3A_920] : memref<4x32x63x32xf32, #tpu.memory_space<vmem>>, vector<1x1x63x32xf32>
    %swap3A_922 = vector.shape_cast %swap3A_921 : vector<1x1x63x32xf32> to vector<63x32xf32>
    %swap3A_923 = vector.shape_cast %slice3A_916 : vector<63x32xf32> to vector<1x1x63x32xf32>
    tpu.vector_store %arg3[%swap3A_917, %swap3A_918, %swap3A_919, %swap3A_920], %swap3A_923 {strides = array<i32>} : memref<4x32x63x32xf32, #tpu.memory_space<vmem>>, vector<1x1x63x32xf32>,
    %slice3A_924 = vector.extract_strided_slice %dot_general3A_803 {offsets = [0, 16], sizes = [63, 32], strides = [1, 1]} : vector<63x63xf32> to vector<63x32xf32>
    %swap3A_925 = arith.constant 3 : index
    %swap3A_926 = arith.constant 15 : index
    %swap3A_927 = arith.constant 0 : index
    %swap3A_928 = arith.constant 0 : index
    %swap3A_929 = vector.load %arg3[%swap3A_925, %swap3A_926, %swap3A_927, %swap3A_928] : memref<4x32x63x32xf32, #tpu.memory_space<vmem>>, vector<1x1x63x32xf32>
    %swap3A_930 = vector.shape_cast %swap3A_929 : vector<1x1x63x32xf32> to vector<63x32xf32>
    %swap3A_931 = vector.shape_cast %slice3A_924 : vector<63x32xf32> to vector<1x1x63x32xf32>
    tpu.vector_store %arg3[%swap3A_925, %swap3A_926, %swap3A_927, %swap3A_928], %swap3A_931 {strides = array<i32>} : memref<4x32x63x32xf32, #tpu.memory_space<vmem>>, vector<1x1x63x32xf32>,
    %slice3A_932 = vector.extract_strided_slice %dot_general3A_803 {offsets = [0, 15], sizes = [63, 32], strides = [1, 1]} : vector<63x63xf32> to vector<63x32xf32>
    %swap3A_933 = arith.constant 3 : index
    %swap3A_934 = arith.constant 16 : index
    %swap3A_935 = arith.constant 0 : index
    %swap3A_936 = arith.constant 0 : index
    %swap3A_937 = vector.load %arg3[%swap3A_933, %swap3A_934, %swap3A_935, %swap3A_936] : memref<4x32x63x32xf32, #tpu.memory_space<vmem>>, vector<1x1x63x32xf32>
    %swap3A_938 = vector.shape_cast %swap3A_937 : vector<1x1x63x32xf32> to vector<63x32xf32>
    %swap3A_939 = vector.shape_cast %slice3A_932 : vector<63x32xf32> to vector<1x1x63x32xf32>
    tpu.vector_store %arg3[%swap3A_933, %swap3A_934, %swap3A_935, %swap3A_936], %swap3A_939 {strides = array<i32>} : memref<4x32x63x32xf32, #tpu.memory_space<vmem>>, vector<1x1x63x32xf32>,
    %slice3A_940 = vector.extract_strided_slice %dot_general3A_803 {offsets = [0, 14], sizes = [63, 32], strides = [1, 1]} : vector<63x63xf32> to vector<63x32xf32>
    %swap3A_941 = arith.constant 3 : index
    %swap3A_942 = arith.constant 17 : index
    %swap3A_943 = arith.constant 0 : index
    %swap3A_944 = arith.constant 0 : index
    %swap3A_945 = vector.load %arg3[%swap3A_941, %swap3A_942, %swap3A_943, %swap3A_944] : memref<4x32x63x32xf32, #tpu.memory_space<vmem>>, vector<1x1x63x32xf32>
    %swap3A_946 = vector.shape_cast %swap3A_945 : vector<1x1x63x32xf32> to vector<63x32xf32>
    %swap3A_947 = vector.shape_cast %slice3A_940 : vector<63x32xf32> to vector<1x1x63x32xf32>
    tpu.vector_store %arg3[%swap3A_941, %swap3A_942, %swap3A_943, %swap3A_944], %swap3A_947 {strides = array<i32>} : memref<4x32x63x32xf32, #tpu.memory_space<vmem>>, vector<1x1x63x32xf32>,
    %slice3A_948 = vector.extract_strided_slice %dot_general3A_803 {offsets = [0, 13], sizes = [63, 32], strides = [1, 1]} : vector<63x63xf32> to vector<63x32xf32>
    %swap3A_949 = arith.constant 3 : index
    %swap3A_950 = arith.constant 18 : index
    %swap3A_951 = arith.constant 0 : index
    %swap3A_952 = arith.constant 0 : index
    %swap3A_953 = vector.load %arg3[%swap3A_949, %swap3A_950, %swap3A_951, %swap3A_952] : memref<4x32x63x32xf32, #tpu.memory_space<vmem>>, vector<1x1x63x32xf32>
    %swap3A_954 = vector.shape_cast %swap3A_953 : vector<1x1x63x32xf32> to vector<63x32xf32>
    %swap3A_955 = vector.shape_cast %slice3A_948 : vector<63x32xf32> to vector<1x1x63x32xf32>
    tpu.vector_store %arg3[%swap3A_949, %swap3A_950, %swap3A_951, %swap3A_952], %swap3A_955 {strides = array<i32>} : memref<4x32x63x32xf32, #tpu.memory_space<vmem>>, vector<1x1x63x32xf32>,
    %slice3A_956 = vector.extract_strided_slice %dot_general3A_803 {offsets = [0, 12], sizes = [63, 32], strides = [1, 1]} : vector<63x63xf32> to vector<63x32xf32>
    %swap3A_957 = arith.constant 3 : index
    %swap3A_958 = arith.constant 19 : index
    %swap3A_959 = arith.constant 0 : index
    %swap3A_960 = arith.constant 0 : index
    %swap3A_961 = vector.load %arg3[%swap3A_957, %swap3A_958, %swap3A_959, %swap3A_960] : memref<4x32x63x32xf32, #tpu.memory_space<vmem>>, vector<1x1x63x32xf32>
    %swap3A_962 = vector.shape_cast %swap3A_961 : vector<1x1x63x32xf32> to vector<63x32xf32>
    %swap3A_963 = vector.shape_cast %slice3A_956 : vector<63x32xf32> to vector<1x1x63x32xf32>
    tpu.vector_store %arg3[%swap3A_957, %swap3A_958, %swap3A_959, %swap3A_960], %swap3A_963 {strides = array<i32>} : memref<4x32x63x32xf32, #tpu.memory_space<vmem>>, vector<1x1x63x32xf32>,
    %slice3A_964 = vector.extract_strided_slice %dot_general3A_803 {offsets = [0, 11], sizes = [63, 32], strides = [1, 1]} : vector<63x63xf32> to vector<63x32xf32>
    %swap3A_965 = arith.constant 3 : index
    %swap3A_966 = arith.constant 20 : index
    %swap3A_967 = arith.constant 0 : index
    %swap3A_968 = arith.constant 0 : index
    %swap3A_969 = vector.load %arg3[%swap3A_965, %swap3A_966, %swap3A_967, %swap3A_968] : memref<4x32x63x32xf32, #tpu.memory_space<vmem>>, vector<1x1x63x32xf32>
    %swap3A_970 = vector.shape_cast %swap3A_969 : vector<1x1x63x32xf32> to vector<63x32xf32>
    %swap3A_971 = vector.shape_cast %slice3A_964 : vector<63x32xf32> to vector<1x1x63x32xf32>
    tpu.vector_store %arg3[%swap3A_965, %swap3A_966, %swap3A_967, %swap3A_968], %swap3A_971 {strides = array<i32>} : memref<4x32x63x32xf32, #tpu.memory_space<vmem>>, vector<1x1x63x32xf32>,
    %slice3A_972 = vector.extract_strided_slice %dot_general3A_803 {offsets = [0, 10], sizes = [63, 32], strides = [1, 1]} : vector<63x63xf32> to vector<63x32xf32>
    %swap3A_973 = arith.constant 3 : index
    %swap3A_974 = arith.constant 21 : index
    %swap3A_975 = arith.constant 0 : index
    %swap3A_976 = arith.constant 0 : index
    %swap3A_977 = vector.load %arg3[%swap3A_973, %swap3A_974, %swap3A_975, %swap3A_976] : memref<4x32x63x32xf32, #tpu.memory_space<vmem>>, vector<1x1x63x32xf32>
    %swap3A_978 = vector.shape_cast %swap3A_977 : vector<1x1x63x32xf32> to vector<63x32xf32>
    %swap3A_979 = vector.shape_cast %slice3A_972 : vector<63x32xf32> to vector<1x1x63x32xf32>
    tpu.vector_store %arg3[%swap3A_973, %swap3A_974, %swap3A_975, %swap3A_976], %swap3A_979 {strides = array<i32>} : memref<4x32x63x32xf32, #tpu.memory_space<vmem>>, vector<1x1x63x32xf32>,
    %slice3A_980 = vector.extract_strided_slice %dot_general3A_803 {offsets = [0, 9], sizes = [63, 32], strides = [1, 1]} : vector<63x63xf32> to vector<63x32xf32>
    %swap3A_981 = arith.constant 3 : index
    %swap3A_982 = arith.constant 22 : index
    %swap3A_983 = arith.constant 0 : index
    %swap3A_984 = arith.constant 0 : index
    %swap3A_985 = vector.load %arg3[%swap3A_981, %swap3A_982, %swap3A_983, %swap3A_984] : memref<4x32x63x32xf32, #tpu.memory_space<vmem>>, vector<1x1x63x32xf32>
    %swap3A_986 = vector.shape_cast %swap3A_985 : vector<1x1x63x32xf32> to vector<63x32xf32>
    %swap3A_987 = vector.shape_cast %slice3A_980 : vector<63x32xf32> to vector<1x1x63x32xf32>
    tpu.vector_store %arg3[%swap3A_981, %swap3A_982, %swap3A_983, %swap3A_984], %swap3A_987 {strides = array<i32>} : memref<4x32x63x32xf32, #tpu.memory_space<vmem>>, vector<1x1x63x32xf32>,
    %slice3A_988 = vector.extract_strided_slice %dot_general3A_803 {offsets = [0, 8], sizes = [63, 32], strides = [1, 1]} : vector<63x63xf32> to vector<63x32xf32>
    %swap3A_989 = arith.constant 3 : index
    %swap3A_990 = arith.constant 23 : index
    %swap3A_991 = arith.constant 0 : index
    %swap3A_992 = arith.constant 0 : index
    %swap3A_993 = vector.load %arg3[%swap3A_989, %swap3A_990, %swap3A_991, %swap3A_992] : memref<4x32x63x32xf32, #tpu.memory_space<vmem>>, vector<1x1x63x32xf32>
    %swap3A_994 = vector.shape_cast %swap3A_993 : vector<1x1x63x32xf32> to vector<63x32xf32>
    %swap3A_995 = vector.shape_cast %slice3A_988 : vector<63x32xf32> to vector<1x1x63x32xf32>
    tpu.vector_store %arg3[%swap3A_989, %swap3A_990, %swap3A_991, %swap3A_992], %swap3A_995 {strides = array<i32>} : memref<4x32x63x32xf32, #tpu.memory_space<vmem>>, vector<1x1x63x32xf32>,
    %slice3A_996 = vector.extract_strided_slice %dot_general3A_803 {offsets = [0, 7], sizes = [63, 32], strides = [1, 1]} : vector<63x63xf32> to vector<63x32xf32>
    %swap3A_997 = arith.constant 3 : index
    %swap3A_998 = arith.constant 24 : index
    %swap3A_999 = arith.constant 0 : index
    %swap3A_1000 = arith.constant 0 : index
    %swap3A_1001 = vector.load %arg3[%swap3A_997, %swap3A_998, %swap3A_999, %swap3A_1000] : memref<4x32x63x32xf32, #tpu.memory_space<vmem>>, vector<1x1x63x32xf32>
    %swap3A_1002 = vector.shape_cast %swap3A_1001 : vector<1x1x63x32xf32> to vector<63x32xf32>
    %swap3A_1003 = vector.shape_cast %slice3A_996 : vector<63x32xf32> to vector<1x1x63x32xf32>
    tpu.vector_store %arg3[%swap3A_997, %swap3A_998, %swap3A_999, %swap3A_1000], %swap3A_1003 {strides = array<i32>} : memref<4x32x63x32xf32, #tpu.memory_space<vmem>>, vector<1x1x63x32xf32>,
    %slice3A_1004 = vector.extract_strided_slice %dot_general3A_803 {offsets = [0, 6], sizes = [63, 32], strides = [1, 1]} : vector<63x63xf32> to vector<63x32xf32>
    %swap3A_1005 = arith.constant 3 : index
    %swap3A_1006 = arith.constant 25 : index
    %swap3A_1007 = arith.constant 0 : index
    %swap3A_1008 = arith.constant 0 : index
    %swap3A_1009 = vector.load %arg3[%swap3A_1005, %swap3A_1006, %swap3A_1007, %swap3A_1008] : memref<4x32x63x32xf32, #tpu.memory_space<vmem>>, vector<1x1x63x32xf32>
    %swap3A_1010 = vector.shape_cast %swap3A_1009 : vector<1x1x63x32xf32> to vector<63x32xf32>
    %swap3A_1011 = vector.shape_cast %slice3A_1004 : vector<63x32xf32> to vector<1x1x63x32xf32>
    tpu.vector_store %arg3[%swap3A_1005, %swap3A_1006, %swap3A_1007, %swap3A_1008], %swap3A_1011 {strides = array<i32>} : memref<4x32x63x32xf32, #tpu.memory_space<vmem>>, vector<1x1x63x32xf32>,
    %slice3A_1012 = vector.extract_strided_slice %dot_general3A_803 {offsets = [0, 5], sizes = [63, 32], strides = [1, 1]} : vector<63x63xf32> to vector<63x32xf32>
    %swap3A_1013 = arith.constant 3 : index
    %swap3A_1014 = arith.constant 26 : index
    %swap3A_1015 = arith.constant 0 : index
    %swap3A_1016 = arith.constant 0 : index
    %swap3A_1017 = vector.load %arg3[%swap3A_1013, %swap3A_1014, %swap3A_1015, %swap3A_1016] : memref<4x32x63x32xf32, #tpu.memory_space<vmem>>, vector<1x1x63x32xf32>
    %swap3A_1018 = vector.shape_cast %swap3A_1017 : vector<1x1x63x32xf32> to vector<63x32xf32>
    %swap3A_1019 = vector.shape_cast %slice3A_1012 : vector<63x32xf32> to vector<1x1x63x32xf32>
    tpu.vector_store %arg3[%swap3A_1013, %swap3A_1014, %swap3A_1015, %swap3A_1016], %swap3A_1019 {strides = array<i32>} : memref<4x32x63x32xf32, #tpu.memory_space<vmem>>, vector<1x1x63x32xf32>,
    %slice3A_1020 = vector.extract_strided_slice %dot_general3A_803 {offsets = [0, 4], sizes = [63, 32], strides = [1, 1]} : vector<63x63xf32> to vector<63x32xf32>
    %swap3A_1021 = arith.constant 3 : index
    %swap3A_1022 = arith.constant 27 : index
    %swap3A_1023 = arith.constant 0 : index
    %swap3A_1024 = arith.constant 0 : index
    %swap3A_1025 = vector.load %arg3[%swap3A_1021, %swap3A_1022, %swap3A_1023, %swap3A_1024] : memref<4x32x63x32xf32, #tpu.memory_space<vmem>>, vector<1x1x63x32xf32>
    %swap3A_1026 = vector.shape_cast %swap3A_1025 : vector<1x1x63x32xf32> to vector<63x32xf32>
    %swap3A_1027 = vector.shape_cast %slice3A_1020 : vector<63x32xf32> to vector<1x1x63x32xf32>
    tpu.vector_store %arg3[%swap3A_1021, %swap3A_1022, %swap3A_1023, %swap3A_1024], %swap3A_1027 {strides = array<i32>} : memref<4x32x63x32xf32, #tpu.memory_space<vmem>>, vector<1x1x63x32xf32>,
    %slice3A_1028 = vector.extract_strided_slice %dot_general3A_803 {offsets = [0, 3], sizes = [63, 32], strides = [1, 1]} : vector<63x63xf32> to vector<63x32xf32>
    %swap3A_1029 = arith.constant 3 : index
    %swap3A_1030 = arith.constant 28 : index
    %swap3A_1031 = arith.constant 0 : index
    %swap3A_1032 = arith.constant 0 : index
    %swap3A_1033 = vector.load %arg3[%swap3A_1029, %swap3A_1030, %swap3A_1031, %swap3A_1032] : memref<4x32x63x32xf32, #tpu.memory_space<vmem>>, vector<1x1x63x32xf32>
    %swap3A_1034 = vector.shape_cast %swap3A_1033 : vector<1x1x63x32xf32> to vector<63x32xf32>
    %swap3A_1035 = vector.shape_cast %slice3A_1028 : vector<63x32xf32> to vector<1x1x63x32xf32>
    tpu.vector_store %arg3[%swap3A_1029, %swap3A_1030, %swap3A_1031, %swap3A_1032], %swap3A_1035 {strides = array<i32>} : memref<4x32x63x32xf32, #tpu.memory_space<vmem>>, vector<1x1x63x32xf32>,
    %slice3A_1036 = vector.extract_strided_slice %dot_general3A_803 {offsets = [0, 2], sizes = [63, 32], strides = [1, 1]} : vector<63x63xf32> to vector<63x32xf32>
    %swap3A_1037 = arith.constant 3 : index
    %swap3A_1038 = arith.constant 29 : index
    %swap3A_1039 = arith.constant 0 : index
    %swap3A_1040 = arith.constant 0 : index
    %swap3A_1041 = vector.load %arg3[%swap3A_1037, %swap3A_1038, %swap3A_1039, %swap3A_1040] : memref<4x32x63x32xf32, #tpu.memory_space<vmem>>, vector<1x1x63x32xf32>
    %swap3A_1042 = vector.shape_cast %swap3A_1041 : vector<1x1x63x32xf32> to vector<63x32xf32>
    %swap3A_1043 = vector.shape_cast %slice3A_1036 : vector<63x32xf32> to vector<1x1x63x32xf32>
    tpu.vector_store %arg3[%swap3A_1037, %swap3A_1038, %swap3A_1039, %swap3A_1040], %swap3A_1043 {strides = array<i32>} : memref<4x32x63x32xf32, #tpu.memory_space<vmem>>, vector<1x1x63x32xf32>,
    %slice3A_1044 = vector.extract_strided_slice %dot_general3A_803 {offsets = [0, 1], sizes = [63, 32], strides = [1, 1]} : vector<63x63xf32> to vector<63x32xf32>
    %swap3A_1045 = arith.constant 3 : index
    %swap3A_1046 = arith.constant 30 : index
    %swap3A_1047 = arith.constant 0 : index
    %swap3A_1048 = arith.constant 0 : index
    %swap3A_1049 = vector.load %arg3[%swap3A_1045, %swap3A_1046, %swap3A_1047, %swap3A_1048] : memref<4x32x63x32xf32, #tpu.memory_space<vmem>>, vector<1x1x63x32xf32>
    %swap3A_1050 = vector.shape_cast %swap3A_1049 : vector<1x1x63x32xf32> to vector<63x32xf32>
    %swap3A_1051 = vector.shape_cast %slice3A_1044 : vector<63x32xf32> to vector<1x1x63x32xf32>
    tpu.vector_store %arg3[%swap3A_1045, %swap3A_1046, %swap3A_1047, %swap3A_1048], %swap3A_1051 {strides = array<i32>} : memref<4x32x63x32xf32, #tpu.memory_space<vmem>>, vector<1x1x63x32xf32>,
    %slice3A_1052 = vector.extract_strided_slice %dot_general3A_803 {offsets = [0, 0], sizes = [63, 32], strides = [1, 1]} : vector<63x63xf32> to vector<63x32xf32>
    %swap3A_1053 = arith.constant 3 : index
    %swap3A_1054 = arith.constant 31 : index
    %swap3A_1055 = arith.constant 0 : index
    %swap3A_1056 = arith.constant 0 : index
    %swap3A_1057 = vector.load %arg3[%swap3A_1053, %swap3A_1054, %swap3A_1055, %swap3A_1056] : memref<4x32x63x32xf32, #tpu.memory_space<vmem>>, vector<1x1x63x32xf32>
    %swap3A_1058 = vector.shape_cast %swap3A_1057 : vector<1x1x63x32xf32> to vector<63x32xf32>
    %swap3A_1059 = vector.shape_cast %slice3A_1052 : vector<63x32xf32> to vector<1x1x63x32xf32>
    tpu.vector_store %arg3[%swap3A_1053, %swap3A_1054, %swap3A_1055, %swap3A_1056], %swap3A_1059 {strides = array<i32>} : memref<4x32x63x32xf32, #tpu.memory_space<vmem>>, vector<1x1x63x32xf32>,
    %get3A_1060 = arith.constant 0 : index
    %get3A_1061 = arith.constant 0 : index
    %get3A_1062 = arith.constant 0 : index
    %get3A_1063 = arith.constant 0 : index
    %get3A_1064 = vector.load %arg3[%get3A_1060, %get3A_1061, %get3A_1062, %get3A_1063] : memref<4x32x63x32xf32, #tpu.memory_space<vmem>>, vector<4x32x63x32xf32>
    %reshape3A = vector.shape_cast %get3A_1064 : vector<4x32x63x32xf32> to vector<128x2016xf32>
    %slice3A_1065 = vector.extract_strided_slice %reshape3A {offsets = [0, 0], sizes = [128, 1920], strides = [1, 1]} : vector<128x2016xf32> to vector<128x1920xf32>
    %swap3A_1066 = arith.constant 0 : index
    %swap3A_1067 = arith.constant 0 : index
    %swap3A_1068 = arith.constant 0 : index
    %swap3A_1069 = vector.load %arg2[%swap3A_1066, %swap3A_1067, %swap3A_1068] : memref<4x128x1920xf32, #tpu.memory_space<vmem>>, vector<1x128x1920xf32>
    %swap3A_1070 = vector.shape_cast %swap3A_1069 : vector<1x128x1920xf32> to vector<128x1920xf32>
    %swap3A_1071 = vector.shape_cast %slice3A_1065 : vector<128x1920xf32> to vector<1x128x1920xf32>
    tpu.vector_store %arg2[%swap3A_1066, %swap3A_1067, %swap3A_1068], %swap3A_1071 {strides = array<i32>} : memref<4x128x1920xf32, #tpu.memory_space<vmem>>, vector<1x128x1920xf32>,
    %slice3A_1072 = vector.extract_strided_slice %reshape3A {offsets = [0, 32], sizes = [128, 1920], strides = [1, 1]} : vector<128x2016xf32> to vector<128x1920xf32>
    %swap3A_1073 = arith.constant 1 : index
    %swap3A_1074 = arith.constant 0 : index
    %swap3A_1075 = arith.constant 0 : index
    %swap3A_1076 = vector.load %arg2[%swap3A_1073, %swap3A_1074, %swap3A_1075] : memref<4x128x1920xf32, #tpu.memory_space<vmem>>, vector<1x128x1920xf32>
    %swap3A_1077 = vector.shape_cast %swap3A_1076 : vector<1x128x1920xf32> to vector<128x1920xf32>
    %swap3A_1078 = vector.shape_cast %slice3A_1072 : vector<128x1920xf32> to vector<1x128x1920xf32>
    tpu.vector_store %arg2[%swap3A_1073, %swap3A_1074, %swap3A_1075], %swap3A_1078 {strides = array<i32>} : memref<4x128x1920xf32, #tpu.memory_space<vmem>>, vector<1x128x1920xf32>,
    %slice3A_1079 = vector.extract_strided_slice %reshape3A {offsets = [0, 64], sizes = [128, 1920], strides = [1, 1]} : vector<128x2016xf32> to vector<128x1920xf32>
    %swap3A_1080 = arith.constant 2 : index
    %swap3A_1081 = arith.constant 0 : index
    %swap3A_1082 = arith.constant 0 : index
    %swap3A_1083 = vector.load %arg2[%swap3A_1080, %swap3A_1081, %swap3A_1082] : memref<4x128x1920xf32, #tpu.memory_space<vmem>>, vector<1x128x1920xf32>
    %swap3A_1084 = vector.shape_cast %swap3A_1083 : vector<1x128x1920xf32> to vector<128x1920xf32>
    %swap3A_1085 = vector.shape_cast %slice3A_1079 : vector<128x1920xf32> to vector<1x128x1920xf32>
    tpu.vector_store %arg2[%swap3A_1080, %swap3A_1081, %swap3A_1082], %swap3A_1085 {strides = array<i32>} : memref<4x128x1920xf32, #tpu.memory_space<vmem>>, vector<1x128x1920xf32>,
    %slice3A_1086 = vector.extract_strided_slice %reshape3A {offsets = [0, 96], sizes = [128, 1920], strides = [1, 1]} : vector<128x2016xf32> to vector<128x1920xf32>
    %swap3A_1087 = arith.constant 3 : index
    %swap3A_1088 = arith.constant 0 : index
    %swap3A_1089 = arith.constant 0 : index
    %swap3A_1090 = vector.load %arg2[%swap3A_1087, %swap3A_1088, %swap3A_1089] : memref<4x128x1920xf32, #tpu.memory_space<vmem>>, vector<1x128x1920xf32>
    %swap3A_1091 = vector.shape_cast %swap3A_1090 : vector<1x128x1920xf32> to vector<128x1920xf32>
    %swap3A_1092 = vector.shape_cast %slice3A_1086 : vector<128x1920xf32> to vector<1x128x1920xf32>
    tpu.vector_store %arg2[%swap3A_1087, %swap3A_1088, %swap3A_1089], %swap3A_1092 {strides = array<i32>} : memref<4x128x1920xf32, #tpu.memory_space<vmem>>, vector<1x128x1920xf32>,
    return
  }
  func.func @transform_0(%arg0: i32) -> (i32, i32, i32) {
    %c0_i32 = arith.constant 0 : i32
    %c0_i32_0 = arith.constant 0 : i32
    %c0_i32_1 = arith.constant 0 : i32
    return %arg0, %c0_i32, %c0_i32_0 : i32, i32, i32
  }
  func.func @transform_1(%arg0: i32) -> (i32, i32, i32) {
    %c0_i32 = arith.constant 0 : i32
    %c0_i32_0 = arith.constant 0 : i32
    %c0_i32_1 = arith.constant 0 : i32
    return %c0_i32, %arg0, %c0_i32_0 : i32, i32, i32
  }
}

</mosaic_0001>

<sc_bundles>
// kernel: kernel.4.cloned.1.call-start
scs
__scs_entry_jumppad:
0x0: {  	(pc) =	sbr.rel $0x88, $3  }
0x1: {  	(tag) =	ssettag $0x0;
	lr =	simm.s32 $0x1  }
0x2: {  	[smem:$0x3FA0] =	sst lr;
	_ =	strace $0xD0000000  }
0x3: {  	_ = 	snop  }
0x4: {  	_ = 	snop  }
0x5: {  	_ = 	snop  }
0x6: {  	_ = 	snop  }
0x7: {  	_ = 	snop  }
__scs_overlays_trampoline_lowered:
0x8: {  	[smem:$0x3FAF] =	sst s0  }
0x9: {  	[smem:$0x3FB0] =	sst s1  }
0xa: {  	[smem:$0x3FB1] =	sst s2  }
0xb: {  	[smem:$0x3FB2] =	sst s3  }
0xc: {  	[smem:$0x3FB3] =	sst s4  }
0xd: {  	[smem:$0x3FB4] =	sst s5  }
0xe: {  	[smem:$0x3FB5] =	sst s6  }
0xf: {  	[smem:$0x3FB6] =	sst s7  }
0x10: {  	[smem:$0x3FB7] =	sst s8  }
0x11: {  	[smem:$0x3FB8] =	sst s9;
	s0 =	simm.s32 @!p0 $0x0  }
0x12: {  	s1 =	sld [smem:$0x3F9E];
	s0 =	simm.s32 @p0 $0x1  }
0x13: {  	[smem:$0x3FB9] =	sst s0;
	s0 =	simm.s32 @!p1 $0x0  }
0x14: {  	s2 =	sld [smem:$0x3F9D];
	s0 =	simm.s32 @p1 $0x1  }
0x15: {  	[smem:$0x3FBA] =	sst s0;
	s0 =	simm.s32 @!p2 $0x0  }
0x16: {  	s3 =	sld [smem:$0x3FDB];
	s0 =	simm.s32 @p2 $0x1  }
0x17: {  	s4 =	simm.s32 $0x1BF5;
	[smem:$0x3FBC] =	sst s0  }
0x18: {  	s0 =	sld [smem:$0x3F9F];
	_ =	swait.ge [sflag:s4], $0x0  }
0x19: {  	s7 =	sld [smem:$0x3FA0]  }
0x1a: {  	s8 =	sadd.s32 $0xFFFFE003, lr  }
0x1b: {  	s9 =	sadd.s32 $0xFFFFFEF7, lr;
	s5 =	simm.s32 $0xFFFFFFFF;
	p2 =	slt.u32 s8, $0xFFFFF086  }
0x1c: {  	p1 =	slt.u32 s9, $0xF7A;
	s5 =	simm.s32 @!p2 $0x0  }
0x1d: {  	s5 =	simm.s32 @p1 $0x1;
	p0 =	seq.s32 s7, s2  }
0x1e: {  	s7 =	smul.u32 @!p0 $0xF7A, s2;
	p2 =	seq.s32 @!p0 s5, $0x0  }
0x1f: {  	s9 =	smul.u32 $0xF7A, s1;
	s8 =	simm.s32 @!p0 $0x1BF5;
	p2 =	por !p2, p0  }
0x20: {  	[sflag:s8] =	ssyncset.s32 @!p0 $0xFFFFF086;
	s6 =	sadd.s32 @!p0 s3, s7;
	s7 =	simm.s32 @!p0 $0x108  }
0x21: {  	s3 =	sadd.s32 s3, s9;
	s6 =	sadd.s32 @!p0 $0x88, s6;
	s7 =	simm.s32 @p2 $0x1082  }
0x22: {  	[simem:s7], [sflag:s8] =	dma.local @!p0 [hbm:s6], $0xF7A  }
0x23: {  	s9 =	sor.u32 $0xD0000000, s2;
	s6 =	simm.s32 $0x108;
	_ =	swait.ge @!p0 [sflag:s8], $0x0  }
0x24: {  	s3 =	sadd.s32 $0x88, s3;
	s6 =	simm.s32 @!p1 $0x1082;
	[sflag:s4] =	ssyncset.s32 $0xFFFFF086  }
0x25: {  	[simem:s6], [sflag:s4] =	dma.local [hbm:s3], $0xF7A  }
0x26: {  	[smem:$0x3FA0] =	sst s1;
	(tag) =	ssettag s2;
	_ =	strace s9  }
0x27: {  	s1 =	sld [smem:$0x3FB0]  }
0x28: {  	s2 =	sld [smem:$0x3FB1]  }
0x29: {  	s4 =	sld [smem:$0x3FB3]  }
0x2a: {  	p0 =	seq.s32 s5, $0x0;
	s5 =	sld [smem:$0x3FB4]  }
0x2b: {  	s6 =	sld [smem:$0x3FB5]  }
0x2c: {  	s7 =	sld [smem:$0x3FB6]  }
0x2d: {  	s3 =	simm.s32 $0x108;
	s8 =	sld [smem:$0x3FB7]  }
0x2e: {  	s3 =	simm.s32 @!p0 $0x1082;
	s9 =	sld [smem:$0x3FB8]  }
0x2f: {  	lr =	sadd.s32 s0, s3;
	s0 =	sld [smem:$0x3FAF]  }
0x30: {  	s3 =	sld [smem:$0x3FB2]  }
0x31: {  	[smem:$0x3FBB] =	sst s10  }
0x32: {  	s10 =	sld [smem:$0x3FB9];
	_ =	sdelay $0x3  }
0x33: {  	p0 =	seq.s32 s10, $0x1;
	s10 =	sld [smem:$0x3FBB];
	_ =	sdelay $0x3  }
0x34: {  	[smem:$0x3FBB] =	sst s10  }
0x35: {  	s10 =	sld [smem:$0x3FBA];
	_ =	sdelay $0x3  }
0x36: {  	p1 =	seq.s32 s10, $0x1;
	s10 =	sld [smem:$0x3FBB];
	_ =	sdelay $0x3  }
0x37: {  	[smem:$0x3FBB] =	sst s10  }
0x38: {  	s10 =	sld [smem:$0x3FBC]  }
0x39: {  	_ = 	snop;
	(pc) =	sbr.ind lr, $3  }
0x3a: {  	_ = 	snop  }
0x3b: {  	_ = 	snop  }
0x3c: {  	p2 =	seq.s32 s10, $0x1;
	s10 =	sld [smem:$0x3FBB]  }
0x3d: {  	_ =	shalt  }
0x3e: {  	_ =	shalt  }
0x3f: {  	_ =	shalt  }
0x40: {  	_ =	shalt  }
0x41: {  	_ =	shalt  }
0x42: {  	_ =	shalt  }
0x43: {  	_ =	shalt  }
0x44: {  	_ =	shalt  }
0x45: {  	_ =	shalt  }
0x46: {  	_ =	shalt  }
0x47: {  	_ =	shalt  }
0x48: {  	_ =	shalt  }
0x49: {  	_ =	shalt  }
0x4a: {  	_ =	shalt  }
0x4b: {  	_ =	shalt  }
0x4c: {  	_ =	shalt  }
0x4d: {  	_ =	shalt  }
0x4e: {  	_ =	shalt  }
0x4f: {  	_ =	shalt  }
0x50: {  	_ =	shalt  }
0x51: {  	_ =	shalt  }
0x52: {  	_ =	shalt  }
0x53: {  	_ =	shalt  }
0x54: {  	_ =	shalt  }
0x55: {  	_ =	shalt  }
0x56: {  	_ =	shalt  }
0x57: {  	_ =	shalt  }
0x58: {  	_ =	shalt  }
0x59: {  	_ =	shalt  }
0x5a: {  	_ =	shalt  }
0x5b: {  	_ =	shalt  }
0x5c: {  	_ =	shalt  }
0x5d: {  	_ =	shalt  }
0x5e: {  	_ =	shalt  }
0x5f: {  	_ =	shalt  }
0x60: {  	_ =	shalt  }
0x61: {  	_ =	shalt  }
0x62: {  	_ =	shalt  }
0x63: {  	_ =	shalt  }
0x64: {  	_ =	shalt  }
0x65: {  	_ =	shalt  }
0x66: {  	_ =	shalt  }
0x67: {  	_ =	shalt  }
0x68: {  	_ =	shalt  }
0x69: {  	_ =	shalt  }
0x6a: {  	_ =	shalt  }
0x6b: {  	_ =	shalt  }
0x6c: {  	_ =	shalt  }
0x6d: {  	_ =	shalt  }
0x6e: {  	_ =	shalt  }
0x6f: {  	_ =	shalt  }
0x70: {  	_ =	shalt  }
0x71: {  	_ =	shalt  }
0x72: {  	_ =	shalt  }
0x73: {  	_ =	shalt  }
0x74: {  	_ =	shalt  }
0x75: {  	_ =	shalt  }
0x76: {  	_ =	shalt  }
0x77: {  	_ =	shalt  }
0x78: {  	_ =	shalt  }
0x79: {  	_ =	shalt  }
0x7a: {  	_ =	shalt  }
0x7b: {  	_ =	shalt  }
0x7c: {  	_ =	shalt  }
0x7d: {  	_ =	shalt  }
0x7e: {  	_ =	shalt  }
0x7f: {  	_ =	shalt  }
0x80: {  	_ =	shalt  }
0x81: {  	_ =	shalt  }
0x82: {  	_ =	shalt  }
0x83: {  	_ =	shalt  }
0x84: {  	_ =	shalt  }
0x85: {  	_ =	shalt  }
0x86: {  	_ =	shalt  }
0x87: {  	_ =	shalt  }
.Lfunc_end0:
.L_simem_size_0:
called_computation_lowered:
.L_overlay_start_0:
0x88: {  	s2 =	sld [smem:$0x3FD9]  }
0x89: {  	s3 =	sld [smem:$0x3FFE];
	_ =	sdelay $0x1  }
0x8a: {  	s1 =	srdreg.scid  }
0x8b: {  	s0 =	sand.u32 $0x1, s1  }
0x8c: {  	s17 =	sshll.u32 s0, $0xA;
	s2 =	sadd.s32 s3, s2  }
0x8d: {  	s2 =	sadd.s32 s2, s17  }
0x8e: {  	[smem:$0x3FC7] =	sst s2  }
0x8f: {  	_ = 	snop  }
0x90: {  	s2 =	sld [smem:$0x3FD0];
	(tm) =	ssettm $0x1  }
0x91: {  	s18 =	sld [smem:$0x3FFB];
	_ =	sdelay $0x3  }
0x92: {  	_ =	strace s18  }
0x93: {  	s3 =	sld [smem:$0x3FFC];
	_ =	sdelay $0x3  }
0x94: {  	_ =	strace s3  }
0x95: {  	s3 =	sld [smem:$0x3FFD];
	_ =	sdelay $0x3  }
0x96: {  	_ =	strace s3  }
0x97: {  	_ =	strace $0x8FFFFFFF  }
0x98: {  	s19 =	sld [smem:$0x3FDB];
	_ =	sdelay $0x1  }
0x99: {  	s4 =	simm.s32 $_scs_section_size  }
0x9a: {  	s5 =	simm.s32 $_size__tile_overlayer_lowered;
	s6 =	simm.s32 $_tile_overlayer_lowered  }
0x9b: {  	s22 =	simm.s32 $0x1BFF;
	s21 =	sshll.u32 s6, $0x1;
	s3 =	sadd.s32 s4, s19  }
0x9c: {  	s7 =	simm.s32 $0x0;
	s20 =	sshll.u32 s5, $0x1;
	s5 =	sadd.s32 s21, s3  }
0x9d: {  	[timem:s7], [sflag:s22] =	dma.local [hbm:s5], s20  }
0x9e: {  	_ =	swait.ge [sflag:s22], s20  }
0x9f: {  	s4 =	ssub.s32 $0x0, s20;
	[sflag:s22] =	ssyncset.done $0x0  }
0xa0: {  	[sflag:s22] =	ssyncadd.s32 s4;
	_ =	sdelay $0x1  }
0xa1: {  	s23 =	simm.s32 $0x1B8B  }
0xa2: {  	_ =	swait.ge [sflag:s23], $0x1  }
0xa3: {  	[sflag:s23] =	ssyncset.done $0x0  }
0xa4: {  	s25 =	simm.s32 $0x1B8E;
	s24 =	sld [smem:$0x3FFE];
	[sflag:s23] =	ssyncadd.s32 $0xFFFFFFFF  }
0xa5: {  	s26 =	simm.s32 $execute0_lowered;
	[smem:$0x3FD2] =	sst s25  }
0xa6: {  	s5 =	sshll.u32 s26, $0x1;
	_ =	strace $0x80000046;
	[dreg:$0x1] =	wrdreg $0xFFFFFFFF  }
0xa7: {  	s28 =	simm.s32 $_size_execute0_lowered;
	s3 =	sadd.s32 s3, s5;
	[dreg:$0x0] =	wrdreg $0x0  }
0xa8: {  	s5 =	sshll.u32 s28, $0x1;
	[dreg:$0x2] =	wrdreg s3  }
0xa9: {  	[dreg:$0x3] =	wrdreg s5  }
0xaa: {  	[dreg:$0x4] =	wrdreg $0xC0  }
0xab: {  	_ =	task [dreg:s7], $0x5FFFF  }
0xac: {  	[dreg:$0x1] =	wrdreg $0xFFFFFFFF  }
0xad: {  	[dreg:$0x0] =	wrdreg $0x60  }
0xae: {  	[dreg:$0x2] =	wrdreg s24  }
0xaf: {  	[dreg:$0x3] =	wrdreg s2  }
0xb0: {  	[dreg:$0x4] =	wrdreg $0x9  }
0xb1: {  	_ =	task.clear_ibuf [dreg:s7], $0x5FFFF;
	_ =	strace $0x90000046  }
0xb2: {  	s29 =	simm.s32 $0x9;
	_ =	strace $0x80000048  }
0xb3: {  	_ =	swait.ge [sflag:s29], $0x1  }
0xb4: {  	[sflag:s29] =	ssyncadd.s32 $0xFFFFFFFF  }
0xb5: {  	_ =	strace $0x90000048  }
0xb6: {  	_ =	sfence  }
0xb7: {  	s30 =	sld [smem:$0x0];
	_ =	sdelay $0x2  }
0xb8: {  	s31 =	sshll.u32 s1, $0xD;
	s1 =	sshrl.u32 s1, $0x2  }
0xb9: {  	s3 =	sand.u32 $0x4000, s31;
	s1 =	sadd.s32 s1, s30  }
0xba: {  	s0 =	sor.u32 s3, s0;
	s1 =	sshll.u32 s1, $0x11  }
0xbb: {  	s0 =	sor.u32 s1, s0  }
0xbc: {  	s0 =	sadd.s32 $0x8F2B, s0  }
0xbd: {  	[sflag:s0] =	ssyncadd.remote.s32 $0x1  }
0xbe: {  	_ =	sfence.sel $0xFFFF  }
0xbf: {  	[dreg:$0x0] =	wrdreg $0xFFFFFFFF;
	(pc) =	sbr.abs _section_cstart, $3  }
0xc0: {  	[dreg:$0x1] =	wrdreg $0xFFFFFFFF  }
0xc1: {  	_ =	task.clear_ibuf [dreg:s7], $0x2FFFF;
	_ =	strace $0x9FFFFFFF  }
0xc2: {  	(tm) =	ssettm $0x7FFFFFFF  }
0xc3: {  	_ =	shalt  }
tec
execute0_lowered:
.L_overlay_start_1:
0x0: {  	(tag) =	ssettag $0x1  }
0x1: {  	s0 =	srdreg.scid  }
0x2: {  	s5 =	stileid.u32;
	s0 =	sand.u32 $0x1, s0  }
0x3: {  	s1 =	sor.u32 s0, s5  }
0x4: {  	p1 =	seq.s32 s0, $0x1;
	p0 =	seq.s32 s1, $0x0  }
0x5: {  	p0 =	por !p0, !p1  }
0x6: {  	s3 =	simm.s32 $0x1;
	p0 =	por !p0, !p0  }
0x7: {  	s29 =	rddreg [dreg:$0x0];
	s2 =	simm.s32 $0x0;
	s3 =	simm.s32 @!p0 $0x0  }
0x8: {  	[smem:$0x7FF] =	sst s2;
	s3 =	ssub.s32 s5, s3  }
0x9: {  	s9 =	sshll.u32 s0, $0x13;
	s5 =	smul.u32 $0xF000, s3;
	s3 =	sshll.u32 s3, $0x14  }
0xa: {  	s4 =	rddreg [dreg:$0x1];
	_ =	strace $0x80000047;
	s3 =	sor.u32 s9, s3  }
0xb: {  	s1 =	sadd.s32 $0x600, s29;
	s8 =	sshrl.u32 s5, $0x3;
	s3 =	sshrl.u32 s3, $0x3  }
0xc: {  	s6 =	ssub.s32 $0x2, s0;
	s12 =	sadd.s32 s1, s8;
	s9 =	sadd.s32 s4, s3  }
0xd: {  	s8 =	sshll.u32 s0, $0xC;
	s31 =	sadd.s32 $0x1E000, s12;
	[dreg:$0xe] =	wrdreg s9  }
0xe: {  	s7 =	sshrl.u32 s6, $0x1;
	s0 =	sxor.u32 $0x1400, s8;
	[dreg:$0x3] =	wrdreg s31  }
0xf: {  	s6 =	ssub.s32 s6, s7;
	s7 =	sadd.s32 $0x3C000, s12;
	[dreg:$0x17] =	wrdreg s0  }
0x10: {  	s14 =	sxor.u32 $0x1000, s8;
	[dreg:$0x4] =	wrdreg s7  }
0x11: {  	s10 =	sadd.s32 $0x2D0000, s5;
	s13 =	ssub.s32 $0x10C00, s8;
	[dreg:$0x16] =	wrdreg s14  }
0x12: {  	s3 =	sshrl.u32 s10, $0x3;
	s16 =	ssub.s32 $0x10800, s8;
	[dreg:$0x5] =	wrdreg s13  }
0x13: {  	s15 =	sadd.s32 s1, s3;
	[dreg:$0x19] =	wrdreg s16  }
0x14: {  	s18 =	ssub.s32 $0x10400, s8;
	[dreg:$0x6] =	wrdreg s15  }
0x15: {  	s19 =	ssub.s32 $0x14800, s8;
	[dreg:$0x18] =	wrdreg s18  }
0x16: {  	s30 =	simm.s32 $0x3;
	s20 =	ssub.s32 $0x18400, s8;
	[dreg:$0x8] =	wrdreg s19  }
0x17: {  	p0 =	por $0x0, $0x0;
	s21 =	ssub.s32 $0x1C000, s8;
	[dreg:$0x9] =	wrdreg s20  }
0x18: {  	s11 =	sxor.u32 $0x1C00, s8;
	s29 =	ssub.s32 $0xC800, s8;
	[dreg:$0xa] =	wrdreg s21  }
0x19: {  	s23 =	sxor.u32 $0x1800, s8;
	s10 =	ssub.s32 $0x4C00, s8;
	[dreg:$0x10] =	wrdreg s29  }
0x1a: {  	s3 =	smax.u32 s6, $0x1;
	s1 =	sadd.s32 $0xD000, s9;
	[dreg:$0x12] =	wrdreg s10  }
0x1b: {  	s22 =	sxor.u32 $0x5800, s8;
	s26 =	sxor.u32 $0x9400, s8;
	[dreg:$0x15] =	wrdreg s1  }
0x1c: {  	s4 =	ssub.s32 $0xCC00, s8;
	s17 =	sadd.s32 $0xF000, s11;
	[smem:$0x7FD] =	sst s22  }
0x1d: {  	s5 =	ssub.s32 $0x8C00, s8;
	s24 =	sadd.s32 $0x12C00, s11;
	[dreg:$0x7] =	wrdreg s17  }
0x1e: {  	s7 =	ssub.s32 $0x10000, s8;
	s25 =	sadd.s32 $0x16800, s11;
	[dreg:$0xb] =	wrdreg s24  }
0x1f: {  	s0 =	sxor.u32 $0xD000, s8;
	s31 =	sadd.s32 $0x1A400, s11;
	[dreg:$0xc] =	wrdreg s25  }
0x20: {  	s14 =	sxor.u32 $0x5400, s8;
	s16 =	ssub.s32 $0xC400, s8;
	[dreg:$0xd] =	wrdreg s31  }
0x21: {  	s15 =	sxor.u32 $0x9000, s8;
	s18 =	ssub.s32 $0x18000, s8;
	[smem:$0x7F6] =	sst s16  }
0x22: {  	s19 =	sxor.u32 $0x5000, s8;
	s20 =	sxor.u32 $0x1BC00, s8;
	[smem:$0x7F8] =	sst s18  }
0x23: {  	s13 =	ssub.s32 $0x8800, s8;
	s21 =	ssub.s32 $0x14000, s8;
	[smem:$0x7F9] =	sst s20  }
0x24: {  	s29 =	sxor.u32 $0x13C00, s8;
	p1 =	sne.s32 s3, $0x1;
	[dreg:$0x1f] =	wrdreg s21  }
0x25: {  	s28 =	sadd.s32 $0xFFFFFFFF, s3;
	s10 =	sadd.s32 $0x1000, s9;
	[dreg:$0x1c] =	wrdreg s29  }
0x26: {  	s3 =	simm.s32 $0x1;
	s1 =	simm.s32 $0xF000;
	[smem:$0x7FA] =	sst s10  }
0x27: {  	s17 =	ssub.s32 $0x14400, s8;
	s24 =	sxor.u32 $0x17C00, s8;
	[dreg:$0xf] =	wrdreg s7  }
0x28: {  	s25 =	sxor.u32 $0x1B800, s8;
	s31 =	sxor.u32 $0x17800, s8;
	[smem:$0x7F7] =	sst s17  }
0x29: {  	s8 =	sxor.u32 $0x1B400, s8;
	s16 =	sadd.s32 $0xF000, s9;
	[dreg:$0x1e] =	wrdreg s24  }
0x2a: {  	s21 =	sadd.s32 $0x2000, s9;
	s20 =	sadd.s32 $0x6000, s9;
	[dreg:$0x1d] =	wrdreg s25  }
0x2b: {  	s18 =	sadd.s32 $0xA000, s9;
	s29 =	sadd.s32 $0x5000, s9;
	[dreg:$0x1b] =	wrdreg s31  }
0x2c: {  	s10 =	sadd.s32 $0x4000, s9;
	[dreg:$0x1a] =	wrdreg s8;
	s8 =	smov.u32 s13  }
.Ltmp0:
0x2d: {  	s24 =	sadd.s32 $0x3000, s9;
	[smem:$0x7FB] =	sst s29;
	(pc) =	sbr.rel @!p1 .LBB2_5-.Ltmp0, $4  }
0x2e: {  	s13 =	sadd.s32 $0x7000, s9;
	s31 =	sadd.s32 $0x9000, s9;
	[dreg:$0x14] =	wrdreg s10  }
0x2f: {  	s25 =	sadd.s32 $0xB000, s9;
	s29 =	sadd.s32 $0x8000, s9;
	[smem:$0x7FC] =	sst s31  }
0x30: {  	s17 =	sadd.s32 $0xE000, s9;
	[dreg:$0x13] =	wrdreg s29;
	s31 =	sadd.s32 $0xC000, s9  }
0x31: {  	s10 =	simm.s32 $0x4;
	s9 =	smov.u32 s26;
	[dreg:$0x11] =	wrdreg s31  }
0x32: {  	[tilespmem:s2], [sflag:$0x1] =	stream.linear.gather [hbm4b:s12+s2], $0xF000, $0x38;
	[tilespmem:$0x1E000] =	vst v63  }
0x33: {  	s6 =	rddreg [dreg:$0x3]  }
0x34: {  	[tilespmem:s1], [sflag:$0x2] =	stream.linear.gather [hbm4b:s6+s2], $0xF000, $0x38;
	[tilespmem:$0x1E000] =	vst v63  }
0x35: {  	_ =	swait.ge [sflag:s3], $0xF000  }
0x36: {  	s29 =	sadd.s32 $0x400, s24;
	[smem:$0x7D3] =	sst s11  }
0x37: {  	s31 =	sadd.s32 $0x800, s24;
	[smem:$0x7B2] =	sst s29  }
0x38: {  	[smem:$0x7B3] =	sst s31  }
0x39: {  	[smem:$0x7D7] =	sst s0  }
0x3a: {  	[smem:$0x7D8] =	sst s23  }
0x3b: {  	s6 =	sadd.s32 $0x400, s13;
	[smem:$0x7DA] =	sst s14  }
0x3c: {  	[smem:$0x7B5] =	sst s6  }
0x3d: {  	s26 =	sadd.s32 $0x800, s13;
	[smem:$0x7DC] =	sst s15  }
0x3e: {  	[smem:$0x7B6] =	sst s26  }
0x3f: {  	[smem:$0x7DE] =	sst s4  }
0x40: {  	[smem:$0x7E0] =	sst s19  }
0x41: {  	[sflag:s3] =	ssyncset.done $0x0;
	[smem:$0x7B9] =	sst s24  }
0x42: {  	[smem:$0x7E2] =	sst s5;
	[sflag:s3] =	ssyncadd.s32 $0xFFFF1000  }
0x43: {  	[hbm4b:s24+s2] =	stream.linear.scatter [tilespmem:s11], [sflag:$0x3], $0x2000, $0x38;
	[tilespmem:$0x1E000] =	vst v63  }
0x44: {  	[smem:$0x7BD] =	sst s25  }
0x45: {  	[hbm4b:s29+s2] =	stream.linear.scatter [tilespmem:s22], [sflag:$0x3], $0x2000, $0x38;
	[tilespmem:$0x1E000] =	vst v63  }
0x46: {  	[smem:$0x7E6] =	sst s8;
	s3 =	sadd.s32 $0xC00, s24  }
0x47: {  	[hbm4b:s31+s2] =	stream.linear.scatter [tilespmem:s9], [sflag:$0x3], $0x2000, $0x38;
	[tilespmem:$0x1E000] =	vst v63  }
0x48: {  	[smem:$0x7B4] =	sst s3;
	s24 =	sadd.s32 $0x800, s16  }
0x49: {  	[hbm4b:s3+s2] =	stream.linear.scatter [tilespmem:s0], [sflag:$0x3], $0x2000, $0x38;
	[tilespmem:$0x1E000] =	vst v63  }
0x4a: {  	[smem:$0x7BE] =	sst s24;
	s29 =	sadd.s32 $0xC00, s13  }
0x4b: {  	[hbm4b:s13+s2] =	stream.linear.scatter [tilespmem:s23], [sflag:$0x3], $0x2000, $0x38;
	[tilespmem:$0x1E000] =	vst v63  }
0x4c: {  	[smem:$0x7B7] =	sst s29  }
0x4d: {  	[hbm4b:s6+s2] =	stream.linear.scatter [tilespmem:s14], [sflag:$0x3], $0x2000, $0x38;
	[tilespmem:$0x1E000] =	vst v63  }
0x4e: {  	s31 =	rddreg [dreg:$0x17];
	s3 =	sadd.s32 $0x400, s25  }
0x4f: {  	[hbm4b:s26+s2] =	stream.linear.scatter [tilespmem:s15], [sflag:$0x3], $0x2000, $0x38;
	[tilespmem:$0x1E000] =	vst v63  }
0x50: {  	[smem:$0x7B8] =	sst s3;
	s6 =	sadd.s32 $0x800, s25  }
0x51: {  	[hbm4b:s29+s2] =	stream.linear.scatter [tilespmem:s4], [sflag:$0x3], $0x2000, $0x38;
	[tilespmem:$0x1E000] =	vst v63  }
0x52: {  	[smem:$0x7BA] =	sst s6;
	s26 =	sadd.s32 $0xC00, s25  }
0x53: {  	[hbm4b:s25+s2] =	stream.linear.scatter [tilespmem:s31], [sflag:$0x3], $0x2000, $0x38;
	[tilespmem:$0x1E000] =	vst v63  }
0x54: {  	[smem:$0x7BB] =	sst s26  }
0x55: {  	[hbm4b:s3+s2] =	stream.linear.scatter [tilespmem:s19], [sflag:$0x3], $0x2000, $0x38;
	[tilespmem:$0x1E000] =	vst v63  }
0x56: {  	s29 =	rddreg [dreg:$0x10]  }
0x57: {  	[hbm4b:s6+s2] =	stream.linear.scatter [tilespmem:s5], [sflag:$0x3], $0x2000, $0x38;
	[tilespmem:$0x1E000] =	vst v63  }
0x58: {  	s31 =	rddreg [dreg:$0x16];
	s3 =	sadd.s32 $0x400, s16  }
0x59: {  	[hbm4b:s26+s2] =	stream.linear.scatter [tilespmem:s29], [sflag:$0x3], $0x2000, $0x38;
	[tilespmem:$0x1E000] =	vst v63  }
0x5a: {  	[smem:$0x7BC] =	sst s3  }
0x5b: {  	[hbm4b:s16+s2] =	stream.linear.scatter [tilespmem:s31], [sflag:$0x3], $0x2000, $0x38;
	[tilespmem:$0x1E000] =	vst v63  }
0x5c: {  	s6 =	rddreg [dreg:$0x12]  }
0x5d: {  	[hbm4b:s3+s2] =	stream.linear.scatter [tilespmem:s6], [sflag:$0x3], $0x2000, $0x38;
	[tilespmem:$0x1E000] =	vst v63  }
0x5e: {  	s26 =	sadd.s32 $0xC00, s16;
	s31 =	sld [smem:$0x7F6]  }
0x5f: {  	[hbm4b:s24+s2] =	stream.linear.scatter [tilespmem:s8], [sflag:$0x3], $0x2000, $0x38;
	[tilespmem:$0x1E000] =	vst v63  }
0x60: {  	[smem:$0x7BF] =	sst s26  }
0x61: {  	[hbm4b:s26+s2] =	stream.linear.scatter [tilespmem:s31], [sflag:$0x3], $0x2000, $0x38;
	[tilespmem:$0x1E000] =	vst v63  }
0x62: {  	_ =	swait.ge [sflag:s30], $0x8000  }
0x63: {  	[sflag:s30] =	ssyncset.done $0x0  }
0x64: {  	[sflag:s30] =	ssyncadd.s32 $0xFFFF8000  }
0x65: {  	_ =	swait.ge [sflag:s30], $0x8000  }
0x66: {  	[sflag:s30] =	ssyncset.done $0x0  }
0x67: {  	[sflag:s30] =	ssyncadd.s32 $0xFFFF8000  }
0x68: {  	_ =	swait.ge [sflag:s30], $0x8000  }
0x69: {  	[sflag:s30] =	ssyncset.done $0x0  }
0x6a: {  	[sflag:s30] =	ssyncadd.s32 $0xFFFF8000  }
0x6b: {  	_ =	swait.ge [sflag:s30], $0x8000  }
0x6c: {  	[sflag:s30] =	ssyncset.done $0x0  }
0x6d: {  	s26 =	simm.s32 $0x2;
	s1 =	rddreg [dreg:$0x4];
	[sflag:s30] =	ssyncadd.s32 $0xFFFF8000  }
0x6e: {  	[tilespmem:s2], [sflag:$0x1] =	stream.linear.gather [hbm4b:s1+s2], $0xF000, $0x38;
	[tilespmem:$0x1E000] =	vst v63  }
0x6f: {  	_ =	swait.ge [sflag:s26], $0xF000  }
0x70: {  	s3 =	rddreg [dreg:$0x5]  }
0x71: {  	s24 =	rddreg [dreg:$0x8]  }
0x72: {  	s25 =	sadd.s32 $0x400, s21;
	s31 =	rddreg [dreg:$0x9]  }
0x73: {  	s6 =	sadd.s32 $0x800, s21;
	[smem:$0x7C0] =	sst s25  }
0x74: {  	s1 =	sadd.s32 $0x400, s20;
	[smem:$0x7C1] =	sst s6  }
0x75: {  	[smem:$0x7C3] =	sst s1  }
0x76: {  	[smem:$0x7C4] =	sst s21  }
0x77: {  	[smem:$0x7C6] =	sst s20  }
0x78: {  	[smem:$0x7CB] =	sst s16  }
0x79: {  	s16 =	rddreg [dreg:$0x1d]  }
0x7a: {  	[smem:$0x7CD] =	sst s13  }
0x7b: {  	s13 =	rddreg [dreg:$0x1c]  }
0x7c: {  	[smem:$0x7CF] =	sst s12  }
0x7d: {  	[sflag:s26] =	ssyncset.done $0x0;
	s12 =	rddreg [dreg:$0x1b]  }
0x7e: {  	[smem:$0x7F5] =	sst s28;
	[sflag:s26] =	ssyncadd.s32 $0xFFFF1000  }
0x7f: {  	[hbm4b:s21+s2] =	stream.linear.scatter [tilespmem:s3], [sflag:$0x4], $0x2000, $0x38;
	[tilespmem:$0x1E000] =	vst v63  }
0x80: {  	s28 =	rddreg [dreg:$0x1a];
	s3 =	smov.u32 s18  }
0x81: {  	[smem:$0x7CA] =	sst s3  }
0x82: {  	[hbm4b:s25+s2] =	stream.linear.scatter [tilespmem:s24], [sflag:$0x4], $0x2000, $0x38;
	[tilespmem:$0x1E000] =	vst v63  }
0x83: {  	s25 =	rddreg [dreg:$0xa]  }
0x84: {  	s24 =	sld [smem:$0x7F7]  }
0x85: {  	[hbm4b:s6+s2] =	stream.linear.scatter [tilespmem:s31], [sflag:$0x4], $0x2000, $0x38;
	[tilespmem:$0x1E000] =	vst v63  }
0x86: {  	s31 =	sadd.s32 $0xC00, s21;
	s21 =	sld [smem:$0x7F8]  }
0x87: {  	s6 =	sadd.s32 $0x800, s20;
	[smem:$0x7C2] =	sst s31  }
0x88: {  	[smem:$0x7C5] =	sst s6  }
0x89: {  	[hbm4b:s31+s2] =	stream.linear.scatter [tilespmem:s25], [sflag:$0x4], $0x2000, $0x38;
	[tilespmem:$0x1E000] =	vst v63  }
0x8a: {  	s25 =	rddreg [dreg:$0x19];
	s31 =	sadd.s32 $0xC00, s20  }
0x8b: {  	[hbm4b:s20+s2] =	stream.linear.scatter [tilespmem:s25], [sflag:$0x4], $0x2000, $0x38;
	[tilespmem:$0x1E000] =	vst v63  }
0x8c: {  	[smem:$0x7C7] =	sst s31  }
0x8d: {  	[hbm4b:s1+s2] =	stream.linear.scatter [tilespmem:s24], [sflag:$0x4], $0x2000, $0x38;
	[tilespmem:$0x1E000] =	vst v63  }
0x8e: {  	s20 =	sld [smem:$0x7F9];
	s1 =	sadd.s32 $0x400, s18  }
0x8f: {  	[hbm4b:s6+s2] =	stream.linear.scatter [tilespmem:s21], [sflag:$0x4], $0x2000, $0x38;
	[tilespmem:$0x1E000] =	vst v63  }
0x90: {  	[smem:$0x7C8] =	sst s1  }
0x91: {  	[hbm4b:s31+s2] =	stream.linear.scatter [tilespmem:s20], [sflag:$0x4], $0x2000, $0x38;
	[tilespmem:$0x1E000] =	vst v63  }
0x92: {  	s31 =	rddreg [dreg:$0x18]  }
0x93: {  	[hbm4b:s18+s2] =	stream.linear.scatter [tilespmem:s31], [sflag:$0x4], $0x2000, $0x38;
	[tilespmem:$0x1E000] =	vst v63  }
0x94: {  	s18 =	rddreg [dreg:$0x1f]  }
0x95: {  	[hbm4b:s1+s2] =	stream.linear.scatter [tilespmem:s18], [sflag:$0x4], $0x2000, $0x38;
	[tilespmem:$0x1E000] =	vst v63  }
0x96: {  	s6 =	smov.u32 s17;
	s17 =	rddreg [dreg:$0x1e];
	s1 =	sadd.s32 $0x800, s3  }
0x97: {  	[hbm4b:s1+s2] =	stream.linear.scatter [tilespmem:s17], [sflag:$0x4], $0x2000, $0x38;
	[tilespmem:$0x1E000] =	vst v63  }
0x98: {  	[smem:$0x7D1] =	sst s6;
	s3 =	sadd.s32 $0xC00, s3  }
0x99: {  	[hbm4b:s3+s2] =	stream.linear.scatter [tilespmem:s16], [sflag:$0x4], $0x2000, $0x38;
	[tilespmem:$0x1E000] =	vst v63  }
0x9a: {  	[smem:$0x7C9] =	sst s1  }
0x9b: {  	[hbm4b:s6+s2] =	stream.linear.scatter [tilespmem:s7], [sflag:$0x4], $0x2000, $0x38;
	[tilespmem:$0x1E000] =	vst v63  }
0x9c: {  	[smem:$0x7CC] =	sst s3;
	s3 =	sadd.s32 $0x400, s6  }
0x9d: {  	[hbm4b:s3+s2] =	stream.linear.scatter [tilespmem:s13], [sflag:$0x4], $0x2000, $0x38;
	[tilespmem:$0x1E000] =	vst v63  }
0x9e: {  	[smem:$0x7CE] =	sst s3;
	s3 =	sadd.s32 $0x800, s6  }
0x9f: {  	s6 =	sadd.s32 $0xC00, s6;
	[smem:$0x7D0] =	sst s3  }
0xa0: {  	[hbm4b:s3+s2] =	stream.linear.scatter [tilespmem:s12], [sflag:$0x4], $0x2000, $0x38;
	[tilespmem:$0x1E000] =	vst v63  }
0xa1: {  	[smem:$0x7D2] =	sst s6  }
0xa2: {  	[hbm4b:s6+s2] =	stream.linear.scatter [tilespmem:s28], [sflag:$0x4], $0x2000, $0x38;
	[tilespmem:$0x1E000] =	vst v63  }
0xa3: {  	_ =	swait.ge [sflag:s10], $0x8000  }
0xa4: {  	[sflag:s10] =	ssyncset.done $0x0  }
0xa5: {  	[sflag:s10] =	ssyncadd.s32 $0xFFFF8000  }
0xa6: {  	_ =	swait.ge [sflag:s10], $0x8000  }
0xa7: {  	[sflag:s10] =	ssyncset.done $0x0  }
0xa8: {  	[sflag:s10] =	ssyncadd.s32 $0xFFFF8000  }
0xa9: {  	_ =	swait.ge [sflag:s10], $0x8000  }
0xaa: {  	[sflag:s10] =	ssyncset.done $0x0  }
0xab: {  	[sflag:s10] =	ssyncadd.s32 $0xFFFF8000  }
0xac: {  	_ =	swait.ge [sflag:s10], $0x8000  }
0xad: {  	s1 =	simm.s32 $0xF000;
	[sflag:s10] =	ssyncset.done $0x0  }
0xae: {  	s3 =	simm.s32 $0x1;
	s6 =	rddreg [dreg:$0x6];
	[sflag:s10] =	ssyncadd.s32 $0xFFFF8000  }
0xaf: {  	[tilespmem:s1], [sflag:$0x2] =	stream.linear.gather [hbm4b:s6+s2], $0xF000, $0x38;
	[tilespmem:$0x1E000] =	vst v63  }
0xb0: {  	_ =	swait.ge [sflag:s3], $0xF000  }
0xb1: {  	[sflag:s3] =	ssyncset.done $0x0;
	s6 =	sld [smem:$0x7FA]  }
0xb2: {  	[sflag:s3] =	ssyncadd.s32 $0xFFFF1000;
	s3 =	sld [smem:$0x7D3];
	_ =	sdelay $0x2  }
0xb3: {  	[hbm4b:s6+s2] =	stream.linear.scatter [tilespmem:s3], [sflag:$0x3], $0x2000, $0x38;
	[tilespmem:$0x1E000] =	vst v63  }
0xb4: {  	s3 =	sadd.s32 $0x400, s6  }
0xb5: {  	[smem:$0x7D4] =	sst s3  }
0xb6: {  	[hbm4b:s3+s2] =	stream.linear.scatter [tilespmem:s22], [sflag:$0x3], $0x2000, $0x38;
	[tilespmem:$0x1E000] =	vst v63  }
0xb7: {  	s22 =	sadd.s32 $0x800, s6;
	s3 =	sadd.s32 $0xC00, s6;
	s6 =	sld [smem:$0x7D7]  }
0xb8: {  	[smem:$0x7D5] =	sst s22  }
0xb9: {  	[hbm4b:s22+s2] =	stream.linear.scatter [tilespmem:s9], [sflag:$0x3], $0x2000, $0x38;
	[tilespmem:$0x1E000] =	vst v63  }
0xba: {  	s22 =	sld [smem:$0x7D8]  }
0xbb: {  	[hbm4b:s3+s2] =	stream.linear.scatter [tilespmem:s6], [sflag:$0x3], $0x2000, $0x38;
	[tilespmem:$0x1E000] =	vst v63  }
0xbc: {  	s6 =	sld [smem:$0x7FB];
	_ =	sdelay $0x2  }
0xbd: {  	[hbm4b:s6+s2] =	stream.linear.scatter [tilespmem:s22], [sflag:$0x3], $0x2000, $0x38;
	[tilespmem:$0x1E000] =	vst v63  }
0xbe: {  	s22 =	sld [smem:$0x7DA];
	_ =	sdelay $0x1  }
0xbf: {  	[smem:$0x7D6] =	sst s3;
	s3 =	sadd.s32 $0x400, s6  }
0xc0: {  	[hbm4b:s3+s2] =	stream.linear.scatter [tilespmem:s22], [sflag:$0x3], $0x2000, $0x38;
	[tilespmem:$0x1E000] =	vst v63  }
0xc1: {  	s22 =	sld [smem:$0x7DC]  }
0xc2: {  	[smem:$0x7D9] =	sst s3;
	s3 =	sadd.s32 $0x800, s6  }
0xc3: {  	[smem:$0x7DB] =	sst s3  }
0xc4: {  	[hbm4b:s3+s2] =	stream.linear.scatter [tilespmem:s22], [sflag:$0x3], $0x2000, $0x38;
	[tilespmem:$0x1E000] =	vst v63  }
0xc5: {  	s3 =	sadd.s32 $0xC00, s6;
	s6 =	sld [smem:$0x7DE];
	_ =	sdelay $0x2  }
0xc6: {  	[hbm4b:s3+s2] =	stream.linear.scatter [tilespmem:s6], [sflag:$0x3], $0x2000, $0x38;
	[tilespmem:$0x1E000] =	vst v63  }
0xc7: {  	s6 =	sld [smem:$0x7FC];
	_ =	sdelay $0x1  }
0xc8: {  	s22 =	rddreg [dreg:$0x17]  }
0xc9: {  	[hbm4b:s6+s2] =	stream.linear.scatter [tilespmem:s22], [sflag:$0x3], $0x2000, $0x38;
	[tilespmem:$0x1E000] =	vst v63  }
0xca: {  	s22 =	sld [smem:$0x7E0];
	_ =	sdelay $0x1  }
0xcb: {  	[smem:$0x7DD] =	sst s3;
	s3 =	sadd.s32 $0x400, s6  }
0xcc: {  	[hbm4b:s3+s2] =	stream.linear.scatter [tilespmem:s22], [sflag:$0x3], $0x2000, $0x38;
	[tilespmem:$0x1E000] =	vst v63  }
0xcd: {  	s22 =	sld [smem:$0x7E2]  }
0xce: {  	[smem:$0x7DF] =	sst s3;
	s3 =	sadd.s32 $0x800, s6  }
0xcf: {  	[smem:$0x7E1] =	sst s3  }
0xd0: {  	[hbm4b:s3+s2] =	stream.linear.scatter [tilespmem:s22], [sflag:$0x3], $0x2000, $0x38;
	[tilespmem:$0x1E000] =	vst v63  }
0xd1: {  	s22 =	sadd.s32 $0xC00, s6;
	s6 =	rddreg [dreg:$0x15]  }
0xd2: {  	s3 =	rddreg [dreg:$0x16]  }
0xd3: {  	[hbm4b:s22+s2] =	stream.linear.scatter [tilespmem:s29], [sflag:$0x3], $0x2000, $0x38;
	[tilespmem:$0x1E000] =	vst v63  }
0xd4: {  	[smem:$0x7E3] =	sst s22  }
0xd5: {  	[hbm4b:s6+s2] =	stream.linear.scatter [tilespmem:s3], [sflag:$0x3], $0x2000, $0x38;
	[tilespmem:$0x1E000] =	vst v63  }
0xd6: {  	s22 =	sadd.s32 $0x400, s6;
	s29 =	rddreg [dreg:$0x12]  }
0xd7: {  	[hbm4b:s22+s2] =	stream.linear.scatter [tilespmem:s29], [sflag:$0x3], $0x2000, $0x38;
	[tilespmem:$0x1E000] =	vst v63  }
0xd8: {  	s29 =	sld [smem:$0x7E6]  }
0xd9: {  	[smem:$0x7E4] =	sst s22;
	s22 =	sadd.s32 $0x800, s6  }
0xda: {  	[smem:$0x7E5] =	sst s22  }
0xdb: {  	[hbm4b:s22+s2] =	stream.linear.scatter [tilespmem:s29], [sflag:$0x3], $0x2000, $0x38;
	[tilespmem:$0x1E000] =	vst v63  }
0xdc: {  	s22 =	sld [smem:$0x7F6]  }
0xdd: {  	s6 =	sadd.s32 $0xC00, s6  }
0xde: {  	[smem:$0x7E7] =	sst s6  }
0xdf: {  	[hbm4b:s6+s2] =	stream.linear.scatter [tilespmem:s22], [sflag:$0x3], $0x2000, $0x38;
	[tilespmem:$0x1E000] =	vst v63  }
0xe0: {  	_ =	swait.ge [sflag:s26], $0xF000  }
0xe1: {  	s29 =	rddreg [dreg:$0x7]  }
0xe2: {  	s1 =	rddreg [dreg:$0xb]  }
0xe3: {  	[smem:$0x7E8] =	sst s9  }
0xe4: {  	s9 =	rddreg [dreg:$0xe]  }
0xe5: {  	[sflag:s26] =	ssyncset.done $0x0;
	s3 =	rddreg [dreg:$0xd]  }
0xe6: {  	[sflag:s26] =	ssyncadd.s32 $0xFFFF1000;
	s22 =	sadd.s32 $0x400, s9;
	s26 =	rddreg [dreg:$0xc]  }
0xe7: {  	[hbm4b:s9+s2] =	stream.linear.scatter [tilespmem:s29], [sflag:$0x4], $0x2000, $0x38;
	[tilespmem:$0x1E000] =	vst v63  }
0xe8: {  	[smem:$0x7E9] =	sst s22;
	s29 =	sadd.s32 $0x800, s9  }
0xe9: {  	[hbm4b:s22+s2] =	stream.linear.scatter [tilespmem:s1], [sflag:$0x4], $0x2000, $0x38;
	[tilespmem:$0x1E000] =	vst v63  }
0xea: {  	[smem:$0x7EA] =	sst s29  }
0xeb: {  	[hbm4b:s29+s2] =	stream.linear.scatter [tilespmem:s26], [sflag:$0x4], $0x2000, $0x38;
	[tilespmem:$0x1E000] =	vst v63  }
0xec: {  	s22 =	sadd.s32 $0xC00, s9;
	s9 =	rddreg [dreg:$0x13]  }
0xed: {  	[hbm4b:s22+s2] =	stream.linear.scatter [tilespmem:s3], [sflag:$0x4], $0x2000, $0x38;
	[tilespmem:$0x1E000] =	vst v63  }
0xee: {  	s26 =	rddreg [dreg:$0x14]  }
0xef: {  	[hbm4b:s26+s2] =	stream.linear.scatter [tilespmem:s25], [sflag:$0x4], $0x2000, $0x38;
	[tilespmem:$0x1E000] =	vst v63  }
0xf0: {  	[smem:$0x7EB] =	sst s22;
	s29 =	sadd.s32 $0x400, s26  }
0xf1: {  	[hbm4b:s29+s2] =	stream.linear.scatter [tilespmem:s24], [sflag:$0x4], $0x2000, $0x38;
	[tilespmem:$0x1E000] =	vst v63  }
0xf2: {  	s6 =	sadd.s32 $0xC00, s26;
	[smem:$0x7EC] =	sst s29;
	s3 =	sadd.s32 $0x800, s26  }
0xf3: {  	[hbm4b:s3+s2] =	stream.linear.scatter [tilespmem:s21], [sflag:$0x4], $0x2000, $0x38;
	[tilespmem:$0x1E000] =	vst v63  }
0xf4: {  	[smem:$0x7EE] =	sst s6  }
0xf5: {  	[hbm4b:s6+s2] =	stream.linear.scatter [tilespmem:s20], [sflag:$0x4], $0x2000, $0x38;
	[tilespmem:$0x1E000] =	vst v63  }
0xf6: {  	[smem:$0x7ED] =	sst s3  }
0xf7: {  	[hbm4b:s9+s2] =	stream.linear.scatter [tilespmem:s31], [sflag:$0x4], $0x2000, $0x38;
	[tilespmem:$0x1E000] =	vst v63  }
0xf8: {  	s22 =	sadd.s32 $0xC00, s9;
	s24 =	rddreg [dreg:$0x11];
	s20 =	sadd.s32 $0x400, s9  }
0xf9: {  	[hbm4b:s20+s2] =	stream.linear.scatter [tilespmem:s18], [sflag:$0x4], $0x2000, $0x38;
	[tilespmem:$0x1E000] =	vst v63  }
0xfa: {  	[smem:$0x7F1] =	sst s22;
	s25 =	sadd.s32 $0x400, s24;
	s21 =	sadd.s32 $0x800, s9  }
0xfb: {  	[hbm4b:s21+s2] =	stream.linear.scatter [tilespmem:s17], [sflag:$0x4], $0x2000, $0x38;
	[tilespmem:$0x1E000] =	vst v63  }
0xfc: {  	s26 =	sadd.s32 $0x800, s24;
	[smem:$0x7F2] =	sst s25  }
0xfd: {  	[hbm4b:s22+s2] =	stream.linear.scatter [tilespmem:s16], [sflag:$0x4], $0x2000, $0x38;
	[tilespmem:$0x1E000] =	vst v63  }
0xfe: {  	s29 =	sadd.s32 $0xC00, s24;
	[smem:$0x7F3] =	sst s26  }
0xff: {  	[hbm4b:s24+s2] =	stream.linear.scatter [tilespmem:s7], [sflag:$0x4], $0x2000, $0x38;
	[tilespmem:$0x1E000] =	vst v63  }
0x100: {  	[smem:$0x7F4] =	sst s29  }
0x101: {  	[hbm4b:s25+s2] =	stream.linear.scatter [tilespmem:s13], [sflag:$0x4], $0x2000, $0x38;
	[tilespmem:$0x1E000] =	vst v63  }
0x102: {  	[smem:$0x7F0] =	sst s21  }
0x103: {  	[hbm4b:s26+s2] =	stream.linear.scatter [tilespmem:s12], [sflag:$0x4], $0x2000, $0x38;
	[tilespmem:$0x1E000] =	vst v63  }
0x104: {  	[smem:$0x7EF] =	sst s20  }
0x105: {  	[hbm4b:s29+s2] =	stream.linear.scatter [tilespmem:s28], [sflag:$0x4], $0x2000, $0x38;
	[tilespmem:$0x1E000] =	vst v63  }
0x106: {  	_ =	swait.ge [sflag:s30], $0x8000  }
0x107: {  	[sflag:s30] =	ssyncset.done $0x0  }
0x108: {  	[sflag:s30] =	ssyncadd.s32 $0xFFFF8000  }
0x109: {  	_ =	swait.ge [sflag:s30], $0x8000  }
0x10a: {  	[sflag:s30] =	ssyncset.done $0x0  }
0x10b: {  	[sflag:s30] =	ssyncadd.s32 $0xFFFF8000  }
0x10c: {  	_ =	swait.ge [sflag:s30], $0x8000  }
0x10d: {  	[sflag:s30] =	ssyncset.done $0x0  }
0x10e: {  	[sflag:s30] =	ssyncadd.s32 $0xFFFF8000  }
0x10f: {  	_ =	swait.ge [sflag:s30], $0x8000  }
0x110: {  	[sflag:s30] =	ssyncset.done $0x0  }
0x111: {  	[sflag:s30] =	ssyncadd.s32 $0xFFFF8000  }
0x112: {  	_ =	swait.ge [sflag:s10], $0x8000  }
0x113: {  	[sflag:s10] =	ssyncset.done $0x0  }
0x114: {  	[sflag:s10] =	ssyncadd.s32 $0xFFFF8000  }
0x115: {  	_ =	swait.ge [sflag:s10], $0x8000  }
0x116: {  	[sflag:s10] =	ssyncset.done $0x0  }
0x117: {  	[sflag:s10] =	ssyncadd.s32 $0xFFFF8000  }
0x118: {  	_ =	swait.ge [sflag:s10], $0x8000  }
0x119: {  	s31 =	sld [smem:$0x7F5];
	_ =	sdelay $0x2  }
0x11a: {  	p1 =	sne.s32 s31, $0x1  }
.Ltmp1:
0x11b: {  	_ = 	snop;
	(pc) =	sbr.rel @!p1 .LBB2_6-.Ltmp1, $4  }
0x11c: {  	[sflag:s10] =	ssyncset.done $0x0  }
0x11d: {  	[sflag:s10] =	ssyncadd.s32 $0xFFFF8000  }
0x11e: {  	_ =	swait.ge [sflag:s10], $0x8000  }
0x11f: {  	p0 =	por $0x1, $0x1;
	s6 =	sadd.s32 $0xFFFFFFFF, s31;
	[sflag:s10] =	ssyncset.done $0x0  }
0x120: {  	s28 =	simm.s32 $0x1  }
.LBB2_3:
0x121: {  	s1 =	sld [smem:$0x7CF];
	_ =	sdelay $0x1  }
0x122: {  	[sflag:s10] =	ssyncadd.s32 $0xFFFF8000  }
0x123: {  	[tilespmem:s2], [sflag:$0x1] =	stream.linear.gather [hbm4b:s1+s2], $0xF000, $0x38;
	[tilespmem:$0x1E000] =	vst v63  }
0x124: {  	s7 =	rddreg [dreg:$0x3];
	s31 =	simm.s32 $0xF000  }
0x125: {  	[tilespmem:s31], [sflag:$0x2] =	stream.linear.gather [hbm4b:s7+s2], $0xF000, $0x38;
	[tilespmem:$0x1E000] =	vst v63  }
0x126: {  	_ =	swait.ge [sflag:s28], $0xF000  }
0x127: {  	s3 =	sld [smem:$0x7B9]  }
0x128: {  	s7 =	sld [smem:$0x7B2]  }
0x129: {  	s9 =	sld [smem:$0x7B3]  }
0x12a: {  	s12 =	sld [smem:$0x7B4]  }
0x12b: {  	s13 =	sld [smem:$0x7CD]  }
0x12c: {  	[sflag:s28] =	ssyncset.done $0x0;
	s16 =	sld [smem:$0x7B5]  }
0x12d: {  	s17 =	sld [smem:$0x7B6];
	[sflag:s28] =	ssyncadd.s32 $0xFFFF1000  }
0x12e: {  	[hbm4b:s3+s2] =	stream.linear.scatter [tilespmem:s11], [sflag:$0x3], $0x2000, $0x38;
	[tilespmem:$0x1E000] =	vst v63  }
0x12f: {  	s3 =	sld [smem:$0x7FD]  }
0x130: {  	s18 =	sld [smem:$0x7B7]  }
0x131: {  	s29 =	smov.u32 s11;
	s11 =	sld [smem:$0x7E8]  }
0x132: {  	[hbm4b:s7+s2] =	stream.linear.scatter [tilespmem:s3], [sflag:$0x3], $0x2000, $0x38;
	[tilespmem:$0x1E000] =	vst v63  }
0x133: {  	s20 =	sld [smem:$0x7BD]  }
0x134: {  	[hbm4b:s9+s2] =	stream.linear.scatter [tilespmem:s11], [sflag:$0x3], $0x2000, $0x38;
	[tilespmem:$0x1E000] =	vst v63  }
0x135: {  	s21 =	sld [smem:$0x7B8];
	s3 =	smov.u32 s0  }
0x136: {  	[hbm4b:s12+s2] =	stream.linear.scatter [tilespmem:s3], [sflag:$0x3], $0x2000, $0x38;
	[tilespmem:$0x1E000] =	vst v63  }
0x137: {  	s24 =	sld [smem:$0x7BA]  }
0x138: {  	[hbm4b:s13+s2] =	stream.linear.scatter [tilespmem:s23], [sflag:$0x3], $0x2000, $0x38;
	[tilespmem:$0x1E000] =	vst v63  }
0x139: {  	s25 =	rddreg [dreg:$0x10]  }
0x13a: {  	[hbm4b:s16+s2] =	stream.linear.scatter [tilespmem:s14], [sflag:$0x3], $0x2000, $0x38;
	[tilespmem:$0x1E000] =	vst v63  }
0x13b: {  	s26 =	sld [smem:$0x7BB]  }
0x13c: {  	[hbm4b:s17+s2] =	stream.linear.scatter [tilespmem:s15], [sflag:$0x3], $0x2000, $0x38;
	[tilespmem:$0x1E000] =	vst v63  }
0x13d: {  	s9 =	sld [smem:$0x7CB]  }
0x13e: {  	[hbm4b:s18+s2] =	stream.linear.scatter [tilespmem:s4], [sflag:$0x3], $0x2000, $0x38;
	[tilespmem:$0x1E000] =	vst v63  }
0x13f: {  	s31 =	smov.u32 s14;
	s14 =	rddreg [dreg:$0x17]  }
0x140: {  	[hbm4b:s20+s2] =	stream.linear.scatter [tilespmem:s14], [sflag:$0x3], $0x2000, $0x38;
	[tilespmem:$0x1E000] =	vst v63  }
0x141: {  	s11 =	rddreg [dreg:$0x12]  }
0x142: {  	[hbm4b:s21+s2] =	stream.linear.scatter [tilespmem:s19], [sflag:$0x3], $0x2000, $0x38;
	[tilespmem:$0x1E000] =	vst v63  }
0x143: {  	s12 =	sld [smem:$0x7BC]  }
0x144: {  	[hbm4b:s24+s2] =	stream.linear.scatter [tilespmem:s5], [sflag:$0x3], $0x2000, $0x38;
	[tilespmem:$0x1E000] =	vst v63  }
0x145: {  	s13 =	sld [smem:$0x7BE]  }
0x146: {  	[hbm4b:s26+s2] =	stream.linear.scatter [tilespmem:s25], [sflag:$0x3], $0x2000, $0x38;
	[tilespmem:$0x1E000] =	vst v63  }
0x147: {  	s0 =	smov.u32 s15;
	s15 =	rddreg [dreg:$0x16]  }
0x148: {  	[hbm4b:s9+s2] =	stream.linear.scatter [tilespmem:s15], [sflag:$0x3], $0x2000, $0x38;
	[tilespmem:$0x1E000] =	vst v63  }
0x149: {  	s16 =	sld [smem:$0x7BF]  }
0x14a: {  	[hbm4b:s12+s2] =	stream.linear.scatter [tilespmem:s11], [sflag:$0x3], $0x2000, $0x38;
	[tilespmem:$0x1E000] =	vst v63  }
0x14b: {  	s22 =	smov.u32 s19;
	s19 =	sld [smem:$0x7F6]  }
0x14c: {  	[hbm4b:s13+s2] =	stream.linear.scatter [tilespmem:s8], [sflag:$0x3], $0x2000, $0x38;
	[tilespmem:$0x1E000] =	vst v63  }
0x14d: {  	_ = 	snop  }
0x14e: {  	[hbm4b:s16+s2] =	stream.linear.scatter [tilespmem:s19], [sflag:$0x3], $0x2000, $0x38;
	[tilespmem:$0x1E000] =	vst v63  }
0x14f: {  	_ =	swait.ge [sflag:s30], $0x8000  }
0x150: {  	[sflag:s30] =	ssyncset.done $0x0  }
0x151: {  	[sflag:s30] =	ssyncadd.s32 $0xFFFF8000  }
0x152: {  	_ =	swait.ge [sflag:s30], $0x8000  }
0x153: {  	[sflag:s30] =	ssyncset.done $0x0  }
0x154: {  	[sflag:s30] =	ssyncadd.s32 $0xFFFF8000  }
0x155: {  	_ =	swait.ge [sflag:s30], $0x8000  }
0x156: {  	[sflag:s30] =	ssyncset.done $0x0  }
0x157: {  	[sflag:s30] =	ssyncadd.s32 $0xFFFF8000  }
0x158: {  	_ =	swait.ge [sflag:s30], $0x8000  }
0x159: {  	[sflag:s30] =	ssyncset.done $0x0  }
0x15a: {  	s11 =	simm.s32 $0x2;
	s17 =	rddreg [dreg:$0x4];
	[sflag:s30] =	ssyncadd.s32 $0xFFFF8000  }
0x15b: {  	[tilespmem:s2], [sflag:$0x1] =	stream.linear.gather [hbm4b:s17+s2], $0xF000, $0x38;
	[tilespmem:$0x1E000] =	vst v63  }
0x15c: {  	_ =	swait.ge [sflag:s11], $0xF000  }
0x15d: {  	s18 =	rddreg [dreg:$0x5]  }
0x15e: {  	s9 =	rddreg [dreg:$0x8]  }
0x15f: {  	s20 =	sld [smem:$0x7C4]  }
0x160: {  	s21 =	rddreg [dreg:$0x9]  }
0x161: {  	s24 =	sld [smem:$0x7C0]  }
0x162: {  	s25 =	rddreg [dreg:$0xa]  }
0x163: {  	s26 =	sld [smem:$0x7C1]  }
0x164: {  	s7 =	sld [smem:$0x7C2]  }
0x165: {  	s13 =	rddreg [dreg:$0x19]  }
0x166: {  	s12 =	sld [smem:$0x7C6]  }
0x167: {  	s1 =	sld [smem:$0x7F7]  }
0x168: {  	[sflag:s11] =	ssyncset.done $0x0;
	s16 =	sld [smem:$0x7C3]  }
0x169: {  	s17 =	sld [smem:$0x7C5];
	[sflag:s11] =	ssyncadd.s32 $0xFFFF1000  }
0x16a: {  	[hbm4b:s20+s2] =	stream.linear.scatter [tilespmem:s18], [sflag:$0x4], $0x2000, $0x38;
	[tilespmem:$0x1E000] =	vst v63  }
0x16b: {  	s18 =	sld [smem:$0x7C7]  }
0x16c: {  	s20 =	sld [smem:$0x7CA]  }
0x16d: {  	[hbm4b:s24+s2] =	stream.linear.scatter [tilespmem:s9], [sflag:$0x4], $0x2000, $0x38;
	[tilespmem:$0x1E000] =	vst v63  }
0x16e: {  	s24 =	rddreg [dreg:$0x1f]  }
0x16f: {  	s9 =	sld [smem:$0x7C9]  }
0x170: {  	[hbm4b:s26+s2] =	stream.linear.scatter [tilespmem:s21], [sflag:$0x4], $0x2000, $0x38;
	[tilespmem:$0x1E000] =	vst v63  }
0x171: {  	s26 =	sld [smem:$0x7F8]  }
0x172: {  	s21 =	sld [smem:$0x7C8]  }
0x173: {  	[hbm4b:s7+s2] =	stream.linear.scatter [tilespmem:s25], [sflag:$0x4], $0x2000, $0x38;
	[tilespmem:$0x1E000] =	vst v63  }
0x174: {  	s25 =	sld [smem:$0x7F9]  }
0x175: {  	[hbm4b:s12+s2] =	stream.linear.scatter [tilespmem:s13], [sflag:$0x4], $0x2000, $0x38;
	[tilespmem:$0x1E000] =	vst v63  }
0x176: {  	s12 =	rddreg [dreg:$0x18]  }
0x177: {  	[hbm4b:s16+s2] =	stream.linear.scatter [tilespmem:s1], [sflag:$0x4], $0x2000, $0x38;
	[tilespmem:$0x1E000] =	vst v63  }
0x178: {  	s16 =	sld [smem:$0x7CC]  }
0x179: {  	[hbm4b:s17+s2] =	stream.linear.scatter [tilespmem:s26], [sflag:$0x4], $0x2000, $0x38;
	[tilespmem:$0x1E000] =	vst v63  }
0x17a: {  	s17 =	rddreg [dreg:$0xf]  }
0x17b: {  	[hbm4b:s18+s2] =	stream.linear.scatter [tilespmem:s25], [sflag:$0x4], $0x2000, $0x38;
	[tilespmem:$0x1E000] =	vst v63  }
0x17c: {  	s18 =	sld [smem:$0x7D1]  }
0x17d: {  	[hbm4b:s20+s2] =	stream.linear.scatter [tilespmem:s12], [sflag:$0x4], $0x2000, $0x38;
	[tilespmem:$0x1E000] =	vst v63  }
0x17e: {  	s20 =	rddreg [dreg:$0x1d]  }
0x17f: {  	[hbm4b:s21+s2] =	stream.linear.scatter [tilespmem:s24], [sflag:$0x4], $0x2000, $0x38;
	[tilespmem:$0x1E000] =	vst v63  }
0x180: {  	s21 =	rddreg [dreg:$0x1e]  }
0x181: {  	[hbm4b:s9+s2] =	stream.linear.scatter [tilespmem:s21], [sflag:$0x4], $0x2000, $0x38;
	[tilespmem:$0x1E000] =	vst v63  }
0x182: {  	s9 =	sld [smem:$0x7CE]  }
0x183: {  	[hbm4b:s16+s2] =	stream.linear.scatter [tilespmem:s20], [sflag:$0x4], $0x2000, $0x38;
	[tilespmem:$0x1E000] =	vst v63  }
0x184: {  	s16 =	sld [smem:$0x7D0]  }
0x185: {  	[hbm4b:s18+s2] =	stream.linear.scatter [tilespmem:s17], [sflag:$0x4], $0x2000, $0x38;
	[tilespmem:$0x1E000] =	vst v63  }
0x186: {  	s18 =	rddreg [dreg:$0x1c]  }
0x187: {  	s17 =	rddreg [dreg:$0x1b]  }
0x188: {  	[hbm4b:s9+s2] =	stream.linear.scatter [tilespmem:s18], [sflag:$0x4], $0x2000, $0x38;
	[tilespmem:$0x1E000] =	vst v63  }
0x189: {  	s9 =	sld [smem:$0x7D2]  }
0x18a: {  	[hbm4b:s16+s2] =	stream.linear.scatter [tilespmem:s17], [sflag:$0x4], $0x2000, $0x38;
	[tilespmem:$0x1E000] =	vst v63  }
0x18b: {  	s16 =	rddreg [dreg:$0x1a]  }
0x18c: {  	[hbm4b:s9+s2] =	stream.linear.scatter [tilespmem:s16], [sflag:$0x4], $0x2000, $0x38;
	[tilespmem:$0x1E000] =	vst v63  }
0x18d: {  	_ =	swait.ge [sflag:s10], $0x8000  }
0x18e: {  	[sflag:s10] =	ssyncset.done $0x0  }
0x18f: {  	[sflag:s10] =	ssyncadd.s32 $0xFFFF8000  }
0x190: {  	_ =	swait.ge [sflag:s10], $0x8000  }
0x191: {  	[sflag:s10] =	ssyncset.done $0x0  }
0x192: {  	[sflag:s10] =	ssyncadd.s32 $0xFFFF8000  }
0x193: {  	_ =	swait.ge [sflag:s10], $0x8000  }
0x194: {  	[sflag:s10] =	ssyncset.done $0x0  }
0x195: {  	[sflag:s10] =	ssyncadd.s32 $0xFFFF8000  }
0x196: {  	_ =	swait.ge [sflag:s10], $0x8000  }
0x197: {  	[sflag:s10] =	ssyncset.done $0x0  }
0x198: {  	s9 =	rddreg [dreg:$0x6];
	[sflag:s10] =	ssyncadd.s32 $0xFFFF8000;
	s10 =	simm.s32 $0xF000  }
0x199: {  	[tilespmem:s10], [sflag:$0x2] =	stream.linear.gather [hbm4b:s9+s2], $0xF000, $0x38;
	[tilespmem:$0x1E000] =	vst v63  }
0x19a: {  	_ =	swait.ge [sflag:s28], $0xF000  }
0x19b: {  	s10 =	sld [smem:$0x7FA]  }
0x19c: {  	[sflag:s28] =	ssyncset.done $0x0  }
0x19d: {  	s9 =	sld [smem:$0x7D4];
	[sflag:s28] =	ssyncadd.s32 $0xFFFF1000  }
0x19e: {  	[hbm4b:s10+s2] =	stream.linear.scatter [tilespmem:s29], [sflag:$0x3], $0x2000, $0x38;
	[tilespmem:$0x1E000] =	vst v63  }
0x19f: {  	s10 =	sld [smem:$0x7FD];
	_ =	sdelay $0x2  }
0x1a0: {  	[hbm4b:s9+s2] =	stream.linear.scatter [tilespmem:s10], [sflag:$0x3], $0x2000, $0x38;
	[tilespmem:$0x1E000] =	vst v63  }
0x1a1: {  	s9 =	sld [smem:$0x7D5]  }
0x1a2: {  	s10 =	sld [smem:$0x7E8];
	_ =	sdelay $0x2  }
0x1a3: {  	[hbm4b:s9+s2] =	stream.linear.scatter [tilespmem:s10], [sflag:$0x3], $0x2000, $0x38;
	[tilespmem:$0x1E000] =	vst v63  }
0x1a4: {  	s9 =	sld [smem:$0x7D6];
	_ =	sdelay $0x1  }
0x1a5: {  	s10 =	sld [smem:$0x7FB]  }
0x1a6: {  	[hbm4b:s9+s2] =	stream.linear.scatter [tilespmem:s3], [sflag:$0x3], $0x2000, $0x38;
	[tilespmem:$0x1E000] =	vst v63  }
0x1a7: {  	s9 =	sld [smem:$0x7D9]  }
0x1a8: {  	[hbm4b:s10+s2] =	stream.linear.scatter [tilespmem:s23], [sflag:$0x3], $0x2000, $0x38;
	[tilespmem:$0x1E000] =	vst v63  }
0x1a9: {  	s10 =	sld [smem:$0x7DB]  }
0x1aa: {  	[hbm4b:s9+s2] =	stream.linear.scatter [tilespmem:s31], [sflag:$0x3], $0x2000, $0x38;
	[tilespmem:$0x1E000] =	vst v63  }
0x1ab: {  	s9 =	sld [smem:$0x7DD]  }
0x1ac: {  	[hbm4b:s10+s2] =	stream.linear.scatter [tilespmem:s0], [sflag:$0x3], $0x2000, $0x38;
	[tilespmem:$0x1E000] =	vst v63  }
0x1ad: {  	s10 =	sld [smem:$0x7FC]  }
0x1ae: {  	[hbm4b:s9+s2] =	stream.linear.scatter [tilespmem:s4], [sflag:$0x3], $0x2000, $0x38;
	[tilespmem:$0x1E000] =	vst v63  }
0x1af: {  	_ = 	snop  }
0x1b0: {  	[hbm4b:s10+s2] =	stream.linear.scatter [tilespmem:s14], [sflag:$0x3], $0x2000, $0x38;
	[tilespmem:$0x1E000] =	vst v63  }
0x1b1: {  	s14 =	sld [smem:$0x7DF];
	_ =	sdelay $0x1  }
0x1b2: {  	s9 =	sld [smem:$0x7E1]  }
0x1b3: {  	[hbm4b:s14+s2] =	stream.linear.scatter [tilespmem:s22], [sflag:$0x3], $0x2000, $0x38;
	[tilespmem:$0x1E000] =	vst v63  }
0x1b4: {  	s10 =	sld [smem:$0x7E3]  }
0x1b5: {  	[hbm4b:s9+s2] =	stream.linear.scatter [tilespmem:s5], [sflag:$0x3], $0x2000, $0x38;
	[tilespmem:$0x1E000] =	vst v63  }
0x1b6: {  	s14 =	rddreg [dreg:$0x10]  }
0x1b7: {  	[hbm4b:s10+s2] =	stream.linear.scatter [tilespmem:s14], [sflag:$0x3], $0x2000, $0x38;
	[tilespmem:$0x1E000] =	vst v63  }
0x1b8: {  	s10 =	rddreg [dreg:$0x15]  }
0x1b9: {  	s14 =	sld [smem:$0x7E4]  }
0x1ba: {  	[hbm4b:s10+s2] =	stream.linear.scatter [tilespmem:s15], [sflag:$0x3], $0x2000, $0x38;
	[tilespmem:$0x1E000] =	vst v63  }
0x1bb: {  	s15 =	rddreg [dreg:$0x12]  }
0x1bc: {  	s10 =	sld [smem:$0x7E5]  }
0x1bd: {  	[hbm4b:s14+s2] =	stream.linear.scatter [tilespmem:s15], [sflag:$0x3], $0x2000, $0x38;
	[tilespmem:$0x1E000] =	vst v63  }
0x1be: {  	s14 =	sld [smem:$0x7E7]  }
0x1bf: {  	[hbm4b:s10+s2] =	stream.linear.scatter [tilespmem:s8], [sflag:$0x3], $0x2000, $0x38;
	[tilespmem:$0x1E000] =	vst v63  }
0x1c0: {  	_ = 	snop  }
0x1c1: {  	[hbm4b:s14+s2] =	stream.linear.scatter [tilespmem:s19], [sflag:$0x3], $0x2000, $0x38;
	[tilespmem:$0x1E000] =	vst v63  }
0x1c2: {  	_ =	swait.ge [sflag:s11], $0xF000  }
0x1c3: {  	s15 =	rddreg [dreg:$0x7]  }
0x1c4: {  	s19 =	smov.u32 s22;
	[sflag:s11] =	ssyncset.done $0x0;
	s22 =	rddreg [dreg:$0xe]  }
0x1c5: {  	s14 =	smov.u32 s31;
	s31 =	sld [smem:$0x7E9];
	[sflag:s11] =	ssyncadd.s32 $0xFFFF1000  }
0x1c6: {  	[hbm4b:s22+s2] =	stream.linear.scatter [tilespmem:s15], [sflag:$0x4], $0x2000, $0x38;
	[tilespmem:$0x1E000] =	vst v63  }
0x1c7: {  	s9 =	rddreg [dreg:$0xb]  }
0x1c8: {  	[hbm4b:s31+s2] =	stream.linear.scatter [tilespmem:s9], [sflag:$0x4], $0x2000, $0x38;
	[tilespmem:$0x1E000] =	vst v63  }
0x1c9: {  	s31 =	sld [smem:$0x7EA];
	_ =	sdelay $0x1  }
0x1ca: {  	s7 =	rddreg [dreg:$0xc]  }
0x1cb: {  	[hbm4b:s31+s2] =	stream.linear.scatter [tilespmem:s7], [sflag:$0x4], $0x2000, $0x38;
	[tilespmem:$0x1E000] =	vst v63  }
0x1cc: {  	s31 =	sld [smem:$0x7EB]  }
0x1cd: {  	s15 =	smov.u32 s0;
	s0 =	smov.u32 s3;
	s3 =	rddreg [dreg:$0x14]  }
0x1ce: {  	s9 =	rddreg [dreg:$0xd]  }
0x1cf: {  	[hbm4b:s31+s2] =	stream.linear.scatter [tilespmem:s9], [sflag:$0x4], $0x2000, $0x38;
	[tilespmem:$0x1E000] =	vst v63  }
0x1d0: {  	s31 =	sld [smem:$0x7EC]  }
0x1d1: {  	[hbm4b:s3+s2] =	stream.linear.scatter [tilespmem:s13], [sflag:$0x4], $0x2000, $0x38;
	[tilespmem:$0x1E000] =	vst v63  }
0x1d2: {  	s9 =	sld [smem:$0x7ED]  }
0x1d3: {  	[hbm4b:s31+s2] =	stream.linear.scatter [tilespmem:s1], [sflag:$0x4], $0x2000, $0x38;
	[tilespmem:$0x1E000] =	vst v63  }
0x1d4: {  	s13 =	sld [smem:$0x7EE]  }
0x1d5: {  	[hbm4b:s9+s2] =	stream.linear.scatter [tilespmem:s26], [sflag:$0x4], $0x2000, $0x38;
	[tilespmem:$0x1E000] =	vst v63  }
0x1d6: {  	_ = 	snop  }
0x1d7: {  	[hbm4b:s13+s2] =	stream.linear.scatter [tilespmem:s25], [sflag:$0x4], $0x2000, $0x38;
	[tilespmem:$0x1E000] =	vst v63  }
0x1d8: {  	s22 =	rddreg [dreg:$0x13]  }
0x1d9: {  	[hbm4b:s22+s2] =	stream.linear.scatter [tilespmem:s12], [sflag:$0x4], $0x2000, $0x38;
	[tilespmem:$0x1E000] =	vst v63  }
0x1da: {  	s22 =	sld [smem:$0x7EF];
	_ =	sdelay $0x2  }
0x1db: {  	[hbm4b:s22+s2] =	stream.linear.scatter [tilespmem:s24], [sflag:$0x4], $0x2000, $0x38;
	[tilespmem:$0x1E000] =	vst v63  }
0x1dc: {  	s24 =	sld [smem:$0x7F0]  }
0x1dd: {  	s11 =	smov.u32 s29;
	s29 =	rddreg [dreg:$0x11]  }
0x1de: {  	s25 =	sld [smem:$0x7F1]  }
0x1df: {  	[hbm4b:s24+s2] =	stream.linear.scatter [tilespmem:s21], [sflag:$0x4], $0x2000, $0x38;
	[tilespmem:$0x1E000] =	vst v63  }
0x1e0: {  	s7 =	rddreg [dreg:$0xf]  }
0x1e1: {  	[hbm4b:s25+s2] =	stream.linear.scatter [tilespmem:s20], [sflag:$0x4], $0x2000, $0x38;
	[tilespmem:$0x1E000] =	vst v63  }
0x1e2: {  	s26 =	sld [smem:$0x7F2]  }
0x1e3: {  	[hbm4b:s29+s2] =	stream.linear.scatter [tilespmem:s7], [sflag:$0x4], $0x2000, $0x38;
	[tilespmem:$0x1E000] =	vst v63  }
0x1e4: {  	s29 =	sld [smem:$0x7F3]  }
0x1e5: {  	[hbm4b:s26+s2] =	stream.linear.scatter [tilespmem:s18], [sflag:$0x4], $0x2000, $0x38;
	[tilespmem:$0x1E000] =	vst v63  }
0x1e6: {  	s31 =	sld [smem:$0x7F4]  }
0x1e7: {  	[hbm4b:s29+s2] =	stream.linear.scatter [tilespmem:s17], [sflag:$0x4], $0x2000, $0x38;
	[tilespmem:$0x1E000] =	vst v63  }
0x1e8: {  	_ = 	snop  }
0x1e9: {  	[hbm4b:s31+s2] =	stream.linear.scatter [tilespmem:s16], [sflag:$0x4], $0x2000, $0x38;
	[tilespmem:$0x1E000] =	vst v63  }
0x1ea: {  	_ =	swait.ge [sflag:s30], $0x8000  }
0x1eb: {  	[sflag:s30] =	ssyncset.done $0x0  }
0x1ec: {  	[sflag:s30] =	ssyncadd.s32 $0xFFFF8000  }
0x1ed: {  	_ =	swait.ge [sflag:s30], $0x8000  }
0x1ee: {  	[sflag:s30] =	ssyncset.done $0x0  }
0x1ef: {  	[sflag:s30] =	ssyncadd.s32 $0xFFFF8000  }
0x1f0: {  	_ =	swait.ge [sflag:s30], $0x8000  }
0x1f1: {  	[sflag:s30] =	ssyncset.done $0x0  }
0x1f2: {  	[sflag:s30] =	ssyncadd.s32 $0xFFFF8000  }
0x1f3: {  	_ =	swait.ge [sflag:s30], $0x8000  }
0x1f4: {  	[sflag:s30] =	ssyncset.done $0x0  }
0x1f5: {  	s10 =	simm.s32 $0x4;
	[sflag:s30] =	ssyncadd.s32 $0xFFFF8000  }
0x1f6: {  	_ =	swait.ge [sflag:s10], $0x8000  }
0x1f7: {  	[sflag:s10] =	ssyncset.done $0x0  }
0x1f8: {  	[sflag:s10] =	ssyncadd.s32 $0xFFFF8000  }
0x1f9: {  	_ =	swait.ge [sflag:s10], $0x8000  }
0x1fa: {  	[sflag:s10] =	ssyncset.done $0x0  }
0x1fb: {  	p1 =	sne.s32 s6, $0x1;
	[sflag:s10] =	ssyncadd.s32 $0xFFFF8000  }
.Ltmp2:
0x1fc: {  	_ =	swait.ge [sflag:s10], $0x8000;
	(pc) =	sbr.rel @p1 .LBB2_3-.Ltmp2, $4  }
0x1fd: {  	[sflag:s10] =	ssyncset.done $0x0  }
0x1fe: {  	[sflag:s10] =	ssyncadd.s32 $0xFFFF8000  }
0x1ff: {  	_ =	swait.ge [sflag:s10], $0x8000  }
0x200: {  	s6 =	sadd.s32 $0xFFFFFFFF, s6;
	[sflag:s10] =	ssyncset.done $0x0  }
0x201: {  	s9 =	sld [smem:$0x7E8]  }
0x202: {  	s22 =	sld [smem:$0x7FD]  }
0x203: {  	s17 =	sld [smem:$0x7D1]  }
0x204: {  	s18 =	sld [smem:$0x7CA]  }
0x205: {  	s12 =	sld [smem:$0x7CF]  }
0x206: {  	s20 =	sld [smem:$0x7C6]  }
0x207: {  	s21 =	sld [smem:$0x7C4]  }
0x208: {  	s16 =	sld [smem:$0x7CB]  }
0x209: {  	s25 =	sld [smem:$0x7BD]  }
0x20a: {  	s13 =	sld [smem:$0x7CD]  }
0x20b: {  	s3 =	simm.s32 $0x1;
	s1 =	simm.s32 $0xF000;
	s24 =	sld [smem:$0x7B9]  }
.LBB2_5:
0x20c: {  	[sflag:s10] =	ssyncadd.s32 @p0 $0xFFFF8000  }
0x20d: {  	[tilespmem:s2], [sflag:$0x1] =	stream.linear.gather [hbm4b:s12+s2], $0xF000, $0x38;
	[tilespmem:$0x1E000] =	vst v63  }
0x20e: {  	s6 =	rddreg [dreg:$0x3]  }
0x20f: {  	[tilespmem:s1], [sflag:$0x2] =	stream.linear.gather [hbm4b:s6+s2], $0xF000, $0x38;
	[tilespmem:$0x1E000] =	vst v63  }
0x210: {  	_ =	swait.ge [sflag:s3], $0xF000  }
0x211: {  	[sflag:s3] =	ssyncset.done $0x0  }
0x212: {  	[sflag:s3] =	ssyncadd.s32 $0xFFFF1000  }
0x213: {  	[hbm4b:s24+s2] =	stream.linear.scatter [tilespmem:s11], [sflag:$0x3], $0x2000, $0x38;
	[tilespmem:$0x1E000] =	vst v63  }
0x214: {  	s28 =	sadd.s32 $0x400, s24  }
0x215: {  	[hbm4b:s28+s2] =	stream.linear.scatter [tilespmem:s22], [sflag:$0x3], $0x2000, $0x38;
	[tilespmem:$0x1E000] =	vst v63  }
0x216: {  	s29 =	sadd.s32 $0x800, s24  }
0x217: {  	[hbm4b:s29+s2] =	stream.linear.scatter [tilespmem:s9], [sflag:$0x3], $0x2000, $0x38;
	[tilespmem:$0x1E000] =	vst v63  }
0x218: {  	s31 =	sadd.s32 $0xC00, s24  }
0x219: {  	[hbm4b:s31+s2] =	stream.linear.scatter [tilespmem:s0], [sflag:$0x3], $0x2000, $0x38;
	[tilespmem:$0x1E000] =	vst v63  }
0x21a: {  	_ = 	snop  }
0x21b: {  	[hbm4b:s13+s2] =	stream.linear.scatter [tilespmem:s23], [sflag:$0x3], $0x2000, $0x38;
	[tilespmem:$0x1E000] =	vst v63  }
0x21c: {  	s1 =	sadd.s32 $0x400, s13  }
0x21d: {  	[hbm4b:s1+s2] =	stream.linear.scatter [tilespmem:s14], [sflag:$0x3], $0x2000, $0x38;
	[tilespmem:$0x1E000] =	vst v63  }
0x21e: {  	s3 =	sadd.s32 $0x800, s13  }
0x21f: {  	[hbm4b:s3+s2] =	stream.linear.scatter [tilespmem:s15], [sflag:$0x3], $0x2000, $0x38;
	[tilespmem:$0x1E000] =	vst v63  }
0x220: {  	s13 =	sadd.s32 $0xC00, s13  }
0x221: {  	[hbm4b:s13+s2] =	stream.linear.scatter [tilespmem:s4], [sflag:$0x3], $0x2000, $0x38;
	[tilespmem:$0x1E000] =	vst v63  }
0x222: {  	s1 =	smov.u32 s4;
	s4 =	rddreg [dreg:$0x17]  }
0x223: {  	[hbm4b:s25+s2] =	stream.linear.scatter [tilespmem:s4], [sflag:$0x3], $0x2000, $0x38;
	[tilespmem:$0x1E000] =	vst v63  }
0x224: {  	s22 =	sadd.s32 $0x400, s25  }
0x225: {  	[hbm4b:s22+s2] =	stream.linear.scatter [tilespmem:s19], [sflag:$0x3], $0x2000, $0x38;
	[tilespmem:$0x1E000] =	vst v63  }
0x226: {  	s24 =	sadd.s32 $0x800, s25  }
0x227: {  	[hbm4b:s24+s2] =	stream.linear.scatter [tilespmem:s5], [sflag:$0x3], $0x2000, $0x38;
	[tilespmem:$0x1E000] =	vst v63  }
0x228: {  	s29 =	rddreg [dreg:$0x10];
	s25 =	sadd.s32 $0xC00, s25  }
0x229: {  	[hbm4b:s25+s2] =	stream.linear.scatter [tilespmem:s29], [sflag:$0x3], $0x2000, $0x38;
	[tilespmem:$0x1E000] =	vst v63  }
0x22a: {  	s12 =	smov.u32 s11;
	s26 =	rddreg [dreg:$0x16]  }
0x22b: {  	[hbm4b:s16+s2] =	stream.linear.scatter [tilespmem:s26], [sflag:$0x3], $0x2000, $0x38;
	[tilespmem:$0x1E000] =	vst v63  }
0x22c: {  	s11 =	smov.u32 s0;
	s31 =	sadd.s32 $0x400, s16;
	s22 =	rddreg [dreg:$0x12]  }
0x22d: {  	[hbm4b:s31+s2] =	stream.linear.scatter [tilespmem:s22], [sflag:$0x3], $0x2000, $0x38;
	[tilespmem:$0x1E000] =	vst v63  }
0x22e: {  	s0 =	sadd.s32 $0x800, s16;
	s3 =	sadd.s32 $0xC00, s16;
	s16 =	sld [smem:$0x7F6]  }
0x22f: {  	[hbm4b:s0+s2] =	stream.linear.scatter [tilespmem:s8], [sflag:$0x3], $0x2000, $0x38;
	[tilespmem:$0x1E000] =	vst v63  }
0x230: {  	_ = 	snop  }
0x231: {  	[hbm4b:s3+s2] =	stream.linear.scatter [tilespmem:s16], [sflag:$0x3], $0x2000, $0x38;
	[tilespmem:$0x1E000] =	vst v63  }
0x232: {  	_ =	swait.ge [sflag:s30], $0x8000  }
0x233: {  	[sflag:s30] =	ssyncset.done $0x0  }
0x234: {  	[sflag:s30] =	ssyncadd.s32 $0xFFFF8000  }
0x235: {  	_ =	swait.ge [sflag:s30], $0x8000  }
0x236: {  	[sflag:s30] =	ssyncset.done $0x0  }
0x237: {  	[sflag:s30] =	ssyncadd.s32 $0xFFFF8000  }
0x238: {  	_ =	swait.ge [sflag:s30], $0x8000  }
0x239: {  	[sflag:s30] =	ssyncset.done $0x0  }
0x23a: {  	[sflag:s30] =	ssyncadd.s32 $0xFFFF8000  }
0x23b: {  	_ =	swait.ge [sflag:s30], $0x8000  }
0x23c: {  	s28 =	smov.u32 s19;
	[sflag:s30] =	ssyncset.done $0x0  }
0x23d: {  	s16 =	simm.s32 $0x2;
	s19 =	rddreg [dreg:$0x4];
	[sflag:s30] =	ssyncadd.s32 $0xFFFF8000  }
0x23e: {  	[tilespmem:s2], [sflag:$0x1] =	stream.linear.gather [hbm4b:s19+s2], $0xF000, $0x38;
	[tilespmem:$0x1E000] =	vst v63  }
0x23f: {  	_ =	swait.ge [sflag:s16], $0xF000  }
0x240: {  	s24 =	rddreg [dreg:$0x5];
	[sflag:s16] =	ssyncset.done $0x0  }
0x241: {  	s25 =	rddreg [dreg:$0x8];
	[sflag:s16] =	ssyncadd.s32 $0xFFFF1000  }
0x242: {  	[hbm4b:s21+s2] =	stream.linear.scatter [tilespmem:s24], [sflag:$0x4], $0x2000, $0x38;
	[tilespmem:$0x1E000] =	vst v63  }
0x243: {  	s26 =	sadd.s32 $0x400, s21;
	s31 =	rddreg [dreg:$0x9]  }
0x244: {  	[hbm4b:s26+s2] =	stream.linear.scatter [tilespmem:s25], [sflag:$0x4], $0x2000, $0x38;
	[tilespmem:$0x1E000] =	vst v63  }
0x245: {  	s0 =	smov.u32 s7;
	s7 =	sadd.s32 $0x800, s21;
	s19 =	rddreg [dreg:$0xa]  }
0x246: {  	[hbm4b:s7+s2] =	stream.linear.scatter [tilespmem:s31], [sflag:$0x4], $0x2000, $0x38;
	[tilespmem:$0x1E000] =	vst v63  }
0x247: {  	s3 =	smov.u32 s9;
	s9 =	rddreg [dreg:$0x19];
	s24 =	sadd.s32 $0xC00, s21  }
0x248: {  	[hbm4b:s24+s2] =	stream.linear.scatter [tilespmem:s19], [sflag:$0x4], $0x2000, $0x38;
	[tilespmem:$0x1E000] =	vst v63  }
0x249: {  	s31 =	sld [smem:$0x7F7]  }
0x24a: {  	[hbm4b:s20+s2] =	stream.linear.scatter [tilespmem:s9], [sflag:$0x4], $0x2000, $0x38;
	[tilespmem:$0x1E000] =	vst v63  }
0x24b: {  	s25 =	sadd.s32 $0x400, s20;
	s19 =	sld [smem:$0x7F8]  }
0x24c: {  	[hbm4b:s25+s2] =	stream.linear.scatter [tilespmem:s31], [sflag:$0x4], $0x2000, $0x38;
	[tilespmem:$0x1E000] =	vst v63  }
0x24d: {  	s26 =	sadd.s32 $0x800, s20  }
0x24e: {  	[hbm4b:s26+s2] =	stream.linear.scatter [tilespmem:s19], [sflag:$0x4], $0x2000, $0x38;
	[tilespmem:$0x1E000] =	vst v63  }
0x24f: {  	s26 =	sld [smem:$0x7F9];
	_ =	sdelay $0x1  }
0x250: {  	s7 =	sadd.s32 $0xC00, s20  }
0x251: {  	[hbm4b:s7+s2] =	stream.linear.scatter [tilespmem:s26], [sflag:$0x4], $0x2000, $0x38;
	[tilespmem:$0x1E000] =	vst v63  }
0x252: {  	s7 =	rddreg [dreg:$0x18]  }
0x253: {  	[hbm4b:s18+s2] =	stream.linear.scatter [tilespmem:s7], [sflag:$0x4], $0x2000, $0x38;
	[tilespmem:$0x1E000] =	vst v63  }
0x254: {  	s20 =	sadd.s32 $0x400, s18;
	s25 =	rddreg [dreg:$0x1f]  }
0x255: {  	[hbm4b:s20+s2] =	stream.linear.scatter [tilespmem:s25], [sflag:$0x4], $0x2000, $0x38;
	[tilespmem:$0x1E000] =	vst v63  }
0x256: {  	s21 =	sadd.s32 $0x800, s18;
	s24 =	rddreg [dreg:$0x1e]  }
0x257: {  	[hbm4b:s21+s2] =	stream.linear.scatter [tilespmem:s24], [sflag:$0x4], $0x2000, $0x38;
	[tilespmem:$0x1E000] =	vst v63  }
0x258: {  	s20 =	sadd.s32 $0xC00, s18;
	s21 =	rddreg [dreg:$0x1d]  }
0x259: {  	[hbm4b:s20+s2] =	stream.linear.scatter [tilespmem:s21], [sflag:$0x4], $0x2000, $0x38;
	[tilespmem:$0x1E000] =	vst v63  }
0x25a: {  	_ = 	snop  }
0x25b: {  	[hbm4b:s17+s2] =	stream.linear.scatter [tilespmem:s0], [sflag:$0x4], $0x2000, $0x38;
	[tilespmem:$0x1E000] =	vst v63  }
0x25c: {  	s18 =	sadd.s32 $0x400, s17;
	s20 =	rddreg [dreg:$0x1c]  }
0x25d: {  	[hbm4b:s18+s2] =	stream.linear.scatter [tilespmem:s20], [sflag:$0x4], $0x2000, $0x38;
	[tilespmem:$0x1E000] =	vst v63  }
0x25e: {  	s0 =	sadd.s32 $0x800, s17;
	s18 =	rddreg [dreg:$0x1b]  }
0x25f: {  	[hbm4b:s0+s2] =	stream.linear.scatter [tilespmem:s18], [sflag:$0x4], $0x2000, $0x38;
	[tilespmem:$0x1E000] =	vst v63  }
0x260: {  	s0 =	sadd.s32 $0xC00, s17;
	s17 =	rddreg [dreg:$0x1a]  }
0x261: {  	[hbm4b:s0+s2] =	stream.linear.scatter [tilespmem:s17], [sflag:$0x4], $0x2000, $0x38;
	[tilespmem:$0x1E000] =	vst v63  }
0x262: {  	_ =	swait.ge [sflag:s10], $0x8000  }
0x263: {  	[sflag:s10] =	ssyncset.done $0x0  }
0x264: {  	[sflag:s10] =	ssyncadd.s32 $0xFFFF8000  }
0x265: {  	_ =	swait.ge [sflag:s10], $0x8000  }
0x266: {  	[sflag:s10] =	ssyncset.done $0x0  }
0x267: {  	[sflag:s10] =	ssyncadd.s32 $0xFFFF8000  }
0x268: {  	_ =	swait.ge [sflag:s10], $0x8000  }
0x269: {  	[sflag:s10] =	ssyncset.done $0x0  }
0x26a: {  	[sflag:s10] =	ssyncadd.s32 $0xFFFF8000  }
0x26b: {  	_ =	swait.ge [sflag:s10], $0x8000  }
0x26c: {  	s13 =	smov.u32 s5;
	s5 =	simm.s32 $0x1;
	[sflag:s10] =	ssyncset.done $0x0  }
0x26d: {  	s0 =	simm.s32 $0xF000;
	s6 =	rddreg [dreg:$0x6];
	[sflag:s10] =	ssyncadd.s32 $0xFFFF8000  }
0x26e: {  	[tilespmem:s0], [sflag:$0x2] =	stream.linear.gather [hbm4b:s6+s2], $0xF000, $0x38;
	[tilespmem:$0x1E000] =	vst v63  }
0x26f: {  	_ =	swait.ge [sflag:s5], $0xF000  }
0x270: {  	s0 =	sld [smem:$0x7FA]  }
0x271: {  	[sflag:s5] =	ssyncset.done $0x0  }
0x272: {  	[sflag:s5] =	ssyncadd.s32 $0xFFFF1000  }
0x273: {  	[hbm4b:s0+s2] =	stream.linear.scatter [tilespmem:s12], [sflag:$0x3], $0x2000, $0x38;
	[tilespmem:$0x1E000] =	vst v63  }
0x274: {  	s12 =	sld [smem:$0x7FD];
	_ =	sdelay $0x1  }
0x275: {  	s6 =	smov.u32 s8;
	s8 =	sadd.s32 $0x400, s0  }
0x276: {  	[hbm4b:s8+s2] =	stream.linear.scatter [tilespmem:s12], [sflag:$0x3], $0x2000, $0x38;
	[tilespmem:$0x1E000] =	vst v63  }
0x277: {  	s8 =	sadd.s32 $0x800, s0  }
0x278: {  	[hbm4b:s8+s2] =	stream.linear.scatter [tilespmem:s3], [sflag:$0x3], $0x2000, $0x38;
	[tilespmem:$0x1E000] =	vst v63  }
0x279: {  	s0 =	sadd.s32 $0xC00, s0  }
0x27a: {  	[hbm4b:s0+s2] =	stream.linear.scatter [tilespmem:s11], [sflag:$0x3], $0x2000, $0x38;
	[tilespmem:$0x1E000] =	vst v63  }
0x27b: {  	s11 =	sld [smem:$0x7FB];
	_ =	sdelay $0x2  }
0x27c: {  	[hbm4b:s11+s2] =	stream.linear.scatter [tilespmem:s23], [sflag:$0x3], $0x2000, $0x38;
	[tilespmem:$0x1E000] =	vst v63  }
0x27d: {  	s12 =	sadd.s32 $0x400, s11  }
0x27e: {  	[hbm4b:s12+s2] =	stream.linear.scatter [tilespmem:s14], [sflag:$0x3], $0x2000, $0x38;
	[tilespmem:$0x1E000] =	vst v63  }
0x27f: {  	s14 =	sadd.s32 $0x800, s11  }
0x280: {  	[hbm4b:s14+s2] =	stream.linear.scatter [tilespmem:s15], [sflag:$0x3], $0x2000, $0x38;
	[tilespmem:$0x1E000] =	vst v63  }
0x281: {  	s3 =	sld [smem:$0x7FC];
	s23 =	sadd.s32 $0xC00, s11  }
0x282: {  	[hbm4b:s23+s2] =	stream.linear.scatter [tilespmem:s1], [sflag:$0x3], $0x2000, $0x38;
	[tilespmem:$0x1E000] =	vst v63  }
0x283: {  	_ = 	snop  }
0x284: {  	[hbm4b:s3+s2] =	stream.linear.scatter [tilespmem:s4], [sflag:$0x3], $0x2000, $0x38;
	[tilespmem:$0x1E000] =	vst v63  }
0x285: {  	s4 =	sadd.s32 $0x400, s3  }
0x286: {  	[hbm4b:s4+s2] =	stream.linear.scatter [tilespmem:s28], [sflag:$0x3], $0x2000, $0x38;
	[tilespmem:$0x1E000] =	vst v63  }
0x287: {  	s5 =	sadd.s32 $0x800, s3  }
0x288: {  	[hbm4b:s5+s2] =	stream.linear.scatter [tilespmem:s13], [sflag:$0x3], $0x2000, $0x38;
	[tilespmem:$0x1E000] =	vst v63  }
0x289: {  	s8 =	sadd.s32 $0xC00, s3;
	s11 =	rddreg [dreg:$0x15]  }
0x28a: {  	[hbm4b:s8+s2] =	stream.linear.scatter [tilespmem:s29], [sflag:$0x3], $0x2000, $0x38;
	[tilespmem:$0x1E000] =	vst v63  }
0x28b: {  	s12 =	rddreg [dreg:$0x16]  }
0x28c: {  	[hbm4b:s11+s2] =	stream.linear.scatter [tilespmem:s12], [sflag:$0x3], $0x2000, $0x38;
	[tilespmem:$0x1E000] =	vst v63  }
0x28d: {  	s13 =	sadd.s32 $0x400, s11  }
0x28e: {  	[hbm4b:s13+s2] =	stream.linear.scatter [tilespmem:s22], [sflag:$0x3], $0x2000, $0x38;
	[tilespmem:$0x1E000] =	vst v63  }
0x28f: {  	s14 =	sadd.s32 $0x800, s11;
	s22 =	sld [smem:$0x7F6]  }
0x290: {  	[hbm4b:s14+s2] =	stream.linear.scatter [tilespmem:s6], [sflag:$0x3], $0x2000, $0x38;
	[tilespmem:$0x1E000] =	vst v63  }
0x291: {  	s15 =	sadd.s32 $0xC00, s11  }
0x292: {  	[hbm4b:s15+s2] =	stream.linear.scatter [tilespmem:s22], [sflag:$0x3], $0x2000, $0x38;
	[tilespmem:$0x1E000] =	vst v63  }
0x293: {  	_ =	swait.ge [sflag:s16], $0xF000  }
0x294: {  	s23 =	rddreg [dreg:$0x7];
	[sflag:s16] =	ssyncset.done $0x0  }
0x295: {  	s29 =	rddreg [dreg:$0xe];
	[sflag:s16] =	ssyncadd.s32 $0xFFFF1000  }
0x296: {  	[hbm4b:s29+s2] =	stream.linear.scatter [tilespmem:s23], [sflag:$0x4], $0x2000, $0x38;
	[tilespmem:$0x1E000] =	vst v63  }
0x297: {  	s28 =	rddreg [dreg:$0xb];
	s3 =	sadd.s32 $0x400, s29  }
0x298: {  	[hbm4b:s3+s2] =	stream.linear.scatter [tilespmem:s28], [sflag:$0x4], $0x2000, $0x38;
	[tilespmem:$0x1E000] =	vst v63  }
0x299: {  	s5 =	rddreg [dreg:$0xc];
	s6 =	sadd.s32 $0x800, s29  }
0x29a: {  	[hbm4b:s6+s2] =	stream.linear.scatter [tilespmem:s5], [sflag:$0x4], $0x2000, $0x38;
	[tilespmem:$0x1E000] =	vst v63  }
0x29b: {  	s8 =	rddreg [dreg:$0xd];
	s11 =	sadd.s32 $0xC00, s29  }
0x29c: {  	[hbm4b:s11+s2] =	stream.linear.scatter [tilespmem:s8], [sflag:$0x4], $0x2000, $0x38;
	[tilespmem:$0x1E000] =	vst v63  }
0x29d: {  	s12 =	rddreg [dreg:$0x14]  }
0x29e: {  	[hbm4b:s12+s2] =	stream.linear.scatter [tilespmem:s9], [sflag:$0x4], $0x2000, $0x38;
	[tilespmem:$0x1E000] =	vst v63  }
0x29f: {  	s13 =	sadd.s32 $0x400, s12  }
0x2a0: {  	[hbm4b:s13+s2] =	stream.linear.scatter [tilespmem:s31], [sflag:$0x4], $0x2000, $0x38;
	[tilespmem:$0x1E000] =	vst v63  }
0x2a1: {  	s14 =	sadd.s32 $0x800, s12  }
0x2a2: {  	[hbm4b:s14+s2] =	stream.linear.scatter [tilespmem:s19], [sflag:$0x4], $0x2000, $0x38;
	[tilespmem:$0x1E000] =	vst v63  }
0x2a3: {  	s15 =	sadd.s32 $0xC00, s12  }
0x2a4: {  	[hbm4b:s15+s2] =	stream.linear.scatter [tilespmem:s26], [sflag:$0x4], $0x2000, $0x38;
	[tilespmem:$0x1E000] =	vst v63  }
0x2a5: {  	s16 =	rddreg [dreg:$0x13]  }
0x2a6: {  	[hbm4b:s16+s2] =	stream.linear.scatter [tilespmem:s7], [sflag:$0x4], $0x2000, $0x38;
	[tilespmem:$0x1E000] =	vst v63  }
0x2a7: {  	s19 =	sadd.s32 $0x400, s16  }
0x2a8: {  	[hbm4b:s19+s2] =	stream.linear.scatter [tilespmem:s25], [sflag:$0x4], $0x2000, $0x38;
	[tilespmem:$0x1E000] =	vst v63  }
0x2a9: {  	s22 =	sadd.s32 $0x800, s16  }
0x2aa: {  	[hbm4b:s22+s2] =	stream.linear.scatter [tilespmem:s24], [sflag:$0x4], $0x2000, $0x38;
	[tilespmem:$0x1E000] =	vst v63  }
0x2ab: {  	s23 =	sadd.s32 $0xC00, s16;
	s25 =	rddreg [dreg:$0xf]  }
0x2ac: {  	[hbm4b:s23+s2] =	stream.linear.scatter [tilespmem:s21], [sflag:$0x4], $0x2000, $0x38;
	[tilespmem:$0x1E000] =	vst v63  }
0x2ad: {  	s24 =	rddreg [dreg:$0x11]  }
0x2ae: {  	[hbm4b:s24+s2] =	stream.linear.scatter [tilespmem:s25], [sflag:$0x4], $0x2000, $0x38;
	[tilespmem:$0x1E000] =	vst v63  }
0x2af: {  	s26 =	sadd.s32 $0x400, s24  }
0x2b0: {  	[hbm4b:s26+s2] =	stream.linear.scatter [tilespmem:s20], [sflag:$0x4], $0x2000, $0x38;
	[tilespmem:$0x1E000] =	vst v63  }
0x2b1: {  	s28 =	sadd.s32 $0x800, s24  }
0x2b2: {  	[hbm4b:s28+s2] =	stream.linear.scatter [tilespmem:s18], [sflag:$0x4], $0x2000, $0x38;
	[tilespmem:$0x1E000] =	vst v63  }
0x2b3: {  	s29 =	sadd.s32 $0xC00, s24  }
0x2b4: {  	[hbm4b:s29+s2] =	stream.linear.scatter [tilespmem:s17], [sflag:$0x4], $0x2000, $0x38;
	[tilespmem:$0x1E000] =	vst v63  }
0x2b5: {  	_ =	swait.ge [sflag:s30], $0x8000  }
0x2b6: {  	[sflag:s30] =	ssyncset.done $0x0  }
0x2b7: {  	[sflag:s30] =	ssyncadd.s32 $0xFFFF8000  }
0x2b8: {  	_ =	swait.ge [sflag:s30], $0x8000  }
0x2b9: {  	[sflag:s30] =	ssyncset.done $0x0  }
0x2ba: {  	[sflag:s30] =	ssyncadd.s32 $0xFFFF8000  }
0x2bb: {  	_ =	swait.ge [sflag:s30], $0x8000  }
0x2bc: {  	[sflag:s30] =	ssyncset.done $0x0  }
0x2bd: {  	[sflag:s30] =	ssyncadd.s32 $0xFFFF8000  }
0x2be: {  	_ =	swait.ge [sflag:s30], $0x8000  }
0x2bf: {  	[sflag:s30] =	ssyncset.done $0x0  }
0x2c0: {  	[sflag:s30] =	ssyncadd.s32 $0xFFFF8000  }
0x2c1: {  	_ =	swait.ge [sflag:s10], $0x8000  }
0x2c2: {  	[sflag:s10] =	ssyncset.done $0x0  }
0x2c3: {  	[sflag:s10] =	ssyncadd.s32 $0xFFFF8000  }
0x2c4: {  	_ =	swait.ge [sflag:s10], $0x8000  }
0x2c5: {  	[sflag:s10] =	ssyncset.done $0x0  }
0x2c6: {  	[sflag:s10] =	ssyncadd.s32 $0xFFFF8000  }
0x2c7: {  	_ =	swait.ge [sflag:s10], $0x8000  }
0x2c8: {  	[sflag:s10] =	ssyncset.done $0x0  }
0x2c9: {  	[sflag:s10] =	ssyncadd.s32 $0xFFFF8000  }
0x2ca: {  	_ =	swait.ge [sflag:s10], $0x8000  }
0x2cb: {  	[sflag:s10] =	ssyncset.done $0x0  }
0x2cc: {  	[sflag:s10] =	ssyncadd.s32 $0xFFFF8000  }
0x2cd: {  	_ =	sfence.sel $0x180000  }
0x2ce: {  	[bflag:$0x0] =	sbarrier.arrive $0xFFFF  }
0x2cf: {  	_ =	strace $0x90000047  }
0x2d0: {  	s31 =	stileid.u32;
	[bflag:$0x2] =	sbarrier.arrive $0xFFFF  }
0x2d1: {  	p0 =	sne.s32 s31, $0x0;
	s0 =	rddreg [dreg:$0x2]  }
0x2d2: {  	s0 =	sadd.s32 @!p0 $0x100000, s0  }
0x2d3: {  	[sflag:s0] =	ssyncadd.tile.s32 @!p0 $0x1;
	_ =	shalt  }
.LBB2_6:
0x2d4: {  	s9 =	sld [smem:$0x7E8]  }
0x2d5: {  	s22 =	sld [smem:$0x7FD]  }
0x2d6: {  	s17 =	sld [smem:$0x7D1]  }
0x2d7: {  	s18 =	sld [smem:$0x7CA]  }
0x2d8: {  	s12 =	sld [smem:$0x7CF]  }
0x2d9: {  	s20 =	sld [smem:$0x7C6]  }
.Ltmp3:
0x2da: {  	s21 =	sld [smem:$0x7C4];
	(pc) =	sbr.rel .LBB2_5-.Ltmp3, $4  }
0x2db: {  	s16 =	sld [smem:$0x7CB]  }
0x2dc: {  	s25 =	sld [smem:$0x7BD]  }
0x2dd: {  	s13 =	sld [smem:$0x7CD]  }
0x2de: {  	s3 =	simm.s32 $0x1;
	s1 =	simm.s32 $0xF000;
	s24 =	sld [smem:$0x7B9]  }
.Lfunc_end2:
_tile_overlayer_lowered:
.L_overlay_start_2:
0x2df: {  	(tag) =	ssettag $0x2  }
0x2e0: {  	s0 =	rddreg [dreg:$0x0];
	s2 =	stileid.u32  }
0x2e1: {  	s1 =	rddreg [dreg:$0x1];
	p0 =	sne.s32 s2, $0x0  }
0x2e2: {  	s3 =	rddreg [dreg:$0x2];
	[bflag:$0x3] =	sbarrier.arrive $0xFFFF;
	s2 =	simm.s32 @!p0 $0x1C05  }
0x2e3: {  	[timem:s3], [sflag:s2] =	dma.local @!p0 [hbm:s0], s1  }
0x2e4: {  	s0 =	simm.s32 @!p0 $0x5  }
0x2e5: {  	_ =	swait.ge @!p0 [sflag:s0], s1  }
0x2e6: {  	s1 =	ssub.s32 @!p0 $0x0, s1;
	[sflag:s0] =	ssyncset.done @!p0 $0x0  }
0x2e7: {  	[sflag:s0] =	ssyncadd.s32 @!p0 s1  }
0x2e8: {  	[bflag:$0x3] =	sbarrier.arrive $0xFFFF  }
0x2e9: {  	_ =	shalt  }

</sc_bundles>
